<compile_context>
chip_gen: v7x
topology: tpu7x:2x2x1
jax: 0.10.2.dev20260603
libtpu: 0.0.44.dev20260713+nightly
codegen_flags: <defaults>
</compile_context>

<pallas_src>
import functools

import jax
import jax.numpy as jnp
from jax import lax
from jax.experimental import pallas as pl
from jax.experimental.pallas import tpu as pltpu
from jax.experimental.pallas import tpu_sc as plsc

NC = 2
NS = 16
NW = NC * NS
CHUNK = 128
NSPLIT = 2

_HI = jax.lax.Precision.DEFAULT


def _ln(t, g, b, eps=1e-5):
    m = jnp.mean(t, axis=-1, keepdims=True)
    c = t - m
    v = jnp.mean(c * c, axis=-1, keepdims=True)
    return c * lax.rsqrt(v + eps) * g + b


def _pk_body(x_ref, w_ref, o_ref):
    o_ref[...] = jnp.dot(x_ref[...], w_ref[...], precision=_HI)


def _stage_a(x_h, w1a, blk):
    n, d = x_h.shape
    return pl.pallas_call(
        _pk_body,
        grid=(n // blk,),
        in_specs=[
            pl.BlockSpec((blk, d), lambda i: (i, 0)),
            pl.BlockSpec((d, d), lambda i: (0, 0)),
        ],
        out_specs=pl.BlockSpec((blk, d), lambda i: (i, 0)),
        out_shape=jax.ShapeDtypeStruct((n, d), jnp.float32),
    )(x_h, w1a)


def _gather_body(nfull, rem, p_hbm, row3_hbm, g_hbm, idx_v, buf0, buf1,
                 sem0, sem1, osem0, osem1):
    d = p_hbm.shape[1]
    w = lax.axis_index("c") * NS + lax.axis_index("s")
    n = nfull + jnp.where(w < rem, 1, 0)
    pltpu.sync_copy(row3_hbm.at[w], idx_v)

    bufs = (buf0, buf1)
    sems = (sem0, sem1)
    osems = (osem0, osem1)

    def out_slice(i):
        cid = w + NW * i
        return g_hbm.at[pl.ds(cid * CHUNK, CHUNK)]

    def start(i, b):
        @pl.when(i >= 2)
        def _():
            pltpu.make_async_copy(bufs[b], out_slice(i - 2), osems[b]).wait()

        pltpu.async_copy(p_hbm.at[idx_v.at[i]], bufs[b], sems[b])

    def finish(i, b):
        pltpu.make_async_copy(p_hbm.at[idx_v.at[i]], bufs[b], sems[b]).wait()
        pltpu.async_copy(bufs[b], out_slice(i), osems[b])

    def drain(b):
        ib = n - 1 - ((n - 1 - b) % 2)

        @pl.when(ib >= 0)
        def _():
            pltpu.make_async_copy(bufs[b], out_slice(ib), osems[b]).wait()

    pltpu.async_copy(p_hbm.at[idx_v.at[0]], bufs[0], sems[0])

    def pair(t, carry):
        i0 = 2 * t
        i1 = i0 + 1

        @pl.when(i1 < n)
        def _():
            start(i1, 1)

        @pl.when(i0 < n)
        def _():
            finish(i0, 0)

        @pl.when(i1 < n)
        def _():
            @pl.when(i1 + 1 < n)
            def _():
                start(i1 + 1, 0)

            finish(i1, 1)

        return carry

    nt = (nfull + 2) // 2
    lax.fori_loop(0, nt, pair, 0, unroll=False)
    drain(0)
    drain(1)


def _stage_b(p, row3, e, nfull, rem):
    d = p.shape[1]
    cw = row3.shape[1]
    gk = pl.kernel(
        functools.partial(_gather_body, nfull, rem),
        out_type=[jax.ShapeDtypeStruct((e, d), jnp.float32)],
        mesh=plsc.VectorSubcoreMesh(
            core_axis_name="c", subcore_axis_name="s", num_cores=NC, num_subcores=NS
        ),
        scratch_types=[
            pltpu.VMEM((cw, CHUNK), jnp.int32),
            pltpu.VMEM((CHUNK, d), jnp.float32),
            pltpu.VMEM((CHUNK, d), jnp.float32),
            pltpu.SemaphoreType.DMA,
            pltpu.SemaphoreType.DMA,
            pltpu.SemaphoreType.DMA,
            pltpu.SemaphoreType.DMA,
        ],
    )
    return gk(p, row3)[0]


def _edge_body(g_ref, ea_ref, w_ref, b_ref, g1_ref, be1_ref, o_ref):
    q = jnp.dot(ea_ref[...].astype(jnp.bfloat16), w_ref[...],
                preferred_element_type=jnp.float32)
    t = g_ref[...] + q + b_ref[...]
    t = jnp.maximum(t, 0.0)
    m = jnp.mean(t, axis=-1, keepdims=True)
    ms = jnp.mean(t * t, axis=-1, keepdims=True)
    r = lax.rsqrt(jnp.maximum(ms - m * m, 0.0) + 1e-5)
    o_ref[...] = (t - m) * (r * g1_ref[...]) + be1_ref[...]


def _stage_c(g, ea, w1b, b1, g1, be1, blk, off=0):
    e, d = g.shape
    ob = off // blk
    return pl.pallas_call(
        _edge_body,
        grid=(e // blk,),
        in_specs=[
            pl.BlockSpec((blk, d), lambda i: (i, 0)),
            pl.BlockSpec((blk, d), lambda i: (ob + i, 0)),
            pl.BlockSpec((d, d), lambda i: (0, 0)),
            pl.BlockSpec((1, d), lambda i: (0, 0)),
            pl.BlockSpec((1, d), lambda i: (0, 0)),
            pl.BlockSpec((1, d), lambda i: (0, 0)),
        ],
        out_specs=pl.BlockSpec((blk, d), lambda i: (i, 0)),
        out_shape=jax.ShapeDtypeStruct((e, d), jnp.float32),
    )(g, ea, w1b, b1, g1, be1)


def _mk_idx(idx_flat, chunks):
    nfull, rem = divmod(chunks, NW)
    cw = nfull + (1 if rem else 0)
    pad = NW * cw - chunks
    ipad = jnp.concatenate([idx_flat, jnp.zeros((pad * CHUNK,), jnp.int32)])
    return ipad.reshape(cw, NW, CHUNK).transpose(1, 0, 2), nfull, rem


def _scatter_body(nfull, rem, n_pad, h_hbm, col4_hbm, zer_hbm, out_hbm,
                  cnt_hbm, ibuf0, ibuf1, buf0, buf1, cnt_v, acc, sem0, sem1,
                  ssem0, ssem1):
    d = h_hbm.shape[1]
    c = lax.axis_index("c")
    s = lax.axis_index("s")
    w = c * NS + s
    n = nfull + jnp.where(w < rem, 1, 0)
    rows_per = n_pad // NS

    pltpu.sync_copy(zer_hbm.at[pl.ds(s * rows_per, rows_per)],
                    acc.at[pl.ds(s * rows_per, rows_per)])

    z16 = jnp.zeros((16,), jnp.float32)

    def zb(i, carry):
        cnt_v[pl.ds(i * 16, 16)] = z16
        return carry

    lax.fori_loop(0, n_pad // 16, zb, 0, unroll=False)
    plsc.subcore_barrier()

    bufs = (buf0, buf1)
    ibufs = (ibuf0, ibuf1)
    sems = (sem0, sem1)
    ssems = (ssem0, ssem1)
    one16 = jnp.ones((16,), jnp.float32)

    def start(i, b):
        @pl.when(i >= 2)
        def _():
            pltpu.make_async_copy(bufs[b], acc.at[ibufs[b].at[0]],
                                  ssems[b]).wait()

        cid = w + NW * i
        pltpu.async_copy(col4_hbm.at[cid], ibufs[b], sems[b])
        pltpu.async_copy(h_hbm.at[pl.ds(cid * CHUNK, CHUNK)], bufs[b], sems[b])

    def finish(i, b):
        cid = w + NW * i
        pltpu.make_async_copy(col4_hbm.at[cid], ibufs[b], sems[b]).wait()
        pltpu.make_async_copy(
            h_hbm.at[pl.ds(cid * CHUNK, CHUNK)], bufs[b], sems[b]
        ).wait()
        pltpu.async_copy(bufs[b], acc.at[ibufs[b].at[0]], ssems[b], add=True)
        for k in range(CHUNK // 16):
            iv = ibufs[b][0, pl.ds(k * 16, 16)]
            plsc.addupdate_scatter(cnt_v, [iv], one16)

    def drain(b):
        ib = n - 1 - ((n - 1 - b) % 2)

        @pl.when(ib >= 0)
        def _():
            pltpu.make_async_copy(bufs[b], acc.at[ibufs[b].at[0]],
                                  ssems[b]).wait()

    cid0 = w
    pltpu.async_copy(col4_hbm.at[cid0], ibufs[0], sems[0])
    pltpu.async_copy(h_hbm.at[pl.ds(cid0 * CHUNK, CHUNK)], bufs[0], sems[0])

    def pair(t, carry):
        i0 = 2 * t
        i1 = i0 + 1

        @pl.when(i1 < n)
        def _():
            start(i1, 1)

        @pl.when(i0 < n)
        def _():
            finish(i0, 0)

        @pl.when(i1 < n)
        def _():
            @pl.when(i1 + 1 < n)
            def _():
                start(i1 + 1, 0)

            finish(i1, 1)

        return carry

    nt = (nfull + 2) // 2
    lax.fori_loop(0, nt, pair, 0, unroll=False)
    drain(0)
    drain(1)

    plsc.subcore_barrier()
    pltpu.sync_copy(acc.at[pl.ds(s * rows_per, rows_per)],
                    out_hbm.at[c, pl.ds(s * rows_per, rows_per)])
    pltpu.sync_copy(cnt_v, cnt_hbm.at[c, s])


def _stage_d(h, col4, n_nodes, nfull, rem):
    d = h.shape[1]
    n_pad = ((n_nodes + 8 * NS - 1) // (8 * NS)) * 8 * NS
    sk = pl.kernel(
        functools.partial(_scatter_body, nfull, rem, n_pad),
        out_type=[
            jax.ShapeDtypeStruct((NC, n_pad, d), jnp.float32),
            jax.ShapeDtypeStruct((NC, NS, n_pad), jnp.float32),
        ],
        mesh=plsc.VectorSubcoreMesh(
            core_axis_name="c", subcore_axis_name="s", num_cores=NC, num_subcores=NS
        ),
        scratch_types=[
            pltpu.VMEM((1, CHUNK), jnp.int32),
            pltpu.VMEM((1, CHUNK), jnp.int32),
            pltpu.VMEM((CHUNK, d), jnp.float32),
            pltpu.VMEM((CHUNK, d), jnp.float32),
            pltpu.VMEM((n_pad,), jnp.float32),
            pltpu.VMEM_SHARED((n_pad, d), jnp.float32),
            pltpu.SemaphoreType.DMA,
            pltpu.SemaphoreType.DMA,
            pltpu.SemaphoreType.DMA,
            pltpu.SemaphoreType.DMA,
        ],
        compiler_params=pltpu.CompilerParams(needs_layout_passes=False),
    )
    zeros = jnp.zeros((n_pad, d), jnp.float32)
    return sk(h, col4, zeros)


def _node_body(nparts, *refs):
    parts_refs = refs[:nparts]
    (cnt_ref, x_ref, bat_ref, u_ref, w2a_ref, w2b_ref, w2c_ref, b2_ref,
     g2_ref, be2_ref, w3_ref, b3_ref, g3_ref, be3_ref, o_ref) = refs[nparts:]
    blk, d = x_ref.shape
    nb = u_ref.shape[1]
    seg = parts_refs[0][0] + parts_refs[0][1]
    for pr in parts_refs[1:]:
        seg = seg + pr[0] + pr[1]
    cnt = jnp.sum(cnt_ref[...], axis=1, keepdims=True)
    agg = seg / jnp.maximum(cnt, 1.0)
    x = x_ref[...]
    oh = (lax.broadcasted_iota(jnp.int32, (blk, nb), 1) == bat_ref[...]).astype(
        jnp.float32
    )
    ub = jnp.sum(oh * u_ref[...], axis=1, keepdims=True)
    t = (
        jnp.dot(x, w2a_ref[...], precision=_HI)
        + jnp.dot(agg, w2b_ref[...], precision=_HI)
        + ub * w2c_ref[...]
        + b2_ref[...]
    )
    t = jnp.maximum(t, 0.0)
    y = _ln(t, g2_ref[...], be2_ref[...])
    y = jnp.dot(y, w3_ref[...], precision=_HI) + b3_ref[...]
    o_ref[...] = _ln(y, g3_ref[...], be3_ref[...]) + x


def _stage_e(parts_list, cnt_t, x_h, bat2, u_row, w2a, w2b, w2c, b2, g2, be2,
             w3, b3, g3, be3, blk):
    n, d = x_h.shape
    nw = cnt_t.shape[1]
    nb = u_row.shape[1]
    nparts = len(parts_list)
    full = lambda i: (0, 0)
    return pl.pallas_call(
        functools.partial(_node_body, nparts),
        grid=(n // blk,),
        in_specs=[
            pl.BlockSpec((NC, blk, d), lambda i: (0, i, 0))
            for _ in range(nparts)
        ] + [
            pl.BlockSpec((blk, nw), lambda i: (i, 0)),
            pl.BlockSpec((blk, d), lambda i: (i, 0)),
            pl.BlockSpec((blk, 1), lambda i: (i, 0)),
            pl.BlockSpec((1, nb), full),
            pl.BlockSpec((d, d), full),
            pl.BlockSpec((d, d), full),
            pl.BlockSpec((1, d), full),
            pl.BlockSpec((1, d), full),
            pl.BlockSpec((1, d), full),
            pl.BlockSpec((1, d), full),
            pl.BlockSpec((d, d), full),
            pl.BlockSpec((1, d), full),
            pl.BlockSpec((1, d), full),
            pl.BlockSpec((1, d), full),
        ],
        out_specs=pl.BlockSpec((blk, d), lambda i: (i, 0)),
        out_shape=jax.ShapeDtypeStruct((n, d), jnp.float32),
    )(*parts_list, cnt_t, x_h, bat2, u_row, w2a, w2b, w2c, b2, g2, be2, w3,
      b3, g3, be3)


def kernel(x_h, edge_index, edge_attr_h, u, batch,
           W1, b1, g1, be1, W2, b2, g2, be2, W3, b3, g3, be3):
    n, d = x_h.shape
    e = edge_index.shape[1]
    nb = u.shape[0]

    row = edge_index[0]
    col = edge_index[1]

    w1a, w1b = W1[:d], W1[d:]
    w2a, w2b, w2c = W2[:d], W2[d:2 * d], W2[2 * d:2 * d + 1]
    r = lambda v: v.reshape(1, d)

    p = _stage_a(x_h, w1a, 2000)

    nsplit = NSPLIT
    eh = e // nsplit
    parts_list, cnts_list = [], []
    for si in range(nsplit):
        a = si * eh
        row3, nfull, rem = _mk_idx(lax.dynamic_slice(row, (a,), (eh,)), eh // CHUNK)
        col4 = lax.dynamic_slice(col, (a,), (eh,)).reshape(eh // CHUNK, 1, CHUNK)
        g = _stage_b(p, row3, eh, nfull, rem)
        h = _stage_c(g, edge_attr_h, w1b.astype(jnp.bfloat16), r(b1), r(g1),
                     r(be1), 2000, off=a)
        parts, cnts = _stage_d(h, col4, n, nfull, rem)
        parts_list.append(parts)
        cnts_list.append(cnts)

    cnt_t = jnp.concatenate([c.reshape(NW, -1) for c in cnts_list], axis=0).T
    out = _stage_e(parts_list, cnt_t, x_h, batch.reshape(n, 1),
                   u.reshape(1, nb), w2a, w2b, w2c, r(b2), r(g2), r(be2), W3,
                   r(b3), r(g3), r(be3), 2000)
    return out

# --- scband reference (transcript-rebuilt; emitter-appended) ---
"""Pipeline reference for scband-node-model-28518582846165 (READ-ONLY COPY).

The authoritative reference and input builder live on the scoring server;
editing this copy changes nothing except your own understanding.
"""

import jax, jax.numpy as jnp
import numpy as np

N_NODES = 10000
N_EDGES = 320000
D = 128
B = 4


def layer_norm(x, g, b, eps=1e-5):
    m = jnp.mean(x, axis=-1, keepdims=True)
    v = jnp.var(x, axis=-1, keepdims=True)
    return (x - m) / jnp.sqrt(v + eps) * g + b


def setup_inputs(seed: int = 0) -> dict:
    key = jax.random.key(seed)
    ks = jax.random.split(key, 20)
    x_h = jax.random.normal(ks[0], (N_NODES, D), dtype=jnp.float32)
    edge_index = jax.random.randint(ks[1], (2, N_EDGES), 0, N_NODES, dtype=jnp.int32)
    edge_attr_h = jax.random.normal(ks[2], (N_EDGES, D), dtype=jnp.float32)
    u = jax.random.normal(ks[3], (B, 1), dtype=jnp.float32)
    batch = jnp.sort(jax.random.randint(ks[4], (N_NODES,), 0, B, dtype=jnp.int32))
    # parameters (PyTorch Linear stored as [in, out] so forward is x @ W + b)
    W1 = jax.random.normal(ks[5], (2 * D, D), dtype=jnp.float32) * (1.0 / np.sqrt(2 * D))
    b1 = jnp.zeros((D,), dtype=jnp.float32)
    g1 = jnp.ones((D,), dtype=jnp.float32)
    be1 = jnp.zeros((D,), dtype=jnp.float32)
    W2 = jax.random.normal(ks[6], (2 * D + 1, D), dtype=jnp.float32) * (1.0 / np.sqrt(2 * D + 1))
    b2 = jnp.zeros((D,), dtype=jnp.float32)
    g2 = jnp.ones((D,), dtype=jnp.float32)
    be2 = jnp.zeros((D,), dtype=jnp.float32)
    W3 = jax.random.normal(ks[7], (D, D), dtype=jnp.float32) * (1.0 / np.sqrt(D))
    b3 = jnp.zeros((D,), dtype=jnp.float32)
    g3 = jnp.ones((D,), dtype=jnp.float32)
    be3 = jnp.zeros((D,), dtype=jnp.float32)
    return {"x_h": x_h, "edge_index": edge_index, "edge_attr_h": edge_attr_h, "u": u, "batch": batch,
            "W1": W1, "b1": b1, "g1": g1, "be1": be1,
            "W2": W2, "b2": b2, "g2": g2, "be2": be2,
            "W3": W3, "b3": b3, "g3": g3, "be3": be3}


def reference(x_h, edge_index, edge_attr_h, u, batch,
              W1, b1, g1, be1, W2, b2, g2, be2, W3, b3, g3, be3):
    row = edge_index[0]
    col = edge_index[1]
    n = x_h.shape[0]
    out = jnp.concatenate([jnp.take(x_h, row, axis=0), edge_attr_h], axis=1)
    out = layer_norm(jax.nn.relu(out @ W1 + b1), g1, be1)
    seg_sum = jax.ops.segment_sum(out, col, num_segments=n)
    cnt = jax.ops.segment_sum(jnp.ones((col.shape[0], 1), dtype=out.dtype), col, num_segments=n)
    out = seg_sum / jnp.maximum(cnt, 1.0)
    out = jnp.concatenate([x_h, out, jnp.take(u, batch, axis=0)], axis=1)
    out = layer_norm(jax.nn.relu(out @ W2 + b2), g2, be2)
    out = layer_norm(out @ W3 + b3, g3, be3)
    out = out + x_h
    return out

if __name__ == "__main__":
    import jax
    _d = setup_inputs()
    print(jax.jit(kernel)(*tuple(_d.values())))

</pallas_src>

<mosaic_0001>
#map = affine_map<(d0, d1) -> (0, 0)>
#map1 = affine_map<(d0, d1) -> (0, 0, 0)>
module attributes {stable_mosaic.version = 14 : i64} {
  func.func @_gather_body(%arg0: i32, %arg1: i32, %arg2: memref<10000x128xf32, #tpu.memory_space<hbm>>, %arg3: memref<32x40x128xi32, #tpu.memory_space<hbm>>, %arg4: memref<160000x128xf32, #tpu.memory_space<hbm>>, %arg5: memref<40x128xi32, #tpu.memory_space<vmem>>, %arg6: memref<128x128xf32, #tpu.memory_space<vmem>>, %arg7: memref<128x128xf32, #tpu.memory_space<vmem>>, %arg8: memref<!tpu.dma_semaphore, #tpu.memory_space<semaphore_mem>>, %arg9: memref<!tpu.dma_semaphore, #tpu.memory_space<semaphore_mem>>, %arg10: memref<!tpu.dma_semaphore, #tpu.memory_space<semaphore_mem>>, %arg11: memref<!tpu.dma_semaphore, #tpu.memory_space<semaphore_mem>>) attributes {dimension_semantics = [#tpu.dimension_semantics<core_parallel>, #tpu.dimension_semantics<subcore_parallel>], iteration_bounds = array<i64: 2, 16>, scalar_prefetch = 0 : i64, scratch_operands = 7 : i64, tpu.core_type = #tpu.core_type<sc_vector_subcore>, window_params = [{transform_indices = #map}, {transform_indices = #map1}, {transform_indices = #map}]} {
    %mul3A = arith.constant 16 : i32
    %mul3A_0 = arith.muli %arg0, %mul3A : i32
    %add3A = arith.addi %mul3A_0, %arg1 : i32
    %lt3A = arith.constant 2 : i32
    %lt3A_1 = arith.cmpi slt, %add3A, %lt3A : i32
    %jit3A = arith.constant 1 : i32
    %jit3A_2 = arith.constant 0 : i32
    %select_n3A = arith.select %lt3A_1, %jit3A, %jit3A_2 : i32
    %add3A_3 = arith.constant 39 : i32
    %add3A_4 = arith.addi %add3A_3, %select_n3A : i32
    "tpu.region"() ({
      %run_scoped3A = tpu.sem_alloc : memref<!tpu.dma_semaphore, #tpu.memory_space<semaphore_mem>>
      %dma_start3A_64 = arith.constant 0 : i32
      %dma_start3A_65 = arith.constant 0 : i32
      %dma_start3A_66 = tpu.memref_slice %arg3[%add3A, %dma_start3A_64, %dma_start3A_65] : memref<32x40x128xi32, #tpu.memory_space<hbm>> -> memref<1x40x128xi32, #tpu.memory_space<hbm>>
      %dma_start3A_67 = tpu.memref_squeeze %dma_start3A_66 : memref<1x40x128xi32, #tpu.memory_space<hbm>> -> memref<40x128xi32, #tpu.memory_space<hbm>>
      %dma_start3A_68 = arith.constant 0 : i32
      %dma_start3A_69 = arith.constant 0 : i32
      %dma_start3A_70 = tpu.memref_slice %arg3[%add3A, %dma_start3A_68, %dma_start3A_69] : memref<32x40x128xi32, #tpu.memory_space<hbm>> -> memref<1x40x128xi32, #tpu.memory_space<hbm>>
      %dma_start3A_71 = tpu.memref_squeeze %dma_start3A_70 : memref<1x40x128xi32, #tpu.memory_space<hbm>> -> memref<40x128xi32, #tpu.memory_space<hbm>>
      tpu.enqueue_dma source(%dma_start3A_71 : memref<40x128xi32, #tpu.memory_space<hbm>>) target(%arg5 : memref<40x128xi32, #tpu.memory_space<vmem>>) target_semaphore(%run_scoped3A : memref<!tpu.dma_semaphore, #tpu.memory_space<semaphore_mem>>)
      %dma_wait3A = arith.constant 0 : i32
      %dma_wait3A_72 = arith.constant 0 : i32
      %dma_wait3A_73 = tpu.memref_slice %arg3[%add3A, %dma_wait3A, %dma_wait3A_72] : memref<32x40x128xi32, #tpu.memory_space<hbm>> -> memref<1x40x128xi32, #tpu.memory_space<hbm>>
      %dma_wait3A_74 = tpu.memref_squeeze %dma_wait3A_73 : memref<1x40x128xi32, #tpu.memory_space<hbm>> -> memref<40x128xi32, #tpu.memory_space<hbm>>
      %dma_wait3A_75 = arith.constant 0 : i32
      %dma_wait3A_76 = arith.constant 0 : i32
      %dma_wait3A_77 = tpu.memref_slice %arg3[%add3A, %dma_wait3A_75, %dma_wait3A_76] : memref<32x40x128xi32, #tpu.memory_space<hbm>> -> memref<1x40x128xi32, #tpu.memory_space<hbm>>
      %dma_wait3A_78 = tpu.memref_squeeze %dma_wait3A_77 : memref<1x40x128xi32, #tpu.memory_space<hbm>> -> memref<40x128xi32, #tpu.memory_space<hbm>>
      tpu.wait_dma2 semaphore(%run_scoped3A : memref<!tpu.dma_semaphore, #tpu.memory_space<semaphore_mem>>) src(%dma_wait3A_78 : memref<40x128xi32, #tpu.memory_space<hbm>>) dst(%arg5 : memref<40x128xi32, #tpu.memory_space<vmem>>)
      tpu.yield
    }) : () -> ()
    %dma_start3A = arith.constant 0 : i32
    %dma_start3A_5 = arith.constant 0 : i32
    %dma_start3A_6 = tpu.memref_slice %arg5[%dma_start3A, %dma_start3A_5] : memref<40x128xi32, #tpu.memory_space<vmem>> -> memref<1x128xi32, #tpu.memory_space<vmem>>
    %dma_start3A_7 = tpu.memref_squeeze %dma_start3A_6 : memref<1x128xi32, #tpu.memory_space<vmem>> -> memref<128xi32, #tpu.memory_space<vmem>>
    %dma_start3A_8 = arith.constant 0 : i32
    %dma_start3A_9 = arith.constant 0 : i32
    %dma_start3A_10 = tpu.memref_slice %arg2[%dma_start3A_8, %dma_start3A_9] : memref<10000x128xf32, #tpu.memory_space<hbm>> -> memref<10000x128xf32, #tpu.memory_space<hbm>>
    tpu.enqueue_indirect_dma source(%dma_start3A_10 : memref<10000x128xf32, #tpu.memory_space<hbm>>) target(%arg6 : memref<128x128xf32, #tpu.memory_space<vmem>>) offsets(%dma_start3A_7 : memref<128xi32, #tpu.memory_space<vmem>>) semaphore(%arg8 : memref<!tpu.dma_semaphore, #tpu.memory_space<semaphore_mem>>)
    %scan3A = arith.constant 0 : i32
    %scan3A_11 = arith.constant 0 : i32
    %scan3A_12 = arith.constant 20 : i32
    %scan3A_13 = arith.addi %scan3A_11, %scan3A_12 : i32
    %scan3A_14 = arith.constant 1 : i32
    scf.for %scan3A_64 = %scan3A_11 to %scan3A_13 step %scan3A_14  : i32 {
      %mul3A_65 = arith.constant 2 : i32
      %mul3A_66 = arith.muli %mul3A_65, %scan3A_64 : i32
      %add3A_67 = arith.constant 1 : i32
      %add3A_68 = arith.addi %mul3A_66, %add3A_67 : i32
      %lt3A_69 = arith.cmpi slt, %add3A_68, %add3A_4 : i32
      %convert_element_type3A_70 = arith.extui %lt3A_69 : i1 to i32
      %cond3A_71 = arith.constant 0 : i32
      %cond3A_72 = arith.cmpi ne, %convert_element_type3A_70, %cond3A_71 : i32
      scf.if %cond3A_72 {
        %ge3A_81 = arith.constant 2 : i32
        %ge3A_82 = arith.cmpi sge, %add3A_68, %ge3A_81 : i32
        %convert_element_type3A_83 = arith.extui %ge3A_82 : i1 to i32
        %cond3A_84 = arith.constant 0 : i32
        %cond3A_85 = arith.cmpi ne, %convert_element_type3A_83, %cond3A_84 : i32
        scf.if %cond3A_85 {
          %sub3A_92 = arith.constant 2 : i32
          %sub3A_93 = arith.subi %add3A_68, %sub3A_92 : i32
          %mul3A_94 = arith.constant 32 : i32
          %mul3A_95 = arith.muli %mul3A_94, %sub3A_93 : i32
          %add3A_96 = arith.addi %add3A, %mul3A_95 : i32
          %mul3A_97 = arith.constant 128 : i32
          %mul3A_98 = arith.muli %add3A_96, %mul3A_97 : i32
          %dma_wait3A = arith.constant 0 : i32
          %dma_wait3A_99 = tpu.memref_slice %arg4[%mul3A_98, %dma_wait3A] : memref<160000x128xf32, #tpu.memory_space<hbm>> -> memref<128x128xf32, #tpu.memory_space<hbm>>
          %dma_wait3A_100 = arith.constant 0 : i32
          %dma_wait3A_101 = tpu.memref_slice %arg4[%mul3A_98, %dma_wait3A_100] : memref<160000x128xf32, #tpu.memory_space<hbm>> -> memref<128x128xf32, #tpu.memory_space<hbm>>
          tpu.wait_dma2 semaphore(%arg11 : memref<!tpu.dma_semaphore, #tpu.memory_space<semaphore_mem>>) src(%arg7 : memref<128x128xf32, #tpu.memory_space<vmem>>) dst(%dma_wait3A_101 : memref<128x128xf32, #tpu.memory_space<hbm>>)
        } else {
        }
        %dma_start3A_86 = arith.constant 0 : i32
        %dma_start3A_87 = tpu.memref_slice %arg5[%add3A_68, %dma_start3A_86] : memref<40x128xi32, #tpu.memory_space<vmem>> -> memref<1x128xi32, #tpu.memory_space<vmem>>
        %dma_start3A_88 = tpu.memref_squeeze %dma_start3A_87 : memref<1x128xi32, #tpu.memory_space<vmem>> -> memref<128xi32, #tpu.memory_space<vmem>>
        %dma_start3A_89 = arith.constant 0 : i32
        %dma_start3A_90 = arith.constant 0 : i32
        %dma_start3A_91 = tpu.memref_slice %arg2[%dma_start3A_89, %dma_start3A_90] : memref<10000x128xf32, #tpu.memory_space<hbm>> -> memref<10000x128xf32, #tpu.memory_space<hbm>>
        tpu.enqueue_indirect_dma source(%dma_start3A_91 : memref<10000x128xf32, #tpu.memory_space<hbm>>) target(%arg7 : memref<128x128xf32, #tpu.memory_space<vmem>>) offsets(%dma_start3A_88 : memref<128xi32, #tpu.memory_space<vmem>>) semaphore(%arg9 : memref<!tpu.dma_semaphore, #tpu.memory_space<semaphore_mem>>)
      } else {
      }
      %lt3A_73 = arith.cmpi slt, %mul3A_66, %add3A_4 : i32
      %convert_element_type3A_74 = arith.extui %lt3A_73 : i1 to i32
      %cond3A_75 = arith.constant 0 : i32
      %cond3A_76 = arith.cmpi ne, %convert_element_type3A_74, %cond3A_75 : i32
      scf.if %cond3A_76 {
        %dma_wait3A = arith.constant 0 : i32
        %dma_wait3A_81 = tpu.memref_slice %arg5[%mul3A_66, %dma_wait3A] : memref<40x128xi32, #tpu.memory_space<vmem>> -> memref<1x128xi32, #tpu.memory_space<vmem>>
        %dma_wait3A_82 = tpu.memref_squeeze %dma_wait3A_81 : memref<1x128xi32, #tpu.memory_space<vmem>> -> memref<128xi32, #tpu.memory_space<vmem>>
        %dma_wait3A_83 = arith.constant 0 : i32
        %dma_wait3A_84 = arith.constant 0 : i32
        %dma_wait3A_85 = tpu.memref_slice %arg2[%dma_wait3A_83, %dma_wait3A_84] : memref<10000x128xf32, #tpu.memory_space<hbm>> -> memref<10000x128xf32, #tpu.memory_space<hbm>>
        tpu.wait_indirect_dma semaphore(%arg8 : memref<!tpu.dma_semaphore, #tpu.memory_space<semaphore_mem>>) src(%dma_wait3A_85 : memref<10000x128xf32, #tpu.memory_space<hbm>>) dst(%arg6 : memref<128x128xf32, #tpu.memory_space<vmem>>)
        %mul3A_86 = arith.constant 32 : i32
        %mul3A_87 = arith.muli %mul3A_86, %mul3A_66 : i32
        %add3A_88 = arith.addi %add3A, %mul3A_87 : i32
        %mul3A_89 = arith.constant 128 : i32
        %mul3A_90 = arith.muli %add3A_88, %mul3A_89 : i32
        %dma_start3A_91 = arith.constant 0 : i32
        %dma_start3A_92 = tpu.memref_slice %arg4[%mul3A_90, %dma_start3A_91] : memref<160000x128xf32, #tpu.memory_space<hbm>> -> memref<128x128xf32, #tpu.memory_space<hbm>>
        %dma_start3A_93 = arith.constant 0 : i32
        %dma_start3A_94 = tpu.memref_slice %arg4[%mul3A_90, %dma_start3A_93] : memref<160000x128xf32, #tpu.memory_space<hbm>> -> memref<128x128xf32, #tpu.memory_space<hbm>>
        tpu.enqueue_dma source(%arg6 : memref<128x128xf32, #tpu.memory_space<vmem>>) target(%dma_start3A_94 : memref<128x128xf32, #tpu.memory_space<hbm>>) target_semaphore(%arg10 : memref<!tpu.dma_semaphore, #tpu.memory_space<semaphore_mem>>)
      } else {
      }
      %lt3A_77 = arith.cmpi slt, %add3A_68, %add3A_4 : i32
      %convert_element_type3A_78 = arith.extui %lt3A_77 : i1 to i32
      %cond3A_79 = arith.constant 0 : i32
      %cond3A_80 = arith.cmpi ne, %convert_element_type3A_78, %cond3A_79 : i32
      scf.if %cond3A_80 {
        %add3A_81 = arith.constant 1 : i32
        %add3A_82 = arith.addi %add3A_68, %add3A_81 : i32
        %lt3A_83 = arith.cmpi slt, %add3A_82, %add3A_4 : i32
        %convert_element_type3A_84 = arith.extui %lt3A_83 : i1 to i32
        %cond3A_85 = arith.constant 0 : i32
        %cond3A_86 = arith.cmpi ne, %convert_element_type3A_84, %cond3A_85 : i32
        scf.if %cond3A_86 {
          %add3A_101 = arith.constant 1 : i32
          %add3A_102 = arith.addi %add3A_68, %add3A_101 : i32
          %ge3A_103 = arith.constant 2 : i32
          %ge3A_104 = arith.cmpi sge, %add3A_102, %ge3A_103 : i32
          %convert_element_type3A_105 = arith.extui %ge3A_104 : i1 to i32
          %cond3A_106 = arith.constant 0 : i32
          %cond3A_107 = arith.cmpi ne, %convert_element_type3A_105, %cond3A_106 : i32
          scf.if %cond3A_107 {
            %sub3A_114 = arith.constant 2 : i32
            %sub3A_115 = arith.subi %add3A_102, %sub3A_114 : i32
            %mul3A_116 = arith.constant 32 : i32
            %mul3A_117 = arith.muli %mul3A_116, %sub3A_115 : i32
            %add3A_118 = arith.addi %add3A, %mul3A_117 : i32
            %mul3A_119 = arith.constant 128 : i32
            %mul3A_120 = arith.muli %add3A_118, %mul3A_119 : i32
            %dma_wait3A_121 = arith.constant 0 : i32
            %dma_wait3A_122 = tpu.memref_slice %arg4[%mul3A_120, %dma_wait3A_121] : memref<160000x128xf32, #tpu.memory_space<hbm>> -> memref<128x128xf32, #tpu.memory_space<hbm>>
            %dma_wait3A_123 = arith.constant 0 : i32
            %dma_wait3A_124 = tpu.memref_slice %arg4[%mul3A_120, %dma_wait3A_123] : memref<160000x128xf32, #tpu.memory_space<hbm>> -> memref<128x128xf32, #tpu.memory_space<hbm>>
            tpu.wait_dma2 semaphore(%arg10 : memref<!tpu.dma_semaphore, #tpu.memory_space<semaphore_mem>>) src(%arg6 : memref<128x128xf32, #tpu.memory_space<vmem>>) dst(%dma_wait3A_124 : memref<128x128xf32, #tpu.memory_space<hbm>>)
          } else {
          }
          %dma_start3A_108 = arith.constant 0 : i32
          %dma_start3A_109 = tpu.memref_slice %arg5[%add3A_102, %dma_start3A_108] : memref<40x128xi32, #tpu.memory_space<vmem>> -> memref<1x128xi32, #tpu.memory_space<vmem>>
          %dma_start3A_110 = tpu.memref_squeeze %dma_start3A_109 : memref<1x128xi32, #tpu.memory_space<vmem>> -> memref<128xi32, #tpu.memory_space<vmem>>
          %dma_start3A_111 = arith.constant 0 : i32
          %dma_start3A_112 = arith.constant 0 : i32
          %dma_start3A_113 = tpu.memref_slice %arg2[%dma_start3A_111, %dma_start3A_112] : memref<10000x128xf32, #tpu.memory_space<hbm>> -> memref<10000x128xf32, #tpu.memory_space<hbm>>
          tpu.enqueue_indirect_dma source(%dma_start3A_113 : memref<10000x128xf32, #tpu.memory_space<hbm>>) target(%arg6 : memref<128x128xf32, #tpu.memory_space<vmem>>) offsets(%dma_start3A_110 : memref<128xi32, #tpu.memory_space<vmem>>) semaphore(%arg8 : memref<!tpu.dma_semaphore, #tpu.memory_space<semaphore_mem>>)
        } else {
        }
        %dma_wait3A = arith.constant 0 : i32
        %dma_wait3A_87 = tpu.memref_slice %arg5[%add3A_68, %dma_wait3A] : memref<40x128xi32, #tpu.memory_space<vmem>> -> memref<1x128xi32, #tpu.memory_space<vmem>>
        %dma_wait3A_88 = tpu.memref_squeeze %dma_wait3A_87 : memref<1x128xi32, #tpu.memory_space<vmem>> -> memref<128xi32, #tpu.memory_space<vmem>>
        %dma_wait3A_89 = arith.constant 0 : i32
        %dma_wait3A_90 = arith.constant 0 : i32
        %dma_wait3A_91 = tpu.memref_slice %arg2[%dma_wait3A_89, %dma_wait3A_90] : memref<10000x128xf32, #tpu.memory_space<hbm>> -> memref<10000x128xf32, #tpu.memory_space<hbm>>
        tpu.wait_indirect_dma semaphore(%arg9 : memref<!tpu.dma_semaphore, #tpu.memory_space<semaphore_mem>>) src(%dma_wait3A_91 : memref<10000x128xf32, #tpu.memory_space<hbm>>) dst(%arg7 : memref<128x128xf32, #tpu.memory_space<vmem>>)
        %mul3A_92 = arith.constant 32 : i32
        %mul3A_93 = arith.muli %mul3A_92, %add3A_68 : i32
        %add3A_94 = arith.addi %add3A, %mul3A_93 : i32
        %mul3A_95 = arith.constant 128 : i32
        %mul3A_96 = arith.muli %add3A_94, %mul3A_95 : i32
        %dma_start3A_97 = arith.constant 0 : i32
        %dma_start3A_98 = tpu.memref_slice %arg4[%mul3A_96, %dma_start3A_97] : memref<160000x128xf32, #tpu.memory_space<hbm>> -> memref<128x128xf32, #tpu.memory_space<hbm>>
        %dma_start3A_99 = arith.constant 0 : i32
        %dma_start3A_100 = tpu.memref_slice %arg4[%mul3A_96, %dma_start3A_99] : memref<160000x128xf32, #tpu.memory_space<hbm>> -> memref<128x128xf32, #tpu.memory_space<hbm>>
        tpu.enqueue_dma source(%arg7 : memref<128x128xf32, #tpu.memory_space<vmem>>) target(%dma_start3A_100 : memref<128x128xf32, #tpu.memory_space<hbm>>) target_semaphore(%arg11 : memref<!tpu.dma_semaphore, #tpu.memory_space<semaphore_mem>>)
      } else {
      }
    }
    %scan3A_15 = arith.constant 20 : i32
    %sub3A = arith.constant 1 : i32
    %sub3A_16 = arith.subi %add3A_4, %sub3A : i32
    %sub3A_17 = arith.constant 1 : i32
    %sub3A_18 = arith.subi %add3A_4, %sub3A_17 : i32
    %sub3A_19 = arith.constant 0 : i32
    %sub3A_20 = arith.subi %sub3A_18, %sub3A_19 : i32
    %jit3A_21 = arith.constant 2 : i32
    %eq3A = arith.constant 0 : i32
    %eq3A_22 = arith.cmpi eq, %jit3A_21, %eq3A : i32
    %jit3A_23 = arith.constant 1 : i32
    %select_n3A_24 = arith.select %eq3A_22, %jit3A_23, %jit3A_21 : i32
    %rem3A = arith.remsi %sub3A_20, %select_n3A_24 : i32
    %ne3A = arith.constant 0 : i32
    %ne3A_25 = arith.cmpi ne, %rem3A, %ne3A : i32
    %lt3A_26 = arith.constant 0 : i32
    %lt3A_27 = arith.cmpi slt, %rem3A, %lt3A_26 : i32
    %lt3A_28 = arith.constant 0 : i32
    %lt3A_29 = arith.cmpi slt, %select_n3A_24, %lt3A_28 : i32
    %ne3A_30 = arith.xori %lt3A_27, %lt3A_29 : i1
    %and3A = arith.andi %ne3A_30, %ne3A_25 : i1
    %add3A_31 = arith.addi %rem3A, %select_n3A_24 : i32
    %select_n3A_32 = arith.select %and3A, %add3A_31, %rem3A : i32
    %sub3A_33 = arith.subi %sub3A_16, %select_n3A_32 : i32
    %ge3A = arith.constant 0 : i32
    %ge3A_34 = arith.cmpi sge, %sub3A_33, %ge3A : i32
    %convert_element_type3A = arith.extui %ge3A_34 : i1 to i32
    %cond3A = arith.constant 0 : i32
    %cond3A_35 = arith.cmpi ne, %convert_element_type3A, %cond3A : i32
    scf.if %cond3A_35 {
      %mul3A_64 = arith.constant 32 : i32
      %mul3A_65 = arith.muli %mul3A_64, %sub3A_33 : i32
      %add3A_66 = arith.addi %add3A, %mul3A_65 : i32
      %mul3A_67 = arith.constant 128 : i32
      %mul3A_68 = arith.muli %add3A_66, %mul3A_67 : i32
      %dma_wait3A = arith.constant 0 : i32
      %dma_wait3A_69 = tpu.memref_slice %arg4[%mul3A_68, %dma_wait3A] : memref<160000x128xf32, #tpu.memory_space<hbm>> -> memref<128x128xf32, #tpu.memory_space<hbm>>
      %dma_wait3A_70 = arith.constant 0 : i32
      %dma_wait3A_71 = tpu.memref_slice %arg4[%mul3A_68, %dma_wait3A_70] : memref<160000x128xf32, #tpu.memory_space<hbm>> -> memref<128x128xf32, #tpu.memory_space<hbm>>
      tpu.wait_dma2 semaphore(%arg10 : memref<!tpu.dma_semaphore, #tpu.memory_space<semaphore_mem>>) src(%arg6 : memref<128x128xf32, #tpu.memory_space<vmem>>) dst(%dma_wait3A_71 : memref<128x128xf32, #tpu.memory_space<hbm>>)
    } else {
    }
    %sub3A_36 = arith.constant 1 : i32
    %sub3A_37 = arith.subi %add3A_4, %sub3A_36 : i32
    %sub3A_38 = arith.constant 1 : i32
    %sub3A_39 = arith.subi %add3A_4, %sub3A_38 : i32
    %sub3A_40 = arith.constant 1 : i32
    %sub3A_41 = arith.subi %sub3A_39, %sub3A_40 : i32
    %jit3A_42 = arith.constant 2 : i32
    %eq3A_43 = arith.constant 0 : i32
    %eq3A_44 = arith.cmpi eq, %jit3A_42, %eq3A_43 : i32
    %jit3A_45 = arith.constant 1 : i32
    %select_n3A_46 = arith.select %eq3A_44, %jit3A_45, %jit3A_42 : i32
    %rem3A_47 = arith.remsi %sub3A_41, %select_n3A_46 : i32
    %ne3A_48 = arith.constant 0 : i32
    %ne3A_49 = arith.cmpi ne, %rem3A_47, %ne3A_48 : i32
    %lt3A_50 = arith.constant 0 : i32
    %lt3A_51 = arith.cmpi slt, %rem3A_47, %lt3A_50 : i32
    %lt3A_52 = arith.constant 0 : i32
    %lt3A_53 = arith.cmpi slt, %select_n3A_46, %lt3A_52 : i32
    %ne3A_54 = arith.xori %lt3A_51, %lt3A_53 : i1
    %and3A_55 = arith.andi %ne3A_54, %ne3A_49 : i1
    %add3A_56 = arith.addi %rem3A_47, %select_n3A_46 : i32
    %select_n3A_57 = arith.select %and3A_55, %add3A_56, %rem3A_47 : i32
    %sub3A_58 = arith.subi %sub3A_37, %select_n3A_57 : i32
    %ge3A_59 = arith.constant 0 : i32
    %ge3A_60 = arith.cmpi sge, %sub3A_58, %ge3A_59 : i32
    %convert_element_type3A_61 = arith.extui %ge3A_60 : i1 to i32
    %cond3A_62 = arith.constant 0 : i32
    %cond3A_63 = arith.cmpi ne, %convert_element_type3A_61, %cond3A_62 : i32
    scf.if %cond3A_63 {
      %mul3A_64 = arith.constant 32 : i32
      %mul3A_65 = arith.muli %mul3A_64, %sub3A_58 : i32
      %add3A_66 = arith.addi %add3A, %mul3A_65 : i32
      %mul3A_67 = arith.constant 128 : i32
      %mul3A_68 = arith.muli %add3A_66, %mul3A_67 : i32
      %dma_wait3A = arith.constant 0 : i32
      %dma_wait3A_69 = tpu.memref_slice %arg4[%mul3A_68, %dma_wait3A] : memref<160000x128xf32, #tpu.memory_space<hbm>> -> memref<128x128xf32, #tpu.memory_space<hbm>>
      %dma_wait3A_70 = arith.constant 0 : i32
      %dma_wait3A_71 = tpu.memref_slice %arg4[%mul3A_68, %dma_wait3A_70] : memref<160000x128xf32, #tpu.memory_space<hbm>> -> memref<128x128xf32, #tpu.memory_space<hbm>>
      tpu.wait_dma2 semaphore(%arg11 : memref<!tpu.dma_semaphore, #tpu.memory_space<semaphore_mem>>) src(%arg7 : memref<128x128xf32, #tpu.memory_space<vmem>>) dst(%dma_wait3A_71 : memref<128x128xf32, #tpu.memory_space<hbm>>)
    } else {
    }
    return
  }
}

#map = affine_map<(d0, d1) -> (0, 0)>
#map1 = affine_map<(d0, d1) -> (0, 0, 0)>
module attributes {stable_mosaic.version = 14 : i64} {
  func.func @_gather_body(%arg0: i32, %arg1: i32, %arg2: memref<10000x128xf32, #tpu.memory_space<hbm>>, %arg3: memref<32x40x128xi32, #tpu.memory_space<hbm>>, %arg4: memref<160000x128xf32, #tpu.memory_space<hbm>>, %arg5: memref<40x128xi32, #tpu.memory_space<vmem>>, %arg6: memref<128x128xf32, #tpu.memory_space<vmem>>, %arg7: memref<128x128xf32, #tpu.memory_space<vmem>>, %arg8: memref<!tpu.dma_semaphore, #tpu.memory_space<semaphore_mem>>, %arg9: memref<!tpu.dma_semaphore, #tpu.memory_space<semaphore_mem>>, %arg10: memref<!tpu.dma_semaphore, #tpu.memory_space<semaphore_mem>>, %arg11: memref<!tpu.dma_semaphore, #tpu.memory_space<semaphore_mem>>) attributes {dimension_semantics = [#tpu.dimension_semantics<core_parallel>, #tpu.dimension_semantics<subcore_parallel>], iteration_bounds = array<i64: 2, 16>, scalar_prefetch = 0 : i64, scratch_operands = 7 : i64, tpu.core_type = #tpu.core_type<sc_vector_subcore>, window_params = [{transform_indices = #map}, {transform_indices = #map1}, {transform_indices = #map}]} {
    %mul3A = arith.constant 16 : i32
    %mul3A_0 = arith.muli %arg0, %mul3A : i32
    %add3A = arith.addi %mul3A_0, %arg1 : i32
    %lt3A = arith.constant 2 : i32
    %lt3A_1 = arith.cmpi slt, %add3A, %lt3A : i32
    %jit3A = arith.constant 1 : i32
    %jit3A_2 = arith.constant 0 : i32
    %select_n3A = arith.select %lt3A_1, %jit3A, %jit3A_2 : i32
    %add3A_3 = arith.constant 39 : i32
    %add3A_4 = arith.addi %add3A_3, %select_n3A : i32
    "tpu.region"() ({
      %run_scoped3A = tpu.sem_alloc : memref<!tpu.dma_semaphore, #tpu.memory_space<semaphore_mem>>
      %dma_start3A_64 = arith.constant 0 : i32
      %dma_start3A_65 = arith.constant 0 : i32
      %dma_start3A_66 = tpu.memref_slice %arg3[%add3A, %dma_start3A_64, %dma_start3A_65] : memref<32x40x128xi32, #tpu.memory_space<hbm>> -> memref<1x40x128xi32, #tpu.memory_space<hbm>>
      %dma_start3A_67 = tpu.memref_squeeze %dma_start3A_66 : memref<1x40x128xi32, #tpu.memory_space<hbm>> -> memref<40x128xi32, #tpu.memory_space<hbm>>
      %dma_start3A_68 = arith.constant 0 : i32
      %dma_start3A_69 = arith.constant 0 : i32
      %dma_start3A_70 = tpu.memref_slice %arg3[%add3A, %dma_start3A_68, %dma_start3A_69] : memref<32x40x128xi32, #tpu.memory_space<hbm>> -> memref<1x40x128xi32, #tpu.memory_space<hbm>>
      %dma_start3A_71 = tpu.memref_squeeze %dma_start3A_70 : memref<1x40x128xi32, #tpu.memory_space<hbm>> -> memref<40x128xi32, #tpu.memory_space<hbm>>
      tpu.enqueue_dma source(%dma_start3A_71 : memref<40x128xi32, #tpu.memory_space<hbm>>) target(%arg5 : memref<40x128xi32, #tpu.memory_space<vmem>>) target_semaphore(%run_scoped3A : memref<!tpu.dma_semaphore, #tpu.memory_space<semaphore_mem>>)
      %dma_wait3A = arith.constant 0 : i32
      %dma_wait3A_72 = arith.constant 0 : i32
      %dma_wait3A_73 = tpu.memref_slice %arg3[%add3A, %dma_wait3A, %dma_wait3A_72] : memref<32x40x128xi32, #tpu.memory_space<hbm>> -> memref<1x40x128xi32, #tpu.memory_space<hbm>>
      %dma_wait3A_74 = tpu.memref_squeeze %dma_wait3A_73 : memref<1x40x128xi32, #tpu.memory_space<hbm>> -> memref<40x128xi32, #tpu.memory_space<hbm>>
      %dma_wait3A_75 = arith.constant 0 : i32
      %dma_wait3A_76 = arith.constant 0 : i32
      %dma_wait3A_77 = tpu.memref_slice %arg3[%add3A, %dma_wait3A_75, %dma_wait3A_76] : memref<32x40x128xi32, #tpu.memory_space<hbm>> -> memref<1x40x128xi32, #tpu.memory_space<hbm>>
      %dma_wait3A_78 = tpu.memref_squeeze %dma_wait3A_77 : memref<1x40x128xi32, #tpu.memory_space<hbm>> -> memref<40x128xi32, #tpu.memory_space<hbm>>
      tpu.wait_dma2 semaphore(%run_scoped3A : memref<!tpu.dma_semaphore, #tpu.memory_space<semaphore_mem>>) src(%dma_wait3A_78 : memref<40x128xi32, #tpu.memory_space<hbm>>) dst(%arg5 : memref<40x128xi32, #tpu.memory_space<vmem>>)
      tpu.yield
    }) : () -> ()
    %dma_start3A = arith.constant 0 : i32
    %dma_start3A_5 = arith.constant 0 : i32
    %dma_start3A_6 = tpu.memref_slice %arg5[%dma_start3A, %dma_start3A_5] : memref<40x128xi32, #tpu.memory_space<vmem>> -> memref<1x128xi32, #tpu.memory_space<vmem>>
    %dma_start3A_7 = tpu.memref_squeeze %dma_start3A_6 : memref<1x128xi32, #tpu.memory_space<vmem>> -> memref<128xi32, #tpu.memory_space<vmem>>
    %dma_start3A_8 = arith.constant 0 : i32
    %dma_start3A_9 = arith.constant 0 : i32
    %dma_start3A_10 = tpu.memref_slice %arg2[%dma_start3A_8, %dma_start3A_9] : memref<10000x128xf32, #tpu.memory_space<hbm>> -> memref<10000x128xf32, #tpu.memory_space<hbm>>
    tpu.enqueue_indirect_dma source(%dma_start3A_10 : memref<10000x128xf32, #tpu.memory_space<hbm>>) target(%arg6 : memref<128x128xf32, #tpu.memory_space<vmem>>) offsets(%dma_start3A_7 : memref<128xi32, #tpu.memory_space<vmem>>) semaphore(%arg8 : memref<!tpu.dma_semaphore, #tpu.memory_space<semaphore_mem>>)
    %scan3A = arith.constant 0 : i32
    %scan3A_11 = arith.constant 0 : i32
    %scan3A_12 = arith.constant 20 : i32
    %scan3A_13 = arith.addi %scan3A_11, %scan3A_12 : i32
    %scan3A_14 = arith.constant 1 : i32
    scf.for %scan3A_64 = %scan3A_11 to %scan3A_13 step %scan3A_14  : i32 {
      %mul3A_65 = arith.constant 2 : i32
      %mul3A_66 = arith.muli %mul3A_65, %scan3A_64 : i32
      %add3A_67 = arith.constant 1 : i32
      %add3A_68 = arith.addi %mul3A_66, %add3A_67 : i32
      %lt3A_69 = arith.cmpi slt, %add3A_68, %add3A_4 : i32
      %convert_element_type3A_70 = arith.extui %lt3A_69 : i1 to i32
      %cond3A_71 = arith.constant 0 : i32
      %cond3A_72 = arith.cmpi ne, %convert_element_type3A_70, %cond3A_71 : i32
      scf.if %cond3A_72 {
        %ge3A_81 = arith.constant 2 : i32
        %ge3A_82 = arith.cmpi sge, %add3A_68, %ge3A_81 : i32
        %convert_element_type3A_83 = arith.extui %ge3A_82 : i1 to i32
        %cond3A_84 = arith.constant 0 : i32
        %cond3A_85 = arith.cmpi ne, %convert_element_type3A_83, %cond3A_84 : i32
        scf.if %cond3A_85 {
          %sub3A_92 = arith.constant 2 : i32
          %sub3A_93 = arith.subi %add3A_68, %sub3A_92 : i32
          %mul3A_94 = arith.constant 32 : i32
          %mul3A_95 = arith.muli %mul3A_94, %sub3A_93 : i32
          %add3A_96 = arith.addi %add3A, %mul3A_95 : i32
          %mul3A_97 = arith.constant 128 : i32
          %mul3A_98 = arith.muli %add3A_96, %mul3A_97 : i32
          %dma_wait3A = arith.constant 0 : i32
          %dma_wait3A_99 = tpu.memref_slice %arg4[%mul3A_98, %dma_wait3A] : memref<160000x128xf32, #tpu.memory_space<hbm>> -> memref<128x128xf32, #tpu.memory_space<hbm>>
          %dma_wait3A_100 = arith.constant 0 : i32
          %dma_wait3A_101 = tpu.memref_slice %arg4[%mul3A_98, %dma_wait3A_100] : memref<160000x128xf32, #tpu.memory_space<hbm>> -> memref<128x128xf32, #tpu.memory_space<hbm>>
          tpu.wait_dma2 semaphore(%arg11 : memref<!tpu.dma_semaphore, #tpu.memory_space<semaphore_mem>>) src(%arg7 : memref<128x128xf32, #tpu.memory_space<vmem>>) dst(%dma_wait3A_101 : memref<128x128xf32, #tpu.memory_space<hbm>>)
        } else {
        }
        %dma_start3A_86 = arith.constant 0 : i32
        %dma_start3A_87 = tpu.memref_slice %arg5[%add3A_68, %dma_start3A_86] : memref<40x128xi32, #tpu.memory_space<vmem>> -> memref<1x128xi32, #tpu.memory_space<vmem>>
        %dma_start3A_88 = tpu.memref_squeeze %dma_start3A_87 : memref<1x128xi32, #tpu.memory_space<vmem>> -> memref<128xi32, #tpu.memory_space<vmem>>
        %dma_start3A_89 = arith.constant 0 : i32
        %dma_start3A_90 = arith.constant 0 : i32
        %dma_start3A_91 = tpu.memref_slice %arg2[%dma_start3A_89, %dma_start3A_90] : memref<10000x128xf32, #tpu.memory_space<hbm>> -> memref<10000x128xf32, #tpu.memory_space<hbm>>
        tpu.enqueue_indirect_dma source(%dma_start3A_91 : memref<10000x128xf32, #tpu.memory_space<hbm>>) target(%arg7 : memref<128x128xf32, #tpu.memory_space<vmem>>) offsets(%dma_start3A_88 : memref<128xi32, #tpu.memory_space<vmem>>) semaphore(%arg9 : memref<!tpu.dma_semaphore, #tpu.memory_space<semaphore_mem>>)
      } else {
      }
      %lt3A_73 = arith.cmpi slt, %mul3A_66, %add3A_4 : i32
      %convert_element_type3A_74 = arith.extui %lt3A_73 : i1 to i32
      %cond3A_75 = arith.constant 0 : i32
      %cond3A_76 = arith.cmpi ne, %convert_element_type3A_74, %cond3A_75 : i32
      scf.if %cond3A_76 {
        %dma_wait3A = arith.constant 0 : i32
        %dma_wait3A_81 = tpu.memref_slice %arg5[%mul3A_66, %dma_wait3A] : memref<40x128xi32, #tpu.memory_space<vmem>> -> memref<1x128xi32, #tpu.memory_space<vmem>>
        %dma_wait3A_82 = tpu.memref_squeeze %dma_wait3A_81 : memref<1x128xi32, #tpu.memory_space<vmem>> -> memref<128xi32, #tpu.memory_space<vmem>>
        %dma_wait3A_83 = arith.constant 0 : i32
        %dma_wait3A_84 = arith.constant 0 : i32
        %dma_wait3A_85 = tpu.memref_slice %arg2[%dma_wait3A_83, %dma_wait3A_84] : memref<10000x128xf32, #tpu.memory_space<hbm>> -> memref<10000x128xf32, #tpu.memory_space<hbm>>
        tpu.wait_indirect_dma semaphore(%arg8 : memref<!tpu.dma_semaphore, #tpu.memory_space<semaphore_mem>>) src(%dma_wait3A_85 : memref<10000x128xf32, #tpu.memory_space<hbm>>) dst(%arg6 : memref<128x128xf32, #tpu.memory_space<vmem>>)
        %mul3A_86 = arith.constant 32 : i32
        %mul3A_87 = arith.muli %mul3A_86, %mul3A_66 : i32
        %add3A_88 = arith.addi %add3A, %mul3A_87 : i32
        %mul3A_89 = arith.constant 128 : i32
        %mul3A_90 = arith.muli %add3A_88, %mul3A_89 : i32
        %dma_start3A_91 = arith.constant 0 : i32
        %dma_start3A_92 = tpu.memref_slice %arg4[%mul3A_90, %dma_start3A_91] : memref<160000x128xf32, #tpu.memory_space<hbm>> -> memref<128x128xf32, #tpu.memory_space<hbm>>
        %dma_start3A_93 = arith.constant 0 : i32
        %dma_start3A_94 = tpu.memref_slice %arg4[%mul3A_90, %dma_start3A_93] : memref<160000x128xf32, #tpu.memory_space<hbm>> -> memref<128x128xf32, #tpu.memory_space<hbm>>
        tpu.enqueue_dma source(%arg6 : memref<128x128xf32, #tpu.memory_space<vmem>>) target(%dma_start3A_94 : memref<128x128xf32, #tpu.memory_space<hbm>>) target_semaphore(%arg10 : memref<!tpu.dma_semaphore, #tpu.memory_space<semaphore_mem>>)
      } else {
      }
      %lt3A_77 = arith.cmpi slt, %add3A_68, %add3A_4 : i32
      %convert_element_type3A_78 = arith.extui %lt3A_77 : i1 to i32
      %cond3A_79 = arith.constant 0 : i32
      %cond3A_80 = arith.cmpi ne, %convert_element_type3A_78, %cond3A_79 : i32
      scf.if %cond3A_80 {
        %add3A_81 = arith.constant 1 : i32
        %add3A_82 = arith.addi %add3A_68, %add3A_81 : i32
        %lt3A_83 = arith.cmpi slt, %add3A_82, %add3A_4 : i32
        %convert_element_type3A_84 = arith.extui %lt3A_83 : i1 to i32
        %cond3A_85 = arith.constant 0 : i32
        %cond3A_86 = arith.cmpi ne, %convert_element_type3A_84, %cond3A_85 : i32
        scf.if %cond3A_86 {
          %add3A_101 = arith.constant 1 : i32
          %add3A_102 = arith.addi %add3A_68, %add3A_101 : i32
          %ge3A_103 = arith.constant 2 : i32
          %ge3A_104 = arith.cmpi sge, %add3A_102, %ge3A_103 : i32
          %convert_element_type3A_105 = arith.extui %ge3A_104 : i1 to i32
          %cond3A_106 = arith.constant 0 : i32
          %cond3A_107 = arith.cmpi ne, %convert_element_type3A_105, %cond3A_106 : i32
          scf.if %cond3A_107 {
            %sub3A_114 = arith.constant 2 : i32
            %sub3A_115 = arith.subi %add3A_102, %sub3A_114 : i32
            %mul3A_116 = arith.constant 32 : i32
            %mul3A_117 = arith.muli %mul3A_116, %sub3A_115 : i32
            %add3A_118 = arith.addi %add3A, %mul3A_117 : i32
            %mul3A_119 = arith.constant 128 : i32
            %mul3A_120 = arith.muli %add3A_118, %mul3A_119 : i32
            %dma_wait3A_121 = arith.constant 0 : i32
            %dma_wait3A_122 = tpu.memref_slice %arg4[%mul3A_120, %dma_wait3A_121] : memref<160000x128xf32, #tpu.memory_space<hbm>> -> memref<128x128xf32, #tpu.memory_space<hbm>>
            %dma_wait3A_123 = arith.constant 0 : i32
            %dma_wait3A_124 = tpu.memref_slice %arg4[%mul3A_120, %dma_wait3A_123] : memref<160000x128xf32, #tpu.memory_space<hbm>> -> memref<128x128xf32, #tpu.memory_space<hbm>>
            tpu.wait_dma2 semaphore(%arg10 : memref<!tpu.dma_semaphore, #tpu.memory_space<semaphore_mem>>) src(%arg6 : memref<128x128xf32, #tpu.memory_space<vmem>>) dst(%dma_wait3A_124 : memref<128x128xf32, #tpu.memory_space<hbm>>)
          } else {
          }
          %dma_start3A_108 = arith.constant 0 : i32
          %dma_start3A_109 = tpu.memref_slice %arg5[%add3A_102, %dma_start3A_108] : memref<40x128xi32, #tpu.memory_space<vmem>> -> memref<1x128xi32, #tpu.memory_space<vmem>>
          %dma_start3A_110 = tpu.memref_squeeze %dma_start3A_109 : memref<1x128xi32, #tpu.memory_space<vmem>> -> memref<128xi32, #tpu.memory_space<vmem>>
          %dma_start3A_111 = arith.constant 0 : i32
          %dma_start3A_112 = arith.constant 0 : i32
          %dma_start3A_113 = tpu.memref_slice %arg2[%dma_start3A_111, %dma_start3A_112] : memref<10000x128xf32, #tpu.memory_space<hbm>> -> memref<10000x128xf32, #tpu.memory_space<hbm>>
          tpu.enqueue_indirect_dma source(%dma_start3A_113 : memref<10000x128xf32, #tpu.memory_space<hbm>>) target(%arg6 : memref<128x128xf32, #tpu.memory_space<vmem>>) offsets(%dma_start3A_110 : memref<128xi32, #tpu.memory_space<vmem>>) semaphore(%arg8 : memref<!tpu.dma_semaphore, #tpu.memory_space<semaphore_mem>>)
        } else {
        }
        %dma_wait3A = arith.constant 0 : i32
        %dma_wait3A_87 = tpu.memref_slice %arg5[%add3A_68, %dma_wait3A] : memref<40x128xi32, #tpu.memory_space<vmem>> -> memref<1x128xi32, #tpu.memory_space<vmem>>
        %dma_wait3A_88 = tpu.memref_squeeze %dma_wait3A_87 : memref<1x128xi32, #tpu.memory_space<vmem>> -> memref<128xi32, #tpu.memory_space<vmem>>
        %dma_wait3A_89 = arith.constant 0 : i32
        %dma_wait3A_90 = arith.constant 0 : i32
        %dma_wait3A_91 = tpu.memref_slice %arg2[%dma_wait3A_89, %dma_wait3A_90] : memref<10000x128xf32, #tpu.memory_space<hbm>> -> memref<10000x128xf32, #tpu.memory_space<hbm>>
        tpu.wait_indirect_dma semaphore(%arg9 : memref<!tpu.dma_semaphore, #tpu.memory_space<semaphore_mem>>) src(%dma_wait3A_91 : memref<10000x128xf32, #tpu.memory_space<hbm>>) dst(%arg7 : memref<128x128xf32, #tpu.memory_space<vmem>>)
        %mul3A_92 = arith.constant 32 : i32
        %mul3A_93 = arith.muli %mul3A_92, %add3A_68 : i32
        %add3A_94 = arith.addi %add3A, %mul3A_93 : i32
        %mul3A_95 = arith.constant 128 : i32
        %mul3A_96 = arith.muli %add3A_94, %mul3A_95 : i32
        %dma_start3A_97 = arith.constant 0 : i32
        %dma_start3A_98 = tpu.memref_slice %arg4[%mul3A_96, %dma_start3A_97] : memref<160000x128xf32, #tpu.memory_space<hbm>> -> memref<128x128xf32, #tpu.memory_space<hbm>>
        %dma_start3A_99 = arith.constant 0 : i32
        %dma_start3A_100 = tpu.memref_slice %arg4[%mul3A_96, %dma_start3A_99] : memref<160000x128xf32, #tpu.memory_space<hbm>> -> memref<128x128xf32, #tpu.memory_space<hbm>>
        tpu.enqueue_dma source(%arg7 : memref<128x128xf32, #tpu.memory_space<vmem>>) target(%dma_start3A_100 : memref<128x128xf32, #tpu.memory_space<hbm>>) target_semaphore(%arg11 : memref<!tpu.dma_semaphore, #tpu.memory_space<semaphore_mem>>)
      } else {
      }
    }
    %scan3A_15 = arith.constant 20 : i32
    %sub3A = arith.constant 1 : i32
    %sub3A_16 = arith.subi %add3A_4, %sub3A : i32
    %sub3A_17 = arith.constant 1 : i32
    %sub3A_18 = arith.subi %add3A_4, %sub3A_17 : i32
    %sub3A_19 = arith.constant 0 : i32
    %sub3A_20 = arith.subi %sub3A_18, %sub3A_19 : i32
    %jit3A_21 = arith.constant 2 : i32
    %eq3A = arith.constant 0 : i32
    %eq3A_22 = arith.cmpi eq, %jit3A_21, %eq3A : i32
    %jit3A_23 = arith.constant 1 : i32
    %select_n3A_24 = arith.select %eq3A_22, %jit3A_23, %jit3A_21 : i32
    %rem3A = arith.remsi %sub3A_20, %select_n3A_24 : i32
    %ne3A = arith.constant 0 : i32
    %ne3A_25 = arith.cmpi ne, %rem3A, %ne3A : i32
    %lt3A_26 = arith.constant 0 : i32
    %lt3A_27 = arith.cmpi slt, %rem3A, %lt3A_26 : i32
    %lt3A_28 = arith.constant 0 : i32
    %lt3A_29 = arith.cmpi slt, %select_n3A_24, %lt3A_28 : i32
    %ne3A_30 = arith.xori %lt3A_27, %lt3A_29 : i1
    %and3A = arith.andi %ne3A_30, %ne3A_25 : i1
    %add3A_31 = arith.addi %rem3A, %select_n3A_24 : i32
    %select_n3A_32 = arith.select %and3A, %add3A_31, %rem3A : i32
    %sub3A_33 = arith.subi %sub3A_16, %select_n3A_32 : i32
    %ge3A = arith.constant 0 : i32
    %ge3A_34 = arith.cmpi sge, %sub3A_33, %ge3A : i32
    %convert_element_type3A = arith.extui %ge3A_34 : i1 to i32
    %cond3A = arith.constant 0 : i32
    %cond3A_35 = arith.cmpi ne, %convert_element_type3A, %cond3A : i32
    scf.if %cond3A_35 {
      %mul3A_64 = arith.constant 32 : i32
      %mul3A_65 = arith.muli %mul3A_64, %sub3A_33 : i32
      %add3A_66 = arith.addi %add3A, %mul3A_65 : i32
      %mul3A_67 = arith.constant 128 : i32
      %mul3A_68 = arith.muli %add3A_66, %mul3A_67 : i32
      %dma_wait3A = arith.constant 0 : i32
      %dma_wait3A_69 = tpu.memref_slice %arg4[%mul3A_68, %dma_wait3A] : memref<160000x128xf32, #tpu.memory_space<hbm>> -> memref<128x128xf32, #tpu.memory_space<hbm>>
      %dma_wait3A_70 = arith.constant 0 : i32
      %dma_wait3A_71 = tpu.memref_slice %arg4[%mul3A_68, %dma_wait3A_70] : memref<160000x128xf32, #tpu.memory_space<hbm>> -> memref<128x128xf32, #tpu.memory_space<hbm>>
      tpu.wait_dma2 semaphore(%arg10 : memref<!tpu.dma_semaphore, #tpu.memory_space<semaphore_mem>>) src(%arg6 : memref<128x128xf32, #tpu.memory_space<vmem>>) dst(%dma_wait3A_71 : memref<128x128xf32, #tpu.memory_space<hbm>>)
    } else {
    }
    %sub3A_36 = arith.constant 1 : i32
    %sub3A_37 = arith.subi %add3A_4, %sub3A_36 : i32
    %sub3A_38 = arith.constant 1 : i32
    %sub3A_39 = arith.subi %add3A_4, %sub3A_38 : i32
    %sub3A_40 = arith.constant 1 : i32
    %sub3A_41 = arith.subi %sub3A_39, %sub3A_40 : i32
    %jit3A_42 = arith.constant 2 : i32
    %eq3A_43 = arith.constant 0 : i32
    %eq3A_44 = arith.cmpi eq, %jit3A_42, %eq3A_43 : i32
    %jit3A_45 = arith.constant 1 : i32
    %select_n3A_46 = arith.select %eq3A_44, %jit3A_45, %jit3A_42 : i32
    %rem3A_47 = arith.remsi %sub3A_41, %select_n3A_46 : i32
    %ne3A_48 = arith.constant 0 : i32
    %ne3A_49 = arith.cmpi ne, %rem3A_47, %ne3A_48 : i32
    %lt3A_50 = arith.constant 0 : i32
    %lt3A_51 = arith.cmpi slt, %rem3A_47, %lt3A_50 : i32
    %lt3A_52 = arith.constant 0 : i32
    %lt3A_53 = arith.cmpi slt, %select_n3A_46, %lt3A_52 : i32
    %ne3A_54 = arith.xori %lt3A_51, %lt3A_53 : i1
    %and3A_55 = arith.andi %ne3A_54, %ne3A_49 : i1
    %add3A_56 = arith.addi %rem3A_47, %select_n3A_46 : i32
    %select_n3A_57 = arith.select %and3A_55, %add3A_56, %rem3A_47 : i32
    %sub3A_58 = arith.subi %sub3A_37, %select_n3A_57 : i32
    %ge3A_59 = arith.constant 0 : i32
    %ge3A_60 = arith.cmpi sge, %sub3A_58, %ge3A_59 : i32
    %convert_element_type3A_61 = arith.extui %ge3A_60 : i1 to i32
    %cond3A_62 = arith.constant 0 : i32
    %cond3A_63 = arith.cmpi ne, %convert_element_type3A_61, %cond3A_62 : i32
    scf.if %cond3A_63 {
      %mul3A_64 = arith.constant 32 : i32
      %mul3A_65 = arith.muli %mul3A_64, %sub3A_58 : i32
      %add3A_66 = arith.addi %add3A, %mul3A_65 : i32
      %mul3A_67 = arith.constant 128 : i32
      %mul3A_68 = arith.muli %add3A_66, %mul3A_67 : i32
      %dma_wait3A = arith.constant 0 : i32
      %dma_wait3A_69 = tpu.memref_slice %arg4[%mul3A_68, %dma_wait3A] : memref<160000x128xf32, #tpu.memory_space<hbm>> -> memref<128x128xf32, #tpu.memory_space<hbm>>
      %dma_wait3A_70 = arith.constant 0 : i32
      %dma_wait3A_71 = tpu.memref_slice %arg4[%mul3A_68, %dma_wait3A_70] : memref<160000x128xf32, #tpu.memory_space<hbm>> -> memref<128x128xf32, #tpu.memory_space<hbm>>
      tpu.wait_dma2 semaphore(%arg11 : memref<!tpu.dma_semaphore, #tpu.memory_space<semaphore_mem>>) src(%arg7 : memref<128x128xf32, #tpu.memory_space<vmem>>) dst(%dma_wait3A_71 : memref<128x128xf32, #tpu.memory_space<hbm>>)
    } else {
    }
    return
  }
}

#map = affine_map<(d0, d1) -> (0, 0)>
#map1 = affine_map<(d0, d1) -> (0, 0, 0)>
module attributes {stable_mosaic.version = 14 : i64} {
  func.func @_scatter_body(%arg0: i32, %arg1: i32, %arg2: memref<160000x128xf32, #tpu.memory_space<hbm>>, %arg3: memref<1250x1x128xi32, #tpu.memory_space<hbm>>, %arg4: memref<10112x128xf32, #tpu.memory_space<hbm>>, %arg5: memref<2x10112x128xf32, #tpu.memory_space<hbm>>, %arg6: memref<2x16x10112xf32, #tpu.memory_space<hbm>>, %arg7: memref<1x128xi32, #tpu.memory_space<vmem>>, %arg8: memref<1x128xi32, #tpu.memory_space<vmem>>, %arg9: memref<128x128xf32, #tpu.memory_space<vmem>>, %arg10: memref<128x128xf32, #tpu.memory_space<vmem>>, %arg11: memref<10112xf32, #tpu.memory_space<vmem>>, %arg12: memref<10112x128xf32, #tpu.memory_space<vmem_shared>>, %arg13: memref<!tpu.dma_semaphore, #tpu.memory_space<semaphore_mem>>, %arg14: memref<!tpu.dma_semaphore, #tpu.memory_space<semaphore_mem>>, %arg15: memref<!tpu.dma_semaphore, #tpu.memory_space<semaphore_mem>>, %arg16: memref<!tpu.dma_semaphore, #tpu.memory_space<semaphore_mem>>) attributes {dimension_semantics = [#tpu.dimension_semantics<core_parallel>, #tpu.dimension_semantics<subcore_parallel>], iteration_bounds = array<i64: 2, 16>, scalar_prefetch = 0 : i64, scratch_operands = 10 : i64, tpu.core_type = #tpu.core_type<sc_vector_subcore>, window_params = [{transform_indices = #map}, {transform_indices = #map1}, {transform_indices = #map}, {transform_indices = #map1}, {transform_indices = #map1}]} {
    %mul3A = arith.constant 16 : i32
    %mul3A_0 = arith.muli %arg0, %mul3A : i32
    %add3A = arith.addi %mul3A_0, %arg1 : i32
    %lt3A = arith.constant 2 : i32
    %lt3A_1 = arith.cmpi slt, %add3A, %lt3A : i32
    %jit3A = arith.constant 1 : i32
    %jit3A_2 = arith.constant 0 : i32
    %select_n3A = arith.select %lt3A_1, %jit3A, %jit3A_2 : i32
    %add3A_3 = arith.constant 39 : i32
    %add3A_4 = arith.addi %add3A_3, %select_n3A : i32
    %mul3A_5 = arith.constant 632 : i32
    %mul3A_6 = arith.muli %arg1, %mul3A_5 : i32
    %mul3A_7 = arith.constant 632 : i32
    %mul3A_8 = arith.muli %arg1, %mul3A_7 : i32
    "tpu.region"() ({
      %run_scoped3A = tpu.sem_alloc : memref<!tpu.dma_semaphore, #tpu.memory_space<semaphore_mem>>
      %dma_start3A_89 = arith.constant 0 : i32
      %dma_start3A_90 = tpu.memref_slice %arg12[%mul3A_8, %dma_start3A_89] : memref<10112x128xf32, #tpu.memory_space<vmem_shared>> -> memref<632x128xf32, #tpu.memory_space<vmem_shared>>
      %dma_start3A_91 = arith.constant 0 : i32
      %dma_start3A_92 = tpu.memref_slice %arg4[%mul3A_6, %dma_start3A_91] : memref<10112x128xf32, #tpu.memory_space<hbm>> -> memref<632x128xf32, #tpu.memory_space<hbm>>
      tpu.enqueue_dma source(%dma_start3A_92 : memref<632x128xf32, #tpu.memory_space<hbm>>) target(%dma_start3A_90 : memref<632x128xf32, #tpu.memory_space<vmem_shared>>) target_semaphore(%run_scoped3A : memref<!tpu.dma_semaphore, #tpu.memory_space<semaphore_mem>>)
      %dma_wait3A = arith.constant 0 : i32
      %dma_wait3A_93 = tpu.memref_slice %arg12[%mul3A_8, %dma_wait3A] : memref<10112x128xf32, #tpu.memory_space<vmem_shared>> -> memref<632x128xf32, #tpu.memory_space<vmem_shared>>
      %dma_wait3A_94 = arith.constant 0 : i32
      %dma_wait3A_95 = tpu.memref_slice %arg4[%mul3A_6, %dma_wait3A_94] : memref<10112x128xf32, #tpu.memory_space<hbm>> -> memref<632x128xf32, #tpu.memory_space<hbm>>
      tpu.wait_dma2 semaphore(%run_scoped3A : memref<!tpu.dma_semaphore, #tpu.memory_space<semaphore_mem>>) src(%dma_wait3A_95 : memref<632x128xf32, #tpu.memory_space<hbm>>) dst(%dma_wait3A_93 : memref<632x128xf32, #tpu.memory_space<vmem_shared>>)
      tpu.yield
    }) : () -> ()
    %broadcast_in_dim3A = arith.constant 0.000000e+00 : f32
    %broadcast_in_dim3A_9 = vector.broadcast %broadcast_in_dim3A : f32 to vector<16xf32>
    %scan3A = arith.constant 0 : i32
    %scan3A_10 = arith.constant 0 : i32
    %scan3A_11 = arith.constant 632 : i32
    %scan3A_12 = arith.addi %scan3A_10, %scan3A_11 : i32
    %scan3A_13 = arith.constant 1 : i32
    scf.for %scan3A_89 = %scan3A_10 to %scan3A_12 step %scan3A_13  : i32 {
      %mul3A_90 = arith.constant 16 : i32
      %mul3A_91 = arith.muli %scan3A_89, %mul3A_90 : i32
      %swap3A = arith.index_cast %mul3A_91 : i32 to index
      %swap3A_92 = tpu.vector_load %arg11[%swap3A] {strides = array<i32>} : memref<10112xf32, #tpu.memory_space<vmem>>, vector<16xf32>,
      tpu.vector_store %arg11[%swap3A], %broadcast_in_dim3A_9 {strides = array<i32>} : memref<10112xf32, #tpu.memory_space<vmem>>, vector<16xf32>,
    }
    %scan3A_14 = arith.constant 632 : i32
    %barrier3A = arith.constant 0 : index
    tpu.barrier barrier_id(%barrier3A)
    %broadcast_in_dim3A_15 = arith.constant 1.000000e+00 : f32
    %broadcast_in_dim3A_16 = vector.broadcast %broadcast_in_dim3A_15 : f32 to vector<16xf32>
    %dma_start3A = arith.constant 0 : i32
    %dma_start3A_17 = arith.constant 0 : i32
    %dma_start3A_18 = tpu.memref_slice %arg3[%add3A, %dma_start3A, %dma_start3A_17] : memref<1250x1x128xi32, #tpu.memory_space<hbm>> -> memref<1x1x128xi32, #tpu.memory_space<hbm>>
    %dma_start3A_19 = tpu.memref_squeeze %dma_start3A_18 : memref<1x1x128xi32, #tpu.memory_space<hbm>> -> memref<1x128xi32, #tpu.memory_space<hbm>>
    %dma_start3A_20 = arith.constant 0 : i32
    %dma_start3A_21 = arith.constant 0 : i32
    %dma_start3A_22 = tpu.memref_slice %arg3[%add3A, %dma_start3A_20, %dma_start3A_21] : memref<1250x1x128xi32, #tpu.memory_space<hbm>> -> memref<1x1x128xi32, #tpu.memory_space<hbm>>
    %dma_start3A_23 = tpu.memref_squeeze %dma_start3A_22 : memref<1x1x128xi32, #tpu.memory_space<hbm>> -> memref<1x128xi32, #tpu.memory_space<hbm>>
    tpu.enqueue_dma source(%dma_start3A_23 : memref<1x128xi32, #tpu.memory_space<hbm>>) target(%arg7 : memref<1x128xi32, #tpu.memory_space<vmem>>) target_semaphore(%arg13 : memref<!tpu.dma_semaphore, #tpu.memory_space<semaphore_mem>>)
    %mul3A_24 = arith.constant 128 : i32
    %mul3A_25 = arith.muli %add3A, %mul3A_24 : i32
    %dma_start3A_26 = arith.constant 0 : i32
    %dma_start3A_27 = tpu.memref_slice %arg2[%mul3A_25, %dma_start3A_26] : memref<160000x128xf32, #tpu.memory_space<hbm>> -> memref<128x128xf32, #tpu.memory_space<hbm>>
    %dma_start3A_28 = arith.constant 0 : i32
    %dma_start3A_29 = tpu.memref_slice %arg2[%mul3A_25, %dma_start3A_28] : memref<160000x128xf32, #tpu.memory_space<hbm>> -> memref<128x128xf32, #tpu.memory_space<hbm>>
    tpu.enqueue_dma source(%dma_start3A_29 : memref<128x128xf32, #tpu.memory_space<hbm>>) target(%arg9 : memref<128x128xf32, #tpu.memory_space<vmem>>) target_semaphore(%arg13 : memref<!tpu.dma_semaphore, #tpu.memory_space<semaphore_mem>>)
    %scan3A_30 = arith.constant 0 : i32
    %scan3A_31 = arith.constant 0 : i32
    %scan3A_32 = arith.constant 20 : i32
    %scan3A_33 = arith.addi %scan3A_31, %scan3A_32 : i32
    %scan3A_34 = arith.constant 1 : i32
    scf.for %scan3A_89 = %scan3A_31 to %scan3A_33 step %scan3A_34  : i32 {
      %mul3A_90 = arith.constant 2 : i32
      %mul3A_91 = arith.muli %mul3A_90, %scan3A_89 : i32
      %add3A_92 = arith.constant 1 : i32
      %add3A_93 = arith.addi %mul3A_91, %add3A_92 : i32
      %lt3A_94 = arith.cmpi slt, %add3A_93, %add3A_4 : i32
      %convert_element_type3A_95 = arith.extui %lt3A_94 : i1 to i32
      %cond3A_96 = arith.constant 0 : i32
      %cond3A_97 = arith.cmpi ne, %convert_element_type3A_95, %cond3A_96 : i32
      scf.if %cond3A_97 {
        %ge3A_106 = arith.constant 2 : i32
        %ge3A_107 = arith.cmpi sge, %add3A_93, %ge3A_106 : i32
        %convert_element_type3A_108 = arith.extui %ge3A_107 : i1 to i32
        %cond3A_109 = arith.constant 0 : i32
        %cond3A_110 = arith.cmpi ne, %convert_element_type3A_108, %cond3A_109 : i32
        scf.if %cond3A_110 {
          %dma_wait3A = arith.constant 0 : i32
          %dma_wait3A_128 = arith.constant 0 : i32
          %dma_wait3A_129 = tpu.memref_slice %arg8[%dma_wait3A, %dma_wait3A_128] : memref<1x128xi32, #tpu.memory_space<vmem>> -> memref<1x128xi32, #tpu.memory_space<vmem>>
          %dma_wait3A_130 = tpu.memref_squeeze %dma_wait3A_129 : memref<1x128xi32, #tpu.memory_space<vmem>> -> memref<128xi32, #tpu.memory_space<vmem>>
          %dma_wait3A_131 = arith.constant 0 : i32
          %dma_wait3A_132 = arith.constant 0 : i32
          %dma_wait3A_133 = tpu.memref_slice %arg12[%dma_wait3A_131, %dma_wait3A_132] : memref<10112x128xf32, #tpu.memory_space<vmem_shared>> -> memref<10112x128xf32, #tpu.memory_space<vmem_shared>>
          tpu.wait_indirect_dma semaphore(%arg16 : memref<!tpu.dma_semaphore, #tpu.memory_space<semaphore_mem>>) src(%arg10 : memref<128x128xf32, #tpu.memory_space<vmem>>) dst(%dma_wait3A_133 : memref<10112x128xf32, #tpu.memory_space<vmem_shared>>)
        } else {
        }
        %mul3A_111 = arith.constant 32 : i32
        %mul3A_112 = arith.muli %mul3A_111, %add3A_93 : i32
        %add3A_113 = arith.addi %add3A, %mul3A_112 : i32
        %dma_start3A_114 = arith.constant 0 : i32
        %dma_start3A_115 = arith.constant 0 : i32
        %dma_start3A_116 = tpu.memref_slice %arg3[%add3A_113, %dma_start3A_114, %dma_start3A_115] : memref<1250x1x128xi32, #tpu.memory_space<hbm>> -> memref<1x1x128xi32, #tpu.memory_space<hbm>>
        %dma_start3A_117 = tpu.memref_squeeze %dma_start3A_116 : memref<1x1x128xi32, #tpu.memory_space<hbm>> -> memref<1x128xi32, #tpu.memory_space<hbm>>
        %dma_start3A_118 = arith.constant 0 : i32
        %dma_start3A_119 = arith.constant 0 : i32
        %dma_start3A_120 = tpu.memref_slice %arg3[%add3A_113, %dma_start3A_118, %dma_start3A_119] : memref<1250x1x128xi32, #tpu.memory_space<hbm>> -> memref<1x1x128xi32, #tpu.memory_space<hbm>>
        %dma_start3A_121 = tpu.memref_squeeze %dma_start3A_120 : memref<1x1x128xi32, #tpu.memory_space<hbm>> -> memref<1x128xi32, #tpu.memory_space<hbm>>
        tpu.enqueue_dma source(%dma_start3A_121 : memref<1x128xi32, #tpu.memory_space<hbm>>) target(%arg8 : memref<1x128xi32, #tpu.memory_space<vmem>>) target_semaphore(%arg14 : memref<!tpu.dma_semaphore, #tpu.memory_space<semaphore_mem>>)
        %mul3A_122 = arith.constant 128 : i32
        %mul3A_123 = arith.muli %add3A_113, %mul3A_122 : i32
        %dma_start3A_124 = arith.constant 0 : i32
        %dma_start3A_125 = tpu.memref_slice %arg2[%mul3A_123, %dma_start3A_124] : memref<160000x128xf32, #tpu.memory_space<hbm>> -> memref<128x128xf32, #tpu.memory_space<hbm>>
        %dma_start3A_126 = arith.constant 0 : i32
        %dma_start3A_127 = tpu.memref_slice %arg2[%mul3A_123, %dma_start3A_126] : memref<160000x128xf32, #tpu.memory_space<hbm>> -> memref<128x128xf32, #tpu.memory_space<hbm>>
        tpu.enqueue_dma source(%dma_start3A_127 : memref<128x128xf32, #tpu.memory_space<hbm>>) target(%arg10 : memref<128x128xf32, #tpu.memory_space<vmem>>) target_semaphore(%arg14 : memref<!tpu.dma_semaphore, #tpu.memory_space<semaphore_mem>>)
      } else {
      }
      %lt3A_98 = arith.cmpi slt, %mul3A_91, %add3A_4 : i32
      %convert_element_type3A_99 = arith.extui %lt3A_98 : i1 to i32
      %cond3A_100 = arith.constant 0 : i32
      %cond3A_101 = arith.cmpi ne, %convert_element_type3A_99, %cond3A_100 : i32
      scf.if %cond3A_101 {
        %mul3A_106 = arith.constant 32 : i32
        %mul3A_107 = arith.muli %mul3A_106, %mul3A_91 : i32
        %add3A_108 = arith.addi %add3A, %mul3A_107 : i32
        %dma_wait3A = arith.constant 0 : i32
        %dma_wait3A_109 = arith.constant 0 : i32
        %dma_wait3A_110 = tpu.memref_slice %arg3[%add3A_108, %dma_wait3A, %dma_wait3A_109] : memref<1250x1x128xi32, #tpu.memory_space<hbm>> -> memref<1x1x128xi32, #tpu.memory_space<hbm>>
        %dma_wait3A_111 = tpu.memref_squeeze %dma_wait3A_110 : memref<1x1x128xi32, #tpu.memory_space<hbm>> -> memref<1x128xi32, #tpu.memory_space<hbm>>
        %dma_wait3A_112 = arith.constant 0 : i32
        %dma_wait3A_113 = arith.constant 0 : i32
        %dma_wait3A_114 = tpu.memref_slice %arg3[%add3A_108, %dma_wait3A_112, %dma_wait3A_113] : memref<1250x1x128xi32, #tpu.memory_space<hbm>> -> memref<1x1x128xi32, #tpu.memory_space<hbm>>
        %dma_wait3A_115 = tpu.memref_squeeze %dma_wait3A_114 : memref<1x1x128xi32, #tpu.memory_space<hbm>> -> memref<1x128xi32, #tpu.memory_space<hbm>>
        tpu.wait_dma2 semaphore(%arg13 : memref<!tpu.dma_semaphore, #tpu.memory_space<semaphore_mem>>) src(%dma_wait3A_115 : memref<1x128xi32, #tpu.memory_space<hbm>>) dst(%arg7 : memref<1x128xi32, #tpu.memory_space<vmem>>)
        %mul3A_116 = arith.constant 128 : i32
        %mul3A_117 = arith.muli %add3A_108, %mul3A_116 : i32
        %dma_wait3A_118 = arith.constant 0 : i32
        %dma_wait3A_119 = tpu.memref_slice %arg2[%mul3A_117, %dma_wait3A_118] : memref<160000x128xf32, #tpu.memory_space<hbm>> -> memref<128x128xf32, #tpu.memory_space<hbm>>
        %dma_wait3A_120 = arith.constant 0 : i32
        %dma_wait3A_121 = tpu.memref_slice %arg2[%mul3A_117, %dma_wait3A_120] : memref<160000x128xf32, #tpu.memory_space<hbm>> -> memref<128x128xf32, #tpu.memory_space<hbm>>
        tpu.wait_dma2 semaphore(%arg13 : memref<!tpu.dma_semaphore, #tpu.memory_space<semaphore_mem>>) src(%dma_wait3A_121 : memref<128x128xf32, #tpu.memory_space<hbm>>) dst(%arg9 : memref<128x128xf32, #tpu.memory_space<vmem>>)
        %dma_start3A_122 = arith.constant 0 : i32
        %dma_start3A_123 = arith.constant 0 : i32
        %dma_start3A_124 = tpu.memref_slice %arg7[%dma_start3A_122, %dma_start3A_123] : memref<1x128xi32, #tpu.memory_space<vmem>> -> memref<1x128xi32, #tpu.memory_space<vmem>>
        %dma_start3A_125 = tpu.memref_squeeze %dma_start3A_124 : memref<1x128xi32, #tpu.memory_space<vmem>> -> memref<128xi32, #tpu.memory_space<vmem>>
        %dma_start3A_126 = arith.constant 0 : i32
        %dma_start3A_127 = arith.constant 0 : i32
        %dma_start3A_128 = tpu.memref_slice %arg12[%dma_start3A_126, %dma_start3A_127] : memref<10112x128xf32, #tpu.memory_space<vmem_shared>> -> memref<10112x128xf32, #tpu.memory_space<vmem_shared>>
        tpu.enqueue_indirect_dma source(%arg9 : memref<128x128xf32, #tpu.memory_space<vmem>>) target(%dma_start3A_128 : memref<10112x128xf32, #tpu.memory_space<vmem_shared>>) offsets(%dma_start3A_125 : memref<128xi32, #tpu.memory_space<vmem>>) semaphore(%arg15 : memref<!tpu.dma_semaphore, #tpu.memory_space<semaphore_mem>>) {add = true}
        %get3A = arith.constant 0 : i32
        %get3A_129 = arith.index_cast %get3A : i32 to index
        %get3A_130 = arith.constant 0 : index
        %get3A_131 = tpu.vector_load %arg7[%get3A_129, %get3A_130] {strides = array<i32>} : memref<1x128xi32, #tpu.memory_space<vmem>>, vector<16xi32>,
        tpu.vector_store_idx %arg11[%get3A_131], %broadcast_in_dim3A_16 {add = true} : memref<10112xf32, #tpu.memory_space<vmem>>[vector<16xi32>], vector<16xf32>,
        %get3A_132 = arith.constant 0 : i32
        %get3A_133 = arith.index_cast %get3A_132 : i32 to index
        %get3A_134 = arith.constant 16 : index
        %get3A_135 = tpu.vector_load %arg7[%get3A_133, %get3A_134] {strides = array<i32>} : memref<1x128xi32, #tpu.memory_space<vmem>>, vector<16xi32>,
        tpu.vector_store_idx %arg11[%get3A_135], %broadcast_in_dim3A_16 {add = true} : memref<10112xf32, #tpu.memory_space<vmem>>[vector<16xi32>], vector<16xf32>,
        %get3A_136 = arith.constant 0 : i32
        %get3A_137 = arith.index_cast %get3A_136 : i32 to index
        %get3A_138 = arith.constant 32 : index
        %get3A_139 = tpu.vector_load %arg7[%get3A_137, %get3A_138] {strides = array<i32>} : memref<1x128xi32, #tpu.memory_space<vmem>>, vector<16xi32>,
        tpu.vector_store_idx %arg11[%get3A_139], %broadcast_in_dim3A_16 {add = true} : memref<10112xf32, #tpu.memory_space<vmem>>[vector<16xi32>], vector<16xf32>,
        %get3A_140 = arith.constant 0 : i32
        %get3A_141 = arith.index_cast %get3A_140 : i32 to index
        %get3A_142 = arith.constant 48 : index
        %get3A_143 = tpu.vector_load %arg7[%get3A_141, %get3A_142] {strides = array<i32>} : memref<1x128xi32, #tpu.memory_space<vmem>>, vector<16xi32>,
        tpu.vector_store_idx %arg11[%get3A_143], %broadcast_in_dim3A_16 {add = true} : memref<10112xf32, #tpu.memory_space<vmem>>[vector<16xi32>], vector<16xf32>,
        %get3A_144 = arith.constant 0 : i32
        %get3A_145 = arith.index_cast %get3A_144 : i32 to index
        %get3A_146 = arith.constant 64 : index
        %get3A_147 = tpu.vector_load %arg7[%get3A_145, %get3A_146] {strides = array<i32>} : memref<1x128xi32, #tpu.memory_space<vmem>>, vector<16xi32>,
        tpu.vector_store_idx %arg11[%get3A_147], %broadcast_in_dim3A_16 {add = true} : memref<10112xf32, #tpu.memory_space<vmem>>[vector<16xi32>], vector<16xf32>,
        %get3A_148 = arith.constant 0 : i32
        %get3A_149 = arith.index_cast %get3A_148 : i32 to index
        %get3A_150 = arith.constant 80 : index
        %get3A_151 = tpu.vector_load %arg7[%get3A_149, %get3A_150] {strides = array<i32>} : memref<1x128xi32, #tpu.memory_space<vmem>>, vector<16xi32>,
        tpu.vector_store_idx %arg11[%get3A_151], %broadcast_in_dim3A_16 {add = true} : memref<10112xf32, #tpu.memory_space<vmem>>[vector<16xi32>], vector<16xf32>,
        %get3A_152 = arith.constant 0 : i32
        %get3A_153 = arith.index_cast %get3A_152 : i32 to index
        %get3A_154 = arith.constant 96 : index
        %get3A_155 = tpu.vector_load %arg7[%get3A_153, %get3A_154] {strides = array<i32>} : memref<1x128xi32, #tpu.memory_space<vmem>>, vector<16xi32>,
        tpu.vector_store_idx %arg11[%get3A_155], %broadcast_in_dim3A_16 {add = true} : memref<10112xf32, #tpu.memory_space<vmem>>[vector<16xi32>], vector<16xf32>,
        %get3A_156 = arith.constant 0 : i32
        %get3A_157 = arith.index_cast %get3A_156 : i32 to index
        %get3A_158 = arith.constant 112 : index
        %get3A_159 = tpu.vector_load %arg7[%get3A_157, %get3A_158] {strides = array<i32>} : memref<1x128xi32, #tpu.memory_space<vmem>>, vector<16xi32>,
        tpu.vector_store_idx %arg11[%get3A_159], %broadcast_in_dim3A_16 {add = true} : memref<10112xf32, #tpu.memory_space<vmem>>[vector<16xi32>], vector<16xf32>,
      } else {
      }
      %lt3A_102 = arith.cmpi slt, %add3A_93, %add3A_4 : i32
      %convert_element_type3A_103 = arith.extui %lt3A_102 : i1 to i32
      %cond3A_104 = arith.constant 0 : i32
      %cond3A_105 = arith.cmpi ne, %convert_element_type3A_103, %cond3A_104 : i32
      scf.if %cond3A_105 {
        %add3A_106 = arith.constant 1 : i32
        %add3A_107 = arith.addi %add3A_93, %add3A_106 : i32
        %lt3A_108 = arith.cmpi slt, %add3A_107, %add3A_4 : i32
        %convert_element_type3A_109 = arith.extui %lt3A_108 : i1 to i32
        %cond3A_110 = arith.constant 0 : i32
        %cond3A_111 = arith.cmpi ne, %convert_element_type3A_109, %cond3A_110 : i32
        scf.if %cond3A_111 {
          %add3A_166 = arith.constant 1 : i32
          %add3A_167 = arith.addi %add3A_93, %add3A_166 : i32
          %ge3A_168 = arith.constant 2 : i32
          %ge3A_169 = arith.cmpi sge, %add3A_167, %ge3A_168 : i32
          %convert_element_type3A_170 = arith.extui %ge3A_169 : i1 to i32
          %cond3A_171 = arith.constant 0 : i32
          %cond3A_172 = arith.cmpi ne, %convert_element_type3A_170, %cond3A_171 : i32
          scf.if %cond3A_172 {
            %dma_wait3A_190 = arith.constant 0 : i32
            %dma_wait3A_191 = arith.constant 0 : i32
            %dma_wait3A_192 = tpu.memref_slice %arg7[%dma_wait3A_190, %dma_wait3A_191] : memref<1x128xi32, #tpu.memory_space<vmem>> -> memref<1x128xi32, #tpu.memory_space<vmem>>
            %dma_wait3A_193 = tpu.memref_squeeze %dma_wait3A_192 : memref<1x128xi32, #tpu.memory_space<vmem>> -> memref<128xi32, #tpu.memory_space<vmem>>
            %dma_wait3A_194 = arith.constant 0 : i32
            %dma_wait3A_195 = arith.constant 0 : i32
            %dma_wait3A_196 = tpu.memref_slice %arg12[%dma_wait3A_194, %dma_wait3A_195] : memref<10112x128xf32, #tpu.memory_space<vmem_shared>> -> memref<10112x128xf32, #tpu.memory_space<vmem_shared>>
            tpu.wait_indirect_dma semaphore(%arg15 : memref<!tpu.dma_semaphore, #tpu.memory_space<semaphore_mem>>) src(%arg9 : memref<128x128xf32, #tpu.memory_space<vmem>>) dst(%dma_wait3A_196 : memref<10112x128xf32, #tpu.memory_space<vmem_shared>>)
          } else {
          }
          %mul3A_173 = arith.constant 32 : i32
          %mul3A_174 = arith.muli %mul3A_173, %add3A_167 : i32
          %add3A_175 = arith.addi %add3A, %mul3A_174 : i32
          %dma_start3A_176 = arith.constant 0 : i32
          %dma_start3A_177 = arith.constant 0 : i32
          %dma_start3A_178 = tpu.memref_slice %arg3[%add3A_175, %dma_start3A_176, %dma_start3A_177] : memref<1250x1x128xi32, #tpu.memory_space<hbm>> -> memref<1x1x128xi32, #tpu.memory_space<hbm>>
          %dma_start3A_179 = tpu.memref_squeeze %dma_start3A_178 : memref<1x1x128xi32, #tpu.memory_space<hbm>> -> memref<1x128xi32, #tpu.memory_space<hbm>>
          %dma_start3A_180 = arith.constant 0 : i32
          %dma_start3A_181 = arith.constant 0 : i32
          %dma_start3A_182 = tpu.memref_slice %arg3[%add3A_175, %dma_start3A_180, %dma_start3A_181] : memref<1250x1x128xi32, #tpu.memory_space<hbm>> -> memref<1x1x128xi32, #tpu.memory_space<hbm>>
          %dma_start3A_183 = tpu.memref_squeeze %dma_start3A_182 : memref<1x1x128xi32, #tpu.memory_space<hbm>> -> memref<1x128xi32, #tpu.memory_space<hbm>>
          tpu.enqueue_dma source(%dma_start3A_183 : memref<1x128xi32, #tpu.memory_space<hbm>>) target(%arg7 : memref<1x128xi32, #tpu.memory_space<vmem>>) target_semaphore(%arg13 : memref<!tpu.dma_semaphore, #tpu.memory_space<semaphore_mem>>)
          %mul3A_184 = arith.constant 128 : i32
          %mul3A_185 = arith.muli %add3A_175, %mul3A_184 : i32
          %dma_start3A_186 = arith.constant 0 : i32
          %dma_start3A_187 = tpu.memref_slice %arg2[%mul3A_185, %dma_start3A_186] : memref<160000x128xf32, #tpu.memory_space<hbm>> -> memref<128x128xf32, #tpu.memory_space<hbm>>
          %dma_start3A_188 = arith.constant 0 : i32
          %dma_start3A_189 = tpu.memref_slice %arg2[%mul3A_185, %dma_start3A_188] : memref<160000x128xf32, #tpu.memory_space<hbm>> -> memref<128x128xf32, #tpu.memory_space<hbm>>
          tpu.enqueue_dma source(%dma_start3A_189 : memref<128x128xf32, #tpu.memory_space<hbm>>) target(%arg9 : memref<128x128xf32, #tpu.memory_space<vmem>>) target_semaphore(%arg13 : memref<!tpu.dma_semaphore, #tpu.memory_space<semaphore_mem>>)
        } else {
        }
        %mul3A_112 = arith.constant 32 : i32
        %mul3A_113 = arith.muli %mul3A_112, %add3A_93 : i32
        %add3A_114 = arith.addi %add3A, %mul3A_113 : i32
        %dma_wait3A = arith.constant 0 : i32
        %dma_wait3A_115 = arith.constant 0 : i32
        %dma_wait3A_116 = tpu.memref_slice %arg3[%add3A_114, %dma_wait3A, %dma_wait3A_115] : memref<1250x1x128xi32, #tpu.memory_space<hbm>> -> memref<1x1x128xi32, #tpu.memory_space<hbm>>
        %dma_wait3A_117 = tpu.memref_squeeze %dma_wait3A_116 : memref<1x1x128xi32, #tpu.memory_space<hbm>> -> memref<1x128xi32, #tpu.memory_space<hbm>>
        %dma_wait3A_118 = arith.constant 0 : i32
        %dma_wait3A_119 = arith.constant 0 : i32
        %dma_wait3A_120 = tpu.memref_slice %arg3[%add3A_114, %dma_wait3A_118, %dma_wait3A_119] : memref<1250x1x128xi32, #tpu.memory_space<hbm>> -> memref<1x1x128xi32, #tpu.memory_space<hbm>>
        %dma_wait3A_121 = tpu.memref_squeeze %dma_wait3A_120 : memref<1x1x128xi32, #tpu.memory_space<hbm>> -> memref<1x128xi32, #tpu.memory_space<hbm>>
        tpu.wait_dma2 semaphore(%arg14 : memref<!tpu.dma_semaphore, #tpu.memory_space<semaphore_mem>>) src(%dma_wait3A_121 : memref<1x128xi32, #tpu.memory_space<hbm>>) dst(%arg8 : memref<1x128xi32, #tpu.memory_space<vmem>>)
        %mul3A_122 = arith.constant 128 : i32
        %mul3A_123 = arith.muli %add3A_114, %mul3A_122 : i32
        %dma_wait3A_124 = arith.constant 0 : i32
        %dma_wait3A_125 = tpu.memref_slice %arg2[%mul3A_123, %dma_wait3A_124] : memref<160000x128xf32, #tpu.memory_space<hbm>> -> memref<128x128xf32, #tpu.memory_space<hbm>>
        %dma_wait3A_126 = arith.constant 0 : i32
        %dma_wait3A_127 = tpu.memref_slice %arg2[%mul3A_123, %dma_wait3A_126] : memref<160000x128xf32, #tpu.memory_space<hbm>> -> memref<128x128xf32, #tpu.memory_space<hbm>>
        tpu.wait_dma2 semaphore(%arg14 : memref<!tpu.dma_semaphore, #tpu.memory_space<semaphore_mem>>) src(%dma_wait3A_127 : memref<128x128xf32, #tpu.memory_space<hbm>>) dst(%arg10 : memref<128x128xf32, #tpu.memory_space<vmem>>)
        %dma_start3A_128 = arith.constant 0 : i32
        %dma_start3A_129 = arith.constant 0 : i32
        %dma_start3A_130 = tpu.memref_slice %arg8[%dma_start3A_128, %dma_start3A_129] : memref<1x128xi32, #tpu.memory_space<vmem>> -> memref<1x128xi32, #tpu.memory_space<vmem>>
        %dma_start3A_131 = tpu.memref_squeeze %dma_start3A_130 : memref<1x128xi32, #tpu.memory_space<vmem>> -> memref<128xi32, #tpu.memory_space<vmem>>
        %dma_start3A_132 = arith.constant 0 : i32
        %dma_start3A_133 = arith.constant 0 : i32
        %dma_start3A_134 = tpu.memref_slice %arg12[%dma_start3A_132, %dma_start3A_133] : memref<10112x128xf32, #tpu.memory_space<vmem_shared>> -> memref<10112x128xf32, #tpu.memory_space<vmem_shared>>
        tpu.enqueue_indirect_dma source(%arg10 : memref<128x128xf32, #tpu.memory_space<vmem>>) target(%dma_start3A_134 : memref<10112x128xf32, #tpu.memory_space<vmem_shared>>) offsets(%dma_start3A_131 : memref<128xi32, #tpu.memory_space<vmem>>) semaphore(%arg16 : memref<!tpu.dma_semaphore, #tpu.memory_space<semaphore_mem>>) {add = true}
        %get3A = arith.constant 0 : i32
        %get3A_135 = arith.index_cast %get3A : i32 to index
        %get3A_136 = arith.constant 0 : index
        %get3A_137 = tpu.vector_load %arg8[%get3A_135, %get3A_136] {strides = array<i32>} : memref<1x128xi32, #tpu.memory_space<vmem>>, vector<16xi32>,
        tpu.vector_store_idx %arg11[%get3A_137], %broadcast_in_dim3A_16 {add = true} : memref<10112xf32, #tpu.memory_space<vmem>>[vector<16xi32>], vector<16xf32>,
        %get3A_138 = arith.constant 0 : i32
        %get3A_139 = arith.index_cast %get3A_138 : i32 to index
        %get3A_140 = arith.constant 16 : index
        %get3A_141 = tpu.vector_load %arg8[%get3A_139, %get3A_140] {strides = array<i32>} : memref<1x128xi32, #tpu.memory_space<vmem>>, vector<16xi32>,
        tpu.vector_store_idx %arg11[%get3A_141], %broadcast_in_dim3A_16 {add = true} : memref<10112xf32, #tpu.memory_space<vmem>>[vector<16xi32>], vector<16xf32>,
        %get3A_142 = arith.constant 0 : i32
        %get3A_143 = arith.index_cast %get3A_142 : i32 to index
        %get3A_144 = arith.constant 32 : index
        %get3A_145 = tpu.vector_load %arg8[%get3A_143, %get3A_144] {strides = array<i32>} : memref<1x128xi32, #tpu.memory_space<vmem>>, vector<16xi32>,
        tpu.vector_store_idx %arg11[%get3A_145], %broadcast_in_dim3A_16 {add = true} : memref<10112xf32, #tpu.memory_space<vmem>>[vector<16xi32>], vector<16xf32>,
        %get3A_146 = arith.constant 0 : i32
        %get3A_147 = arith.index_cast %get3A_146 : i32 to index
        %get3A_148 = arith.constant 48 : index
        %get3A_149 = tpu.vector_load %arg8[%get3A_147, %get3A_148] {strides = array<i32>} : memref<1x128xi32, #tpu.memory_space<vmem>>, vector<16xi32>,
        tpu.vector_store_idx %arg11[%get3A_149], %broadcast_in_dim3A_16 {add = true} : memref<10112xf32, #tpu.memory_space<vmem>>[vector<16xi32>], vector<16xf32>,
        %get3A_150 = arith.constant 0 : i32
        %get3A_151 = arith.index_cast %get3A_150 : i32 to index
        %get3A_152 = arith.constant 64 : index
        %get3A_153 = tpu.vector_load %arg8[%get3A_151, %get3A_152] {strides = array<i32>} : memref<1x128xi32, #tpu.memory_space<vmem>>, vector<16xi32>,
        tpu.vector_store_idx %arg11[%get3A_153], %broadcast_in_dim3A_16 {add = true} : memref<10112xf32, #tpu.memory_space<vmem>>[vector<16xi32>], vector<16xf32>,
        %get3A_154 = arith.constant 0 : i32
        %get3A_155 = arith.index_cast %get3A_154 : i32 to index
        %get3A_156 = arith.constant 80 : index
        %get3A_157 = tpu.vector_load %arg8[%get3A_155, %get3A_156] {strides = array<i32>} : memref<1x128xi32, #tpu.memory_space<vmem>>, vector<16xi32>,
        tpu.vector_store_idx %arg11[%get3A_157], %broadcast_in_dim3A_16 {add = true} : memref<10112xf32, #tpu.memory_space<vmem>>[vector<16xi32>], vector<16xf32>,
        %get3A_158 = arith.constant 0 : i32
        %get3A_159 = arith.index_cast %get3A_158 : i32 to index
        %get3A_160 = arith.constant 96 : index
        %get3A_161 = tpu.vector_load %arg8[%get3A_159, %get3A_160] {strides = array<i32>} : memref<1x128xi32, #tpu.memory_space<vmem>>, vector<16xi32>,
        tpu.vector_store_idx %arg11[%get3A_161], %broadcast_in_dim3A_16 {add = true} : memref<10112xf32, #tpu.memory_space<vmem>>[vector<16xi32>], vector<16xf32>,
        %get3A_162 = arith.constant 0 : i32
        %get3A_163 = arith.index_cast %get3A_162 : i32 to index
        %get3A_164 = arith.constant 112 : index
        %get3A_165 = tpu.vector_load %arg8[%get3A_163, %get3A_164] {strides = array<i32>} : memref<1x128xi32, #tpu.memory_space<vmem>>, vector<16xi32>,
        tpu.vector_store_idx %arg11[%get3A_165], %broadcast_in_dim3A_16 {add = true} : memref<10112xf32, #tpu.memory_space<vmem>>[vector<16xi32>], vector<16xf32>,
      } else {
      }
    }
    %scan3A_35 = arith.constant 20 : i32
    %sub3A = arith.constant 1 : i32
    %sub3A_36 = arith.subi %add3A_4, %sub3A : i32
    %sub3A_37 = arith.constant 1 : i32
    %sub3A_38 = arith.subi %add3A_4, %sub3A_37 : i32
    %sub3A_39 = arith.constant 0 : i32
    %sub3A_40 = arith.subi %sub3A_38, %sub3A_39 : i32
    %jit3A_41 = arith.constant 2 : i32
    %eq3A = arith.constant 0 : i32
    %eq3A_42 = arith.cmpi eq, %jit3A_41, %eq3A : i32
    %jit3A_43 = arith.constant 1 : i32
    %select_n3A_44 = arith.select %eq3A_42, %jit3A_43, %jit3A_41 : i32
    %rem3A = arith.remsi %sub3A_40, %select_n3A_44 : i32
    %ne3A = arith.constant 0 : i32
    %ne3A_45 = arith.cmpi ne, %rem3A, %ne3A : i32
    %lt3A_46 = arith.constant 0 : i32
    %lt3A_47 = arith.cmpi slt, %rem3A, %lt3A_46 : i32
    %lt3A_48 = arith.constant 0 : i32
    %lt3A_49 = arith.cmpi slt, %select_n3A_44, %lt3A_48 : i32
    %ne3A_50 = arith.xori %lt3A_47, %lt3A_49 : i1
    %and3A = arith.andi %ne3A_50, %ne3A_45 : i1
    %add3A_51 = arith.addi %rem3A, %select_n3A_44 : i32
    %select_n3A_52 = arith.select %and3A, %add3A_51, %rem3A : i32
    %sub3A_53 = arith.subi %sub3A_36, %select_n3A_52 : i32
    %ge3A = arith.constant 0 : i32
    %ge3A_54 = arith.cmpi sge, %sub3A_53, %ge3A : i32
    %convert_element_type3A = arith.extui %ge3A_54 : i1 to i32
    %cond3A = arith.constant 0 : i32
    %cond3A_55 = arith.cmpi ne, %convert_element_type3A, %cond3A : i32
    scf.if %cond3A_55 {
      %dma_wait3A = arith.constant 0 : i32
      %dma_wait3A_89 = arith.constant 0 : i32
      %dma_wait3A_90 = tpu.memref_slice %arg7[%dma_wait3A, %dma_wait3A_89] : memref<1x128xi32, #tpu.memory_space<vmem>> -> memref<1x128xi32, #tpu.memory_space<vmem>>
      %dma_wait3A_91 = tpu.memref_squeeze %dma_wait3A_90 : memref<1x128xi32, #tpu.memory_space<vmem>> -> memref<128xi32, #tpu.memory_space<vmem>>
      %dma_wait3A_92 = arith.constant 0 : i32
      %dma_wait3A_93 = arith.constant 0 : i32
      %dma_wait3A_94 = tpu.memref_slice %arg12[%dma_wait3A_92, %dma_wait3A_93] : memref<10112x128xf32, #tpu.memory_space<vmem_shared>> -> memref<10112x128xf32, #tpu.memory_space<vmem_shared>>
      tpu.wait_indirect_dma semaphore(%arg15 : memref<!tpu.dma_semaphore, #tpu.memory_space<semaphore_mem>>) src(%arg9 : memref<128x128xf32, #tpu.memory_space<vmem>>) dst(%dma_wait3A_94 : memref<10112x128xf32, #tpu.memory_space<vmem_shared>>)
    } else {
    }
    %sub3A_56 = arith.constant 1 : i32
    %sub3A_57 = arith.subi %add3A_4, %sub3A_56 : i32
    %sub3A_58 = arith.constant 1 : i32
    %sub3A_59 = arith.subi %add3A_4, %sub3A_58 : i32
    %sub3A_60 = arith.constant 1 : i32
    %sub3A_61 = arith.subi %sub3A_59, %sub3A_60 : i32
    %jit3A_62 = arith.constant 2 : i32
    %eq3A_63 = arith.constant 0 : i32
    %eq3A_64 = arith.cmpi eq, %jit3A_62, %eq3A_63 : i32
    %jit3A_65 = arith.constant 1 : i32
    %select_n3A_66 = arith.select %eq3A_64, %jit3A_65, %jit3A_62 : i32
    %rem3A_67 = arith.remsi %sub3A_61, %select_n3A_66 : i32
    %ne3A_68 = arith.constant 0 : i32
    %ne3A_69 = arith.cmpi ne, %rem3A_67, %ne3A_68 : i32
    %lt3A_70 = arith.constant 0 : i32
    %lt3A_71 = arith.cmpi slt, %rem3A_67, %lt3A_70 : i32
    %lt3A_72 = arith.constant 0 : i32
    %lt3A_73 = arith.cmpi slt, %select_n3A_66, %lt3A_72 : i32
    %ne3A_74 = arith.xori %lt3A_71, %lt3A_73 : i1
    %and3A_75 = arith.andi %ne3A_74, %ne3A_69 : i1
    %add3A_76 = arith.addi %rem3A_67, %select_n3A_66 : i32
    %select_n3A_77 = arith.select %and3A_75, %add3A_76, %rem3A_67 : i32
    %sub3A_78 = arith.subi %sub3A_57, %select_n3A_77 : i32
    %ge3A_79 = arith.constant 0 : i32
    %ge3A_80 = arith.cmpi sge, %sub3A_78, %ge3A_79 : i32
    %convert_element_type3A_81 = arith.extui %ge3A_80 : i1 to i32
    %cond3A_82 = arith.constant 0 : i32
    %cond3A_83 = arith.cmpi ne, %convert_element_type3A_81, %cond3A_82 : i32
    scf.if %cond3A_83 {
      %dma_wait3A = arith.constant 0 : i32
      %dma_wait3A_89 = arith.constant 0 : i32
      %dma_wait3A_90 = tpu.memref_slice %arg8[%dma_wait3A, %dma_wait3A_89] : memref<1x128xi32, #tpu.memory_space<vmem>> -> memref<1x128xi32, #tpu.memory_space<vmem>>
      %dma_wait3A_91 = tpu.memref_squeeze %dma_wait3A_90 : memref<1x128xi32, #tpu.memory_space<vmem>> -> memref<128xi32, #tpu.memory_space<vmem>>
      %dma_wait3A_92 = arith.constant 0 : i32
      %dma_wait3A_93 = arith.constant 0 : i32
      %dma_wait3A_94 = tpu.memref_slice %arg12[%dma_wait3A_92, %dma_wait3A_93] : memref<10112x128xf32, #tpu.memory_space<vmem_shared>> -> memref<10112x128xf32, #tpu.memory_space<vmem_shared>>
      tpu.wait_indirect_dma semaphore(%arg16 : memref<!tpu.dma_semaphore, #tpu.memory_space<semaphore_mem>>) src(%arg10 : memref<128x128xf32, #tpu.memory_space<vmem>>) dst(%dma_wait3A_94 : memref<10112x128xf32, #tpu.memory_space<vmem_shared>>)
    } else {
    }
    %barrier3A_84 = arith.constant 0 : index
    tpu.barrier barrier_id(%barrier3A_84)
    %mul3A_85 = arith.constant 632 : i32
    %mul3A_86 = arith.muli %arg1, %mul3A_85 : i32
    %mul3A_87 = arith.constant 632 : i32
    %mul3A_88 = arith.muli %arg1, %mul3A_87 : i32
    "tpu.region"() ({
      %run_scoped3A = tpu.sem_alloc : memref<!tpu.dma_semaphore, #tpu.memory_space<semaphore_mem>>
      %dma_start3A_89 = arith.constant 0 : i32
      %dma_start3A_90 = tpu.memref_slice %arg5[%arg0, %mul3A_88, %dma_start3A_89] : memref<2x10112x128xf32, #tpu.memory_space<hbm>> -> memref<1x632x128xf32, #tpu.memory_space<hbm>>
      %dma_start3A_91 = tpu.memref_squeeze %dma_start3A_90 : memref<1x632x128xf32, #tpu.memory_space<hbm>> -> memref<632x128xf32, #tpu.memory_space<hbm>>
      %dma_start3A_92 = arith.constant 0 : i32
      %dma_start3A_93 = tpu.memref_slice %arg12[%mul3A_86, %dma_start3A_92] : memref<10112x128xf32, #tpu.memory_space<vmem_shared>> -> memref<632x128xf32, #tpu.memory_space<vmem_shared>>
      tpu.enqueue_dma source(%dma_start3A_93 : memref<632x128xf32, #tpu.memory_space<vmem_shared>>) target(%dma_start3A_91 : memref<632x128xf32, #tpu.memory_space<hbm>>) target_semaphore(%run_scoped3A : memref<!tpu.dma_semaphore, #tpu.memory_space<semaphore_mem>>)
      %dma_wait3A = arith.constant 0 : i32
      %dma_wait3A_94 = tpu.memref_slice %arg5[%arg0, %mul3A_88, %dma_wait3A] : memref<2x10112x128xf32, #tpu.memory_space<hbm>> -> memref<1x632x128xf32, #tpu.memory_space<hbm>>
      %dma_wait3A_95 = tpu.memref_squeeze %dma_wait3A_94 : memref<1x632x128xf32, #tpu.memory_space<hbm>> -> memref<632x128xf32, #tpu.memory_space<hbm>>
      %dma_wait3A_96 = arith.constant 0 : i32
      %dma_wait3A_97 = tpu.memref_slice %arg12[%mul3A_86, %dma_wait3A_96] : memref<10112x128xf32, #tpu.memory_space<vmem_shared>> -> memref<632x128xf32, #tpu.memory_space<vmem_shared>>
      tpu.wait_dma2 semaphore(%run_scoped3A : memref<!tpu.dma_semaphore, #tpu.memory_space<semaphore_mem>>) src(%dma_wait3A_97 : memref<632x128xf32, #tpu.memory_space<vmem_shared>>) dst(%dma_wait3A_95 : memref<632x128xf32, #tpu.memory_space<hbm>>)
      tpu.yield
    }) : () -> ()
    "tpu.region"() ({
      %run_scoped3A = tpu.sem_alloc : memref<!tpu.dma_semaphore, #tpu.memory_space<semaphore_mem>>
      %dma_start3A_89 = arith.constant 0 : i32
      %dma_start3A_90 = tpu.memref_slice %arg6[%arg0, %arg1, %dma_start3A_89] : memref<2x16x10112xf32, #tpu.memory_space<hbm>> -> memref<1x1x10112xf32, #tpu.memory_space<hbm>>
      %dma_start3A_91 = tpu.memref_squeeze %dma_start3A_90 : memref<1x1x10112xf32, #tpu.memory_space<hbm>> -> memref<10112xf32, #tpu.memory_space<hbm>>
      %dma_start3A_92 = arith.constant 0 : i32
      %dma_start3A_93 = tpu.memref_slice %arg6[%arg0, %arg1, %dma_start3A_92] : memref<2x16x10112xf32, #tpu.memory_space<hbm>> -> memref<1x1x10112xf32, #tpu.memory_space<hbm>>
      %dma_start3A_94 = tpu.memref_squeeze %dma_start3A_93 : memref<1x1x10112xf32, #tpu.memory_space<hbm>> -> memref<10112xf32, #tpu.memory_space<hbm>>
      tpu.enqueue_dma source(%arg11 : memref<10112xf32, #tpu.memory_space<vmem>>) target(%dma_start3A_94 : memref<10112xf32, #tpu.memory_space<hbm>>) target_semaphore(%run_scoped3A : memref<!tpu.dma_semaphore, #tpu.memory_space<semaphore_mem>>)
      %dma_wait3A = arith.constant 0 : i32
      %dma_wait3A_95 = tpu.memref_slice %arg6[%arg0, %arg1, %dma_wait3A] : memref<2x16x10112xf32, #tpu.memory_space<hbm>> -> memref<1x1x10112xf32, #tpu.memory_space<hbm>>
      %dma_wait3A_96 = tpu.memref_squeeze %dma_wait3A_95 : memref<1x1x10112xf32, #tpu.memory_space<hbm>> -> memref<10112xf32, #tpu.memory_space<hbm>>
      %dma_wait3A_97 = arith.constant 0 : i32
      %dma_wait3A_98 = tpu.memref_slice %arg6[%arg0, %arg1, %dma_wait3A_97] : memref<2x16x10112xf32, #tpu.memory_space<hbm>> -> memref<1x1x10112xf32, #tpu.memory_space<hbm>>
      %dma_wait3A_99 = tpu.memref_squeeze %dma_wait3A_98 : memref<1x1x10112xf32, #tpu.memory_space<hbm>> -> memref<10112xf32, #tpu.memory_space<hbm>>
      tpu.wait_dma2 semaphore(%run_scoped3A : memref<!tpu.dma_semaphore, #tpu.memory_space<semaphore_mem>>) src(%arg11 : memref<10112xf32, #tpu.memory_space<vmem>>) dst(%dma_wait3A_99 : memref<10112xf32, #tpu.memory_space<hbm>>)
      tpu.yield
    }) : () -> ()
    return
  }
}

#map = affine_map<(d0, d1) -> (0, 0)>
#map1 = affine_map<(d0, d1) -> (0, 0, 0)>
module attributes {stable_mosaic.version = 14 : i64} {
  func.func @_scatter_body(%arg0: i32, %arg1: i32, %arg2: memref<160000x128xf32, #tpu.memory_space<hbm>>, %arg3: memref<1250x1x128xi32, #tpu.memory_space<hbm>>, %arg4: memref<10112x128xf32, #tpu.memory_space<hbm>>, %arg5: memref<2x10112x128xf32, #tpu.memory_space<hbm>>, %arg6: memref<2x16x10112xf32, #tpu.memory_space<hbm>>, %arg7: memref<1x128xi32, #tpu.memory_space<vmem>>, %arg8: memref<1x128xi32, #tpu.memory_space<vmem>>, %arg9: memref<128x128xf32, #tpu.memory_space<vmem>>, %arg10: memref<128x128xf32, #tpu.memory_space<vmem>>, %arg11: memref<10112xf32, #tpu.memory_space<vmem>>, %arg12: memref<10112x128xf32, #tpu.memory_space<vmem_shared>>, %arg13: memref<!tpu.dma_semaphore, #tpu.memory_space<semaphore_mem>>, %arg14: memref<!tpu.dma_semaphore, #tpu.memory_space<semaphore_mem>>, %arg15: memref<!tpu.dma_semaphore, #tpu.memory_space<semaphore_mem>>, %arg16: memref<!tpu.dma_semaphore, #tpu.memory_space<semaphore_mem>>) attributes {dimension_semantics = [#tpu.dimension_semantics<core_parallel>, #tpu.dimension_semantics<subcore_parallel>], iteration_bounds = array<i64: 2, 16>, scalar_prefetch = 0 : i64, scratch_operands = 10 : i64, tpu.core_type = #tpu.core_type<sc_vector_subcore>, window_params = [{transform_indices = #map}, {transform_indices = #map1}, {transform_indices = #map}, {transform_indices = #map1}, {transform_indices = #map1}]} {
    %mul3A = arith.constant 16 : i32
    %mul3A_0 = arith.muli %arg0, %mul3A : i32
    %add3A = arith.addi %mul3A_0, %arg1 : i32
    %lt3A = arith.constant 2 : i32
    %lt3A_1 = arith.cmpi slt, %add3A, %lt3A : i32
    %jit3A = arith.constant 1 : i32
    %jit3A_2 = arith.constant 0 : i32
    %select_n3A = arith.select %lt3A_1, %jit3A, %jit3A_2 : i32
    %add3A_3 = arith.constant 39 : i32
    %add3A_4 = arith.addi %add3A_3, %select_n3A : i32
    %mul3A_5 = arith.constant 632 : i32
    %mul3A_6 = arith.muli %arg1, %mul3A_5 : i32
    %mul3A_7 = arith.constant 632 : i32
    %mul3A_8 = arith.muli %arg1, %mul3A_7 : i32
    "tpu.region"() ({
      %run_scoped3A = tpu.sem_alloc : memref<!tpu.dma_semaphore, #tpu.memory_space<semaphore_mem>>
      %dma_start3A_89 = arith.constant 0 : i32
      %dma_start3A_90 = tpu.memref_slice %arg12[%mul3A_8, %dma_start3A_89] : memref<10112x128xf32, #tpu.memory_space<vmem_shared>> -> memref<632x128xf32, #tpu.memory_space<vmem_shared>>
      %dma_start3A_91 = arith.constant 0 : i32
      %dma_start3A_92 = tpu.memref_slice %arg4[%mul3A_6, %dma_start3A_91] : memref<10112x128xf32, #tpu.memory_space<hbm>> -> memref<632x128xf32, #tpu.memory_space<hbm>>
      tpu.enqueue_dma source(%dma_start3A_92 : memref<632x128xf32, #tpu.memory_space<hbm>>) target(%dma_start3A_90 : memref<632x128xf32, #tpu.memory_space<vmem_shared>>) target_semaphore(%run_scoped3A : memref<!tpu.dma_semaphore, #tpu.memory_space<semaphore_mem>>)
      %dma_wait3A = arith.constant 0 : i32
      %dma_wait3A_93 = tpu.memref_slice %arg12[%mul3A_8, %dma_wait3A] : memref<10112x128xf32, #tpu.memory_space<vmem_shared>> -> memref<632x128xf32, #tpu.memory_space<vmem_shared>>
      %dma_wait3A_94 = arith.constant 0 : i32
      %dma_wait3A_95 = tpu.memref_slice %arg4[%mul3A_6, %dma_wait3A_94] : memref<10112x128xf32, #tpu.memory_space<hbm>> -> memref<632x128xf32, #tpu.memory_space<hbm>>
      tpu.wait_dma2 semaphore(%run_scoped3A : memref<!tpu.dma_semaphore, #tpu.memory_space<semaphore_mem>>) src(%dma_wait3A_95 : memref<632x128xf32, #tpu.memory_space<hbm>>) dst(%dma_wait3A_93 : memref<632x128xf32, #tpu.memory_space<vmem_shared>>)
      tpu.yield
    }) : () -> ()
    %broadcast_in_dim3A = arith.constant 0.000000e+00 : f32
    %broadcast_in_dim3A_9 = vector.broadcast %broadcast_in_dim3A : f32 to vector<16xf32>
    %scan3A = arith.constant 0 : i32
    %scan3A_10 = arith.constant 0 : i32
    %scan3A_11 = arith.constant 632 : i32
    %scan3A_12 = arith.addi %scan3A_10, %scan3A_11 : i32
    %scan3A_13 = arith.constant 1 : i32
    scf.for %scan3A_89 = %scan3A_10 to %scan3A_12 step %scan3A_13  : i32 {
      %mul3A_90 = arith.constant 16 : i32
      %mul3A_91 = arith.muli %scan3A_89, %mul3A_90 : i32
      %swap3A = arith.index_cast %mul3A_91 : i32 to index
      %swap3A_92 = tpu.vector_load %arg11[%swap3A] {strides = array<i32>} : memref<10112xf32, #tpu.memory_space<vmem>>, vector<16xf32>,
      tpu.vector_store %arg11[%swap3A], %broadcast_in_dim3A_9 {strides = array<i32>} : memref<10112xf32, #tpu.memory_space<vmem>>, vector<16xf32>,
    }
    %scan3A_14 = arith.constant 632 : i32
    %barrier3A = arith.constant 0 : index
    tpu.barrier barrier_id(%barrier3A)
    %broadcast_in_dim3A_15 = arith.constant 1.000000e+00 : f32
    %broadcast_in_dim3A_16 = vector.broadcast %broadcast_in_dim3A_15 : f32 to vector<16xf32>
    %dma_start3A = arith.constant 0 : i32
    %dma_start3A_17 = arith.constant 0 : i32
    %dma_start3A_18 = tpu.memref_slice %arg3[%add3A, %dma_start3A, %dma_start3A_17] : memref<1250x1x128xi32, #tpu.memory_space<hbm>> -> memref<1x1x128xi32, #tpu.memory_space<hbm>>
    %dma_start3A_19 = tpu.memref_squeeze %dma_start3A_18 : memref<1x1x128xi32, #tpu.memory_space<hbm>> -> memref<1x128xi32, #tpu.memory_space<hbm>>
    %dma_start3A_20 = arith.constant 0 : i32
    %dma_start3A_21 = arith.constant 0 : i32
    %dma_start3A_22 = tpu.memref_slice %arg3[%add3A, %dma_start3A_20, %dma_start3A_21] : memref<1250x1x128xi32, #tpu.memory_space<hbm>> -> memref<1x1x128xi32, #tpu.memory_space<hbm>>
    %dma_start3A_23 = tpu.memref_squeeze %dma_start3A_22 : memref<1x1x128xi32, #tpu.memory_space<hbm>> -> memref<1x128xi32, #tpu.memory_space<hbm>>
    tpu.enqueue_dma source(%dma_start3A_23 : memref<1x128xi32, #tpu.memory_space<hbm>>) target(%arg7 : memref<1x128xi32, #tpu.memory_space<vmem>>) target_semaphore(%arg13 : memref<!tpu.dma_semaphore, #tpu.memory_space<semaphore_mem>>)
    %mul3A_24 = arith.constant 128 : i32
    %mul3A_25 = arith.muli %add3A, %mul3A_24 : i32
    %dma_start3A_26 = arith.constant 0 : i32
    %dma_start3A_27 = tpu.memref_slice %arg2[%mul3A_25, %dma_start3A_26] : memref<160000x128xf32, #tpu.memory_space<hbm>> -> memref<128x128xf32, #tpu.memory_space<hbm>>
    %dma_start3A_28 = arith.constant 0 : i32
    %dma_start3A_29 = tpu.memref_slice %arg2[%mul3A_25, %dma_start3A_28] : memref<160000x128xf32, #tpu.memory_space<hbm>> -> memref<128x128xf32, #tpu.memory_space<hbm>>
    tpu.enqueue_dma source(%dma_start3A_29 : memref<128x128xf32, #tpu.memory_space<hbm>>) target(%arg9 : memref<128x128xf32, #tpu.memory_space<vmem>>) target_semaphore(%arg13 : memref<!tpu.dma_semaphore, #tpu.memory_space<semaphore_mem>>)
    %scan3A_30 = arith.constant 0 : i32
    %scan3A_31 = arith.constant 0 : i32
    %scan3A_32 = arith.constant 20 : i32
    %scan3A_33 = arith.addi %scan3A_31, %scan3A_32 : i32
    %scan3A_34 = arith.constant 1 : i32
    scf.for %scan3A_89 = %scan3A_31 to %scan3A_33 step %scan3A_34  : i32 {
      %mul3A_90 = arith.constant 2 : i32
      %mul3A_91 = arith.muli %mul3A_90, %scan3A_89 : i32
      %add3A_92 = arith.constant 1 : i32
      %add3A_93 = arith.addi %mul3A_91, %add3A_92 : i32
      %lt3A_94 = arith.cmpi slt, %add3A_93, %add3A_4 : i32
      %convert_element_type3A_95 = arith.extui %lt3A_94 : i1 to i32
      %cond3A_96 = arith.constant 0 : i32
      %cond3A_97 = arith.cmpi ne, %convert_element_type3A_95, %cond3A_96 : i32
      scf.if %cond3A_97 {
        %ge3A_106 = arith.constant 2 : i32
        %ge3A_107 = arith.cmpi sge, %add3A_93, %ge3A_106 : i32
        %convert_element_type3A_108 = arith.extui %ge3A_107 : i1 to i32
        %cond3A_109 = arith.constant 0 : i32
        %cond3A_110 = arith.cmpi ne, %convert_element_type3A_108, %cond3A_109 : i32
        scf.if %cond3A_110 {
          %dma_wait3A = arith.constant 0 : i32
          %dma_wait3A_128 = arith.constant 0 : i32
          %dma_wait3A_129 = tpu.memref_slice %arg8[%dma_wait3A, %dma_wait3A_128] : memref<1x128xi32, #tpu.memory_space<vmem>> -> memref<1x128xi32, #tpu.memory_space<vmem>>
          %dma_wait3A_130 = tpu.memref_squeeze %dma_wait3A_129 : memref<1x128xi32, #tpu.memory_space<vmem>> -> memref<128xi32, #tpu.memory_space<vmem>>
          %dma_wait3A_131 = arith.constant 0 : i32
          %dma_wait3A_132 = arith.constant 0 : i32
          %dma_wait3A_133 = tpu.memref_slice %arg12[%dma_wait3A_131, %dma_wait3A_132] : memref<10112x128xf32, #tpu.memory_space<vmem_shared>> -> memref<10112x128xf32, #tpu.memory_space<vmem_shared>>
          tpu.wait_indirect_dma semaphore(%arg16 : memref<!tpu.dma_semaphore, #tpu.memory_space<semaphore_mem>>) src(%arg10 : memref<128x128xf32, #tpu.memory_space<vmem>>) dst(%dma_wait3A_133 : memref<10112x128xf32, #tpu.memory_space<vmem_shared>>)
        } else {
        }
        %mul3A_111 = arith.constant 32 : i32
        %mul3A_112 = arith.muli %mul3A_111, %add3A_93 : i32
        %add3A_113 = arith.addi %add3A, %mul3A_112 : i32
        %dma_start3A_114 = arith.constant 0 : i32
        %dma_start3A_115 = arith.constant 0 : i32
        %dma_start3A_116 = tpu.memref_slice %arg3[%add3A_113, %dma_start3A_114, %dma_start3A_115] : memref<1250x1x128xi32, #tpu.memory_space<hbm>> -> memref<1x1x128xi32, #tpu.memory_space<hbm>>
        %dma_start3A_117 = tpu.memref_squeeze %dma_start3A_116 : memref<1x1x128xi32, #tpu.memory_space<hbm>> -> memref<1x128xi32, #tpu.memory_space<hbm>>
        %dma_start3A_118 = arith.constant 0 : i32
        %dma_start3A_119 = arith.constant 0 : i32
        %dma_start3A_120 = tpu.memref_slice %arg3[%add3A_113, %dma_start3A_118, %dma_start3A_119] : memref<1250x1x128xi32, #tpu.memory_space<hbm>> -> memref<1x1x128xi32, #tpu.memory_space<hbm>>
        %dma_start3A_121 = tpu.memref_squeeze %dma_start3A_120 : memref<1x1x128xi32, #tpu.memory_space<hbm>> -> memref<1x128xi32, #tpu.memory_space<hbm>>
        tpu.enqueue_dma source(%dma_start3A_121 : memref<1x128xi32, #tpu.memory_space<hbm>>) target(%arg8 : memref<1x128xi32, #tpu.memory_space<vmem>>) target_semaphore(%arg14 : memref<!tpu.dma_semaphore, #tpu.memory_space<semaphore_mem>>)
        %mul3A_122 = arith.constant 128 : i32
        %mul3A_123 = arith.muli %add3A_113, %mul3A_122 : i32
        %dma_start3A_124 = arith.constant 0 : i32
        %dma_start3A_125 = tpu.memref_slice %arg2[%mul3A_123, %dma_start3A_124] : memref<160000x128xf32, #tpu.memory_space<hbm>> -> memref<128x128xf32, #tpu.memory_space<hbm>>
        %dma_start3A_126 = arith.constant 0 : i32
        %dma_start3A_127 = tpu.memref_slice %arg2[%mul3A_123, %dma_start3A_126] : memref<160000x128xf32, #tpu.memory_space<hbm>> -> memref<128x128xf32, #tpu.memory_space<hbm>>
        tpu.enqueue_dma source(%dma_start3A_127 : memref<128x128xf32, #tpu.memory_space<hbm>>) target(%arg10 : memref<128x128xf32, #tpu.memory_space<vmem>>) target_semaphore(%arg14 : memref<!tpu.dma_semaphore, #tpu.memory_space<semaphore_mem>>)
      } else {
      }
      %lt3A_98 = arith.cmpi slt, %mul3A_91, %add3A_4 : i32
      %convert_element_type3A_99 = arith.extui %lt3A_98 : i1 to i32
      %cond3A_100 = arith.constant 0 : i32
      %cond3A_101 = arith.cmpi ne, %convert_element_type3A_99, %cond3A_100 : i32
      scf.if %cond3A_101 {
        %mul3A_106 = arith.constant 32 : i32
        %mul3A_107 = arith.muli %mul3A_106, %mul3A_91 : i32
        %add3A_108 = arith.addi %add3A, %mul3A_107 : i32
        %dma_wait3A = arith.constant 0 : i32
        %dma_wait3A_109 = arith.constant 0 : i32
        %dma_wait3A_110 = tpu.memref_slice %arg3[%add3A_108, %dma_wait3A, %dma_wait3A_109] : memref<1250x1x128xi32, #tpu.memory_space<hbm>> -> memref<1x1x128xi32, #tpu.memory_space<hbm>>
        %dma_wait3A_111 = tpu.memref_squeeze %dma_wait3A_110 : memref<1x1x128xi32, #tpu.memory_space<hbm>> -> memref<1x128xi32, #tpu.memory_space<hbm>>
        %dma_wait3A_112 = arith.constant 0 : i32
        %dma_wait3A_113 = arith.constant 0 : i32
        %dma_wait3A_114 = tpu.memref_slice %arg3[%add3A_108, %dma_wait3A_112, %dma_wait3A_113] : memref<1250x1x128xi32, #tpu.memory_space<hbm>> -> memref<1x1x128xi32, #tpu.memory_space<hbm>>
        %dma_wait3A_115 = tpu.memref_squeeze %dma_wait3A_114 : memref<1x1x128xi32, #tpu.memory_space<hbm>> -> memref<1x128xi32, #tpu.memory_space<hbm>>
        tpu.wait_dma2 semaphore(%arg13 : memref<!tpu.dma_semaphore, #tpu.memory_space<semaphore_mem>>) src(%dma_wait3A_115 : memref<1x128xi32, #tpu.memory_space<hbm>>) dst(%arg7 : memref<1x128xi32, #tpu.memory_space<vmem>>)
        %mul3A_116 = arith.constant 128 : i32
        %mul3A_117 = arith.muli %add3A_108, %mul3A_116 : i32
        %dma_wait3A_118 = arith.constant 0 : i32
        %dma_wait3A_119 = tpu.memref_slice %arg2[%mul3A_117, %dma_wait3A_118] : memref<160000x128xf32, #tpu.memory_space<hbm>> -> memref<128x128xf32, #tpu.memory_space<hbm>>
        %dma_wait3A_120 = arith.constant 0 : i32
        %dma_wait3A_121 = tpu.memref_slice %arg2[%mul3A_117, %dma_wait3A_120] : memref<160000x128xf32, #tpu.memory_space<hbm>> -> memref<128x128xf32, #tpu.memory_space<hbm>>
        tpu.wait_dma2 semaphore(%arg13 : memref<!tpu.dma_semaphore, #tpu.memory_space<semaphore_mem>>) src(%dma_wait3A_121 : memref<128x128xf32, #tpu.memory_space<hbm>>) dst(%arg9 : memref<128x128xf32, #tpu.memory_space<vmem>>)
        %dma_start3A_122 = arith.constant 0 : i32
        %dma_start3A_123 = arith.constant 0 : i32
        %dma_start3A_124 = tpu.memref_slice %arg7[%dma_start3A_122, %dma_start3A_123] : memref<1x128xi32, #tpu.memory_space<vmem>> -> memref<1x128xi32, #tpu.memory_space<vmem>>
        %dma_start3A_125 = tpu.memref_squeeze %dma_start3A_124 : memref<1x128xi32, #tpu.memory_space<vmem>> -> memref<128xi32, #tpu.memory_space<vmem>>
        %dma_start3A_126 = arith.constant 0 : i32
        %dma_start3A_127 = arith.constant 0 : i32
        %dma_start3A_128 = tpu.memref_slice %arg12[%dma_start3A_126, %dma_start3A_127] : memref<10112x128xf32, #tpu.memory_space<vmem_shared>> -> memref<10112x128xf32, #tpu.memory_space<vmem_shared>>
        tpu.enqueue_indirect_dma source(%arg9 : memref<128x128xf32, #tpu.memory_space<vmem>>) target(%dma_start3A_128 : memref<10112x128xf32, #tpu.memory_space<vmem_shared>>) offsets(%dma_start3A_125 : memref<128xi32, #tpu.memory_space<vmem>>) semaphore(%arg15 : memref<!tpu.dma_semaphore, #tpu.memory_space<semaphore_mem>>) {add = true}
        %get3A = arith.constant 0 : i32
        %get3A_129 = arith.index_cast %get3A : i32 to index
        %get3A_130 = arith.constant 0 : index
        %get3A_131 = tpu.vector_load %arg7[%get3A_129, %get3A_130] {strides = array<i32>} : memref<1x128xi32, #tpu.memory_space<vmem>>, vector<16xi32>,
        tpu.vector_store_idx %arg11[%get3A_131], %broadcast_in_dim3A_16 {add = true} : memref<10112xf32, #tpu.memory_space<vmem>>[vector<16xi32>], vector<16xf32>,
        %get3A_132 = arith.constant 0 : i32
        %get3A_133 = arith.index_cast %get3A_132 : i32 to index
        %get3A_134 = arith.constant 16 : index
        %get3A_135 = tpu.vector_load %arg7[%get3A_133, %get3A_134] {strides = array<i32>} : memref<1x128xi32, #tpu.memory_space<vmem>>, vector<16xi32>,
        tpu.vector_store_idx %arg11[%get3A_135], %broadcast_in_dim3A_16 {add = true} : memref<10112xf32, #tpu.memory_space<vmem>>[vector<16xi32>], vector<16xf32>,
        %get3A_136 = arith.constant 0 : i32
        %get3A_137 = arith.index_cast %get3A_136 : i32 to index
        %get3A_138 = arith.constant 32 : index
        %get3A_139 = tpu.vector_load %arg7[%get3A_137, %get3A_138] {strides = array<i32>} : memref<1x128xi32, #tpu.memory_space<vmem>>, vector<16xi32>,
        tpu.vector_store_idx %arg11[%get3A_139], %broadcast_in_dim3A_16 {add = true} : memref<10112xf32, #tpu.memory_space<vmem>>[vector<16xi32>], vector<16xf32>,
        %get3A_140 = arith.constant 0 : i32
        %get3A_141 = arith.index_cast %get3A_140 : i32 to index
        %get3A_142 = arith.constant 48 : index
        %get3A_143 = tpu.vector_load %arg7[%get3A_141, %get3A_142] {strides = array<i32>} : memref<1x128xi32, #tpu.memory_space<vmem>>, vector<16xi32>,
        tpu.vector_store_idx %arg11[%get3A_143], %broadcast_in_dim3A_16 {add = true} : memref<10112xf32, #tpu.memory_space<vmem>>[vector<16xi32>], vector<16xf32>,
        %get3A_144 = arith.constant 0 : i32
        %get3A_145 = arith.index_cast %get3A_144 : i32 to index
        %get3A_146 = arith.constant 64 : index
        %get3A_147 = tpu.vector_load %arg7[%get3A_145, %get3A_146] {strides = array<i32>} : memref<1x128xi32, #tpu.memory_space<vmem>>, vector<16xi32>,
        tpu.vector_store_idx %arg11[%get3A_147], %broadcast_in_dim3A_16 {add = true} : memref<10112xf32, #tpu.memory_space<vmem>>[vector<16xi32>], vector<16xf32>,
        %get3A_148 = arith.constant 0 : i32
        %get3A_149 = arith.index_cast %get3A_148 : i32 to index
        %get3A_150 = arith.constant 80 : index
        %get3A_151 = tpu.vector_load %arg7[%get3A_149, %get3A_150] {strides = array<i32>} : memref<1x128xi32, #tpu.memory_space<vmem>>, vector<16xi32>,
        tpu.vector_store_idx %arg11[%get3A_151], %broadcast_in_dim3A_16 {add = true} : memref<10112xf32, #tpu.memory_space<vmem>>[vector<16xi32>], vector<16xf32>,
        %get3A_152 = arith.constant 0 : i32
        %get3A_153 = arith.index_cast %get3A_152 : i32 to index
        %get3A_154 = arith.constant 96 : index
        %get3A_155 = tpu.vector_load %arg7[%get3A_153, %get3A_154] {strides = array<i32>} : memref<1x128xi32, #tpu.memory_space<vmem>>, vector<16xi32>,
        tpu.vector_store_idx %arg11[%get3A_155], %broadcast_in_dim3A_16 {add = true} : memref<10112xf32, #tpu.memory_space<vmem>>[vector<16xi32>], vector<16xf32>,
        %get3A_156 = arith.constant 0 : i32
        %get3A_157 = arith.index_cast %get3A_156 : i32 to index
        %get3A_158 = arith.constant 112 : index
        %get3A_159 = tpu.vector_load %arg7[%get3A_157, %get3A_158] {strides = array<i32>} : memref<1x128xi32, #tpu.memory_space<vmem>>, vector<16xi32>,
        tpu.vector_store_idx %arg11[%get3A_159], %broadcast_in_dim3A_16 {add = true} : memref<10112xf32, #tpu.memory_space<vmem>>[vector<16xi32>], vector<16xf32>,
      } else {
      }
      %lt3A_102 = arith.cmpi slt, %add3A_93, %add3A_4 : i32
      %convert_element_type3A_103 = arith.extui %lt3A_102 : i1 to i32
      %cond3A_104 = arith.constant 0 : i32
      %cond3A_105 = arith.cmpi ne, %convert_element_type3A_103, %cond3A_104 : i32
      scf.if %cond3A_105 {
        %add3A_106 = arith.constant 1 : i32
        %add3A_107 = arith.addi %add3A_93, %add3A_106 : i32
        %lt3A_108 = arith.cmpi slt, %add3A_107, %add3A_4 : i32
        %convert_element_type3A_109 = arith.extui %lt3A_108 : i1 to i32
        %cond3A_110 = arith.constant 0 : i32
        %cond3A_111 = arith.cmpi ne, %convert_element_type3A_109, %cond3A_110 : i32
        scf.if %cond3A_111 {
          %add3A_166 = arith.constant 1 : i32
          %add3A_167 = arith.addi %add3A_93, %add3A_166 : i32
          %ge3A_168 = arith.constant 2 : i32
          %ge3A_169 = arith.cmpi sge, %add3A_167, %ge3A_168 : i32
          %convert_element_type3A_170 = arith.extui %ge3A_169 : i1 to i32
          %cond3A_171 = arith.constant 0 : i32
          %cond3A_172 = arith.cmpi ne, %convert_element_type3A_170, %cond3A_171 : i32
          scf.if %cond3A_172 {
            %dma_wait3A_190 = arith.constant 0 : i32
            %dma_wait3A_191 = arith.constant 0 : i32
            %dma_wait3A_192 = tpu.memref_slice %arg7[%dma_wait3A_190, %dma_wait3A_191] : memref<1x128xi32, #tpu.memory_space<vmem>> -> memref<1x128xi32, #tpu.memory_space<vmem>>
            %dma_wait3A_193 = tpu.memref_squeeze %dma_wait3A_192 : memref<1x128xi32, #tpu.memory_space<vmem>> -> memref<128xi32, #tpu.memory_space<vmem>>
            %dma_wait3A_194 = arith.constant 0 : i32
            %dma_wait3A_195 = arith.constant 0 : i32
            %dma_wait3A_196 = tpu.memref_slice %arg12[%dma_wait3A_194, %dma_wait3A_195] : memref<10112x128xf32, #tpu.memory_space<vmem_shared>> -> memref<10112x128xf32, #tpu.memory_space<vmem_shared>>
            tpu.wait_indirect_dma semaphore(%arg15 : memref<!tpu.dma_semaphore, #tpu.memory_space<semaphore_mem>>) src(%arg9 : memref<128x128xf32, #tpu.memory_space<vmem>>) dst(%dma_wait3A_196 : memref<10112x128xf32, #tpu.memory_space<vmem_shared>>)
          } else {
          }
          %mul3A_173 = arith.constant 32 : i32
          %mul3A_174 = arith.muli %mul3A_173, %add3A_167 : i32
          %add3A_175 = arith.addi %add3A, %mul3A_174 : i32
          %dma_start3A_176 = arith.constant 0 : i32
          %dma_start3A_177 = arith.constant 0 : i32
          %dma_start3A_178 = tpu.memref_slice %arg3[%add3A_175, %dma_start3A_176, %dma_start3A_177] : memref<1250x1x128xi32, #tpu.memory_space<hbm>> -> memref<1x1x128xi32, #tpu.memory_space<hbm>>
          %dma_start3A_179 = tpu.memref_squeeze %dma_start3A_178 : memref<1x1x128xi32, #tpu.memory_space<hbm>> -> memref<1x128xi32, #tpu.memory_space<hbm>>
          %dma_start3A_180 = arith.constant 0 : i32
          %dma_start3A_181 = arith.constant 0 : i32
          %dma_start3A_182 = tpu.memref_slice %arg3[%add3A_175, %dma_start3A_180, %dma_start3A_181] : memref<1250x1x128xi32, #tpu.memory_space<hbm>> -> memref<1x1x128xi32, #tpu.memory_space<hbm>>
          %dma_start3A_183 = tpu.memref_squeeze %dma_start3A_182 : memref<1x1x128xi32, #tpu.memory_space<hbm>> -> memref<1x128xi32, #tpu.memory_space<hbm>>
          tpu.enqueue_dma source(%dma_start3A_183 : memref<1x128xi32, #tpu.memory_space<hbm>>) target(%arg7 : memref<1x128xi32, #tpu.memory_space<vmem>>) target_semaphore(%arg13 : memref<!tpu.dma_semaphore, #tpu.memory_space<semaphore_mem>>)
          %mul3A_184 = arith.constant 128 : i32
          %mul3A_185 = arith.muli %add3A_175, %mul3A_184 : i32
          %dma_start3A_186 = arith.constant 0 : i32
          %dma_start3A_187 = tpu.memref_slice %arg2[%mul3A_185, %dma_start3A_186] : memref<160000x128xf32, #tpu.memory_space<hbm>> -> memref<128x128xf32, #tpu.memory_space<hbm>>
          %dma_start3A_188 = arith.constant 0 : i32
          %dma_start3A_189 = tpu.memref_slice %arg2[%mul3A_185, %dma_start3A_188] : memref<160000x128xf32, #tpu.memory_space<hbm>> -> memref<128x128xf32, #tpu.memory_space<hbm>>
          tpu.enqueue_dma source(%dma_start3A_189 : memref<128x128xf32, #tpu.memory_space<hbm>>) target(%arg9 : memref<128x128xf32, #tpu.memory_space<vmem>>) target_semaphore(%arg13 : memref<!tpu.dma_semaphore, #tpu.memory_space<semaphore_mem>>)
        } else {
        }
        %mul3A_112 = arith.constant 32 : i32
        %mul3A_113 = arith.muli %mul3A_112, %add3A_93 : i32
        %add3A_114 = arith.addi %add3A, %mul3A_113 : i32
        %dma_wait3A = arith.constant 0 : i32
        %dma_wait3A_115 = arith.constant 0 : i32
        %dma_wait3A_116 = tpu.memref_slice %arg3[%add3A_114, %dma_wait3A, %dma_wait3A_115] : memref<1250x1x128xi32, #tpu.memory_space<hbm>> -> memref<1x1x128xi32, #tpu.memory_space<hbm>>
        %dma_wait3A_117 = tpu.memref_squeeze %dma_wait3A_116 : memref<1x1x128xi32, #tpu.memory_space<hbm>> -> memref<1x128xi32, #tpu.memory_space<hbm>>
        %dma_wait3A_118 = arith.constant 0 : i32
        %dma_wait3A_119 = arith.constant 0 : i32
        %dma_wait3A_120 = tpu.memref_slice %arg3[%add3A_114, %dma_wait3A_118, %dma_wait3A_119] : memref<1250x1x128xi32, #tpu.memory_space<hbm>> -> memref<1x1x128xi32, #tpu.memory_space<hbm>>
        %dma_wait3A_121 = tpu.memref_squeeze %dma_wait3A_120 : memref<1x1x128xi32, #tpu.memory_space<hbm>> -> memref<1x128xi32, #tpu.memory_space<hbm>>
        tpu.wait_dma2 semaphore(%arg14 : memref<!tpu.dma_semaphore, #tpu.memory_space<semaphore_mem>>) src(%dma_wait3A_121 : memref<1x128xi32, #tpu.memory_space<hbm>>) dst(%arg8 : memref<1x128xi32, #tpu.memory_space<vmem>>)
        %mul3A_122 = arith.constant 128 : i32
        %mul3A_123 = arith.muli %add3A_114, %mul3A_122 : i32
        %dma_wait3A_124 = arith.constant 0 : i32
        %dma_wait3A_125 = tpu.memref_slice %arg2[%mul3A_123, %dma_wait3A_124] : memref<160000x128xf32, #tpu.memory_space<hbm>> -> memref<128x128xf32, #tpu.memory_space<hbm>>
        %dma_wait3A_126 = arith.constant 0 : i32
        %dma_wait3A_127 = tpu.memref_slice %arg2[%mul3A_123, %dma_wait3A_126] : memref<160000x128xf32, #tpu.memory_space<hbm>> -> memref<128x128xf32, #tpu.memory_space<hbm>>
        tpu.wait_dma2 semaphore(%arg14 : memref<!tpu.dma_semaphore, #tpu.memory_space<semaphore_mem>>) src(%dma_wait3A_127 : memref<128x128xf32, #tpu.memory_space<hbm>>) dst(%arg10 : memref<128x128xf32, #tpu.memory_space<vmem>>)
        %dma_start3A_128 = arith.constant 0 : i32
        %dma_start3A_129 = arith.constant 0 : i32
        %dma_start3A_130 = tpu.memref_slice %arg8[%dma_start3A_128, %dma_start3A_129] : memref<1x128xi32, #tpu.memory_space<vmem>> -> memref<1x128xi32, #tpu.memory_space<vmem>>
        %dma_start3A_131 = tpu.memref_squeeze %dma_start3A_130 : memref<1x128xi32, #tpu.memory_space<vmem>> -> memref<128xi32, #tpu.memory_space<vmem>>
        %dma_start3A_132 = arith.constant 0 : i32
        %dma_start3A_133 = arith.constant 0 : i32
        %dma_start3A_134 = tpu.memref_slice %arg12[%dma_start3A_132, %dma_start3A_133] : memref<10112x128xf32, #tpu.memory_space<vmem_shared>> -> memref<10112x128xf32, #tpu.memory_space<vmem_shared>>
        tpu.enqueue_indirect_dma source(%arg10 : memref<128x128xf32, #tpu.memory_space<vmem>>) target(%dma_start3A_134 : memref<10112x128xf32, #tpu.memory_space<vmem_shared>>) offsets(%dma_start3A_131 : memref<128xi32, #tpu.memory_space<vmem>>) semaphore(%arg16 : memref<!tpu.dma_semaphore, #tpu.memory_space<semaphore_mem>>) {add = true}
        %get3A = arith.constant 0 : i32
        %get3A_135 = arith.index_cast %get3A : i32 to index
        %get3A_136 = arith.constant 0 : index
        %get3A_137 = tpu.vector_load %arg8[%get3A_135, %get3A_136] {strides = array<i32>} : memref<1x128xi32, #tpu.memory_space<vmem>>, vector<16xi32>,
        tpu.vector_store_idx %arg11[%get3A_137], %broadcast_in_dim3A_16 {add = true} : memref<10112xf32, #tpu.memory_space<vmem>>[vector<16xi32>], vector<16xf32>,
        %get3A_138 = arith.constant 0 : i32
        %get3A_139 = arith.index_cast %get3A_138 : i32 to index
        %get3A_140 = arith.constant 16 : index
        %get3A_141 = tpu.vector_load %arg8[%get3A_139, %get3A_140] {strides = array<i32>} : memref<1x128xi32, #tpu.memory_space<vmem>>, vector<16xi32>,
        tpu.vector_store_idx %arg11[%get3A_141], %broadcast_in_dim3A_16 {add = true} : memref<10112xf32, #tpu.memory_space<vmem>>[vector<16xi32>], vector<16xf32>,
        %get3A_142 = arith.constant 0 : i32
        %get3A_143 = arith.index_cast %get3A_142 : i32 to index
        %get3A_144 = arith.constant 32 : index
        %get3A_145 = tpu.vector_load %arg8[%get3A_143, %get3A_144] {strides = array<i32>} : memref<1x128xi32, #tpu.memory_space<vmem>>, vector<16xi32>,
        tpu.vector_store_idx %arg11[%get3A_145], %broadcast_in_dim3A_16 {add = true} : memref<10112xf32, #tpu.memory_space<vmem>>[vector<16xi32>], vector<16xf32>,
        %get3A_146 = arith.constant 0 : i32
        %get3A_147 = arith.index_cast %get3A_146 : i32 to index
        %get3A_148 = arith.constant 48 : index
        %get3A_149 = tpu.vector_load %arg8[%get3A_147, %get3A_148] {strides = array<i32>} : memref<1x128xi32, #tpu.memory_space<vmem>>, vector<16xi32>,
        tpu.vector_store_idx %arg11[%get3A_149], %broadcast_in_dim3A_16 {add = true} : memref<10112xf32, #tpu.memory_space<vmem>>[vector<16xi32>], vector<16xf32>,
        %get3A_150 = arith.constant 0 : i32
        %get3A_151 = arith.index_cast %get3A_150 : i32 to index
        %get3A_152 = arith.constant 64 : index
        %get3A_153 = tpu.vector_load %arg8[%get3A_151, %get3A_152] {strides = array<i32>} : memref<1x128xi32, #tpu.memory_space<vmem>>, vector<16xi32>,
        tpu.vector_store_idx %arg11[%get3A_153], %broadcast_in_dim3A_16 {add = true} : memref<10112xf32, #tpu.memory_space<vmem>>[vector<16xi32>], vector<16xf32>,
        %get3A_154 = arith.constant 0 : i32
        %get3A_155 = arith.index_cast %get3A_154 : i32 to index
        %get3A_156 = arith.constant 80 : index
        %get3A_157 = tpu.vector_load %arg8[%get3A_155, %get3A_156] {strides = array<i32>} : memref<1x128xi32, #tpu.memory_space<vmem>>, vector<16xi32>,
        tpu.vector_store_idx %arg11[%get3A_157], %broadcast_in_dim3A_16 {add = true} : memref<10112xf32, #tpu.memory_space<vmem>>[vector<16xi32>], vector<16xf32>,
        %get3A_158 = arith.constant 0 : i32
        %get3A_159 = arith.index_cast %get3A_158 : i32 to index
        %get3A_160 = arith.constant 96 : index
        %get3A_161 = tpu.vector_load %arg8[%get3A_159, %get3A_160] {strides = array<i32>} : memref<1x128xi32, #tpu.memory_space<vmem>>, vector<16xi32>,
        tpu.vector_store_idx %arg11[%get3A_161], %broadcast_in_dim3A_16 {add = true} : memref<10112xf32, #tpu.memory_space<vmem>>[vector<16xi32>], vector<16xf32>,
        %get3A_162 = arith.constant 0 : i32
        %get3A_163 = arith.index_cast %get3A_162 : i32 to index
        %get3A_164 = arith.constant 112 : index
        %get3A_165 = tpu.vector_load %arg8[%get3A_163, %get3A_164] {strides = array<i32>} : memref<1x128xi32, #tpu.memory_space<vmem>>, vector<16xi32>,
        tpu.vector_store_idx %arg11[%get3A_165], %broadcast_in_dim3A_16 {add = true} : memref<10112xf32, #tpu.memory_space<vmem>>[vector<16xi32>], vector<16xf32>,
      } else {
      }
    }
    %scan3A_35 = arith.constant 20 : i32
    %sub3A = arith.constant 1 : i32
    %sub3A_36 = arith.subi %add3A_4, %sub3A : i32
    %sub3A_37 = arith.constant 1 : i32
    %sub3A_38 = arith.subi %add3A_4, %sub3A_37 : i32
    %sub3A_39 = arith.constant 0 : i32
    %sub3A_40 = arith.subi %sub3A_38, %sub3A_39 : i32
    %jit3A_41 = arith.constant 2 : i32
    %eq3A = arith.constant 0 : i32
    %eq3A_42 = arith.cmpi eq, %jit3A_41, %eq3A : i32
    %jit3A_43 = arith.constant 1 : i32
    %select_n3A_44 = arith.select %eq3A_42, %jit3A_43, %jit3A_41 : i32
    %rem3A = arith.remsi %sub3A_40, %select_n3A_44 : i32
    %ne3A = arith.constant 0 : i32
    %ne3A_45 = arith.cmpi ne, %rem3A, %ne3A : i32
    %lt3A_46 = arith.constant 0 : i32
    %lt3A_47 = arith.cmpi slt, %rem3A, %lt3A_46 : i32
    %lt3A_48 = arith.constant 0 : i32
    %lt3A_49 = arith.cmpi slt, %select_n3A_44, %lt3A_48 : i32
    %ne3A_50 = arith.xori %lt3A_47, %lt3A_49 : i1
    %and3A = arith.andi %ne3A_50, %ne3A_45 : i1
    %add3A_51 = arith.addi %rem3A, %select_n3A_44 : i32
    %select_n3A_52 = arith.select %and3A, %add3A_51, %rem3A : i32
    %sub3A_53 = arith.subi %sub3A_36, %select_n3A_52 : i32
    %ge3A = arith.constant 0 : i32
    %ge3A_54 = arith.cmpi sge, %sub3A_53, %ge3A : i32
    %convert_element_type3A = arith.extui %ge3A_54 : i1 to i32
    %cond3A = arith.constant 0 : i32
    %cond3A_55 = arith.cmpi ne, %convert_element_type3A, %cond3A : i32
    scf.if %cond3A_55 {
      %dma_wait3A = arith.constant 0 : i32
      %dma_wait3A_89 = arith.constant 0 : i32
      %dma_wait3A_90 = tpu.memref_slice %arg7[%dma_wait3A, %dma_wait3A_89] : memref<1x128xi32, #tpu.memory_space<vmem>> -> memref<1x128xi32, #tpu.memory_space<vmem>>
      %dma_wait3A_91 = tpu.memref_squeeze %dma_wait3A_90 : memref<1x128xi32, #tpu.memory_space<vmem>> -> memref<128xi32, #tpu.memory_space<vmem>>
      %dma_wait3A_92 = arith.constant 0 : i32
      %dma_wait3A_93 = arith.constant 0 : i32
      %dma_wait3A_94 = tpu.memref_slice %arg12[%dma_wait3A_92, %dma_wait3A_93] : memref<10112x128xf32, #tpu.memory_space<vmem_shared>> -> memref<10112x128xf32, #tpu.memory_space<vmem_shared>>
      tpu.wait_indirect_dma semaphore(%arg15 : memref<!tpu.dma_semaphore, #tpu.memory_space<semaphore_mem>>) src(%arg9 : memref<128x128xf32, #tpu.memory_space<vmem>>) dst(%dma_wait3A_94 : memref<10112x128xf32, #tpu.memory_space<vmem_shared>>)
    } else {
    }
    %sub3A_56 = arith.constant 1 : i32
    %sub3A_57 = arith.subi %add3A_4, %sub3A_56 : i32
    %sub3A_58 = arith.constant 1 : i32
    %sub3A_59 = arith.subi %add3A_4, %sub3A_58 : i32
    %sub3A_60 = arith.constant 1 : i32
    %sub3A_61 = arith.subi %sub3A_59, %sub3A_60 : i32
    %jit3A_62 = arith.constant 2 : i32
    %eq3A_63 = arith.constant 0 : i32
    %eq3A_64 = arith.cmpi eq, %jit3A_62, %eq3A_63 : i32
    %jit3A_65 = arith.constant 1 : i32
    %select_n3A_66 = arith.select %eq3A_64, %jit3A_65, %jit3A_62 : i32
    %rem3A_67 = arith.remsi %sub3A_61, %select_n3A_66 : i32
    %ne3A_68 = arith.constant 0 : i32
    %ne3A_69 = arith.cmpi ne, %rem3A_67, %ne3A_68 : i32
    %lt3A_70 = arith.constant 0 : i32
    %lt3A_71 = arith.cmpi slt, %rem3A_67, %lt3A_70 : i32
    %lt3A_72 = arith.constant 0 : i32
    %lt3A_73 = arith.cmpi slt, %select_n3A_66, %lt3A_72 : i32
    %ne3A_74 = arith.xori %lt3A_71, %lt3A_73 : i1
    %and3A_75 = arith.andi %ne3A_74, %ne3A_69 : i1
    %add3A_76 = arith.addi %rem3A_67, %select_n3A_66 : i32
    %select_n3A_77 = arith.select %and3A_75, %add3A_76, %rem3A_67 : i32
    %sub3A_78 = arith.subi %sub3A_57, %select_n3A_77 : i32
    %ge3A_79 = arith.constant 0 : i32
    %ge3A_80 = arith.cmpi sge, %sub3A_78, %ge3A_79 : i32
    %convert_element_type3A_81 = arith.extui %ge3A_80 : i1 to i32
    %cond3A_82 = arith.constant 0 : i32
    %cond3A_83 = arith.cmpi ne, %convert_element_type3A_81, %cond3A_82 : i32
    scf.if %cond3A_83 {
      %dma_wait3A = arith.constant 0 : i32
      %dma_wait3A_89 = arith.constant 0 : i32
      %dma_wait3A_90 = tpu.memref_slice %arg8[%dma_wait3A, %dma_wait3A_89] : memref<1x128xi32, #tpu.memory_space<vmem>> -> memref<1x128xi32, #tpu.memory_space<vmem>>
      %dma_wait3A_91 = tpu.memref_squeeze %dma_wait3A_90 : memref<1x128xi32, #tpu.memory_space<vmem>> -> memref<128xi32, #tpu.memory_space<vmem>>
      %dma_wait3A_92 = arith.constant 0 : i32
      %dma_wait3A_93 = arith.constant 0 : i32
      %dma_wait3A_94 = tpu.memref_slice %arg12[%dma_wait3A_92, %dma_wait3A_93] : memref<10112x128xf32, #tpu.memory_space<vmem_shared>> -> memref<10112x128xf32, #tpu.memory_space<vmem_shared>>
      tpu.wait_indirect_dma semaphore(%arg16 : memref<!tpu.dma_semaphore, #tpu.memory_space<semaphore_mem>>) src(%arg10 : memref<128x128xf32, #tpu.memory_space<vmem>>) dst(%dma_wait3A_94 : memref<10112x128xf32, #tpu.memory_space<vmem_shared>>)
    } else {
    }
    %barrier3A_84 = arith.constant 0 : index
    tpu.barrier barrier_id(%barrier3A_84)
    %mul3A_85 = arith.constant 632 : i32
    %mul3A_86 = arith.muli %arg1, %mul3A_85 : i32
    %mul3A_87 = arith.constant 632 : i32
    %mul3A_88 = arith.muli %arg1, %mul3A_87 : i32
    "tpu.region"() ({
      %run_scoped3A = tpu.sem_alloc : memref<!tpu.dma_semaphore, #tpu.memory_space<semaphore_mem>>
      %dma_start3A_89 = arith.constant 0 : i32
      %dma_start3A_90 = tpu.memref_slice %arg5[%arg0, %mul3A_88, %dma_start3A_89] : memref<2x10112x128xf32, #tpu.memory_space<hbm>> -> memref<1x632x128xf32, #tpu.memory_space<hbm>>
      %dma_start3A_91 = tpu.memref_squeeze %dma_start3A_90 : memref<1x632x128xf32, #tpu.memory_space<hbm>> -> memref<632x128xf32, #tpu.memory_space<hbm>>
      %dma_start3A_92 = arith.constant 0 : i32
      %dma_start3A_93 = tpu.memref_slice %arg12[%mul3A_86, %dma_start3A_92] : memref<10112x128xf32, #tpu.memory_space<vmem_shared>> -> memref<632x128xf32, #tpu.memory_space<vmem_shared>>
      tpu.enqueue_dma source(%dma_start3A_93 : memref<632x128xf32, #tpu.memory_space<vmem_shared>>) target(%dma_start3A_91 : memref<632x128xf32, #tpu.memory_space<hbm>>) target_semaphore(%run_scoped3A : memref<!tpu.dma_semaphore, #tpu.memory_space<semaphore_mem>>)
      %dma_wait3A = arith.constant 0 : i32
      %dma_wait3A_94 = tpu.memref_slice %arg5[%arg0, %mul3A_88, %dma_wait3A] : memref<2x10112x128xf32, #tpu.memory_space<hbm>> -> memref<1x632x128xf32, #tpu.memory_space<hbm>>
      %dma_wait3A_95 = tpu.memref_squeeze %dma_wait3A_94 : memref<1x632x128xf32, #tpu.memory_space<hbm>> -> memref<632x128xf32, #tpu.memory_space<hbm>>
      %dma_wait3A_96 = arith.constant 0 : i32
      %dma_wait3A_97 = tpu.memref_slice %arg12[%mul3A_86, %dma_wait3A_96] : memref<10112x128xf32, #tpu.memory_space<vmem_shared>> -> memref<632x128xf32, #tpu.memory_space<vmem_shared>>
      tpu.wait_dma2 semaphore(%run_scoped3A : memref<!tpu.dma_semaphore, #tpu.memory_space<semaphore_mem>>) src(%dma_wait3A_97 : memref<632x128xf32, #tpu.memory_space<vmem_shared>>) dst(%dma_wait3A_95 : memref<632x128xf32, #tpu.memory_space<hbm>>)
      tpu.yield
    }) : () -> ()
    "tpu.region"() ({
      %run_scoped3A = tpu.sem_alloc : memref<!tpu.dma_semaphore, #tpu.memory_space<semaphore_mem>>
      %dma_start3A_89 = arith.constant 0 : i32
      %dma_start3A_90 = tpu.memref_slice %arg6[%arg0, %arg1, %dma_start3A_89] : memref<2x16x10112xf32, #tpu.memory_space<hbm>> -> memref<1x1x10112xf32, #tpu.memory_space<hbm>>
      %dma_start3A_91 = tpu.memref_squeeze %dma_start3A_90 : memref<1x1x10112xf32, #tpu.memory_space<hbm>> -> memref<10112xf32, #tpu.memory_space<hbm>>
      %dma_start3A_92 = arith.constant 0 : i32
      %dma_start3A_93 = tpu.memref_slice %arg6[%arg0, %arg1, %dma_start3A_92] : memref<2x16x10112xf32, #tpu.memory_space<hbm>> -> memref<1x1x10112xf32, #tpu.memory_space<hbm>>
      %dma_start3A_94 = tpu.memref_squeeze %dma_start3A_93 : memref<1x1x10112xf32, #tpu.memory_space<hbm>> -> memref<10112xf32, #tpu.memory_space<hbm>>
      tpu.enqueue_dma source(%arg11 : memref<10112xf32, #tpu.memory_space<vmem>>) target(%dma_start3A_94 : memref<10112xf32, #tpu.memory_space<hbm>>) target_semaphore(%run_scoped3A : memref<!tpu.dma_semaphore, #tpu.memory_space<semaphore_mem>>)
      %dma_wait3A = arith.constant 0 : i32
      %dma_wait3A_95 = tpu.memref_slice %arg6[%arg0, %arg1, %dma_wait3A] : memref<2x16x10112xf32, #tpu.memory_space<hbm>> -> memref<1x1x10112xf32, #tpu.memory_space<hbm>>
      %dma_wait3A_96 = tpu.memref_squeeze %dma_wait3A_95 : memref<1x1x10112xf32, #tpu.memory_space<hbm>> -> memref<10112xf32, #tpu.memory_space<hbm>>
      %dma_wait3A_97 = arith.constant 0 : i32
      %dma_wait3A_98 = tpu.memref_slice %arg6[%arg0, %arg1, %dma_wait3A_97] : memref<2x16x10112xf32, #tpu.memory_space<hbm>> -> memref<1x1x10112xf32, #tpu.memory_space<hbm>>
      %dma_wait3A_99 = tpu.memref_squeeze %dma_wait3A_98 : memref<1x1x10112xf32, #tpu.memory_space<hbm>> -> memref<10112xf32, #tpu.memory_space<hbm>>
      tpu.wait_dma2 semaphore(%run_scoped3A : memref<!tpu.dma_semaphore, #tpu.memory_space<semaphore_mem>>) src(%arg11 : memref<10112xf32, #tpu.memory_space<vmem>>) dst(%dma_wait3A_99 : memref<10112xf32, #tpu.memory_space<hbm>>)
      tpu.yield
    }) : () -> ()
    return
  }
}

module attributes {stable_mosaic.version = 14 : i64} {
  func.func @_pk_body(%arg0: i32, %arg1: memref<2000x128xf32, #tpu.memory_space<vmem>>, %arg2: memref<128x128xf32, #tpu.memory_space<vmem>>, %arg3: memref<2000x128xf32, #tpu.memory_space<vmem>>) attributes {dimension_semantics = [#tpu.dimension_semantics<arbitrary>], iteration_bounds = array<i64: 5>, scalar_prefetch = 0 : i64, scratch_operands = 0 : i64, tpu.core_type = #tpu.core_type<tc>, window_params = [{transform_indices = @transform_0, window_bounds = array<i64: 2000, 128>}, {pipeline_mode = #tpu.pipeline_mode<synchronous>, transform_indices = @transform_1, window_bounds = array<i64: 128, 128>}, {transform_indices = @transform_2, window_bounds = array<i64: 2000, 128>}]} {
    %get3A = arith.constant 0 : index
    %get3A_0 = arith.constant 0 : index
    %get3A_1 = vector.load %arg1[%get3A, %get3A_0] : memref<2000x128xf32, #tpu.memory_space<vmem>>, vector<2000x128xf32>
    %get3A_2 = arith.constant 0 : index
    %get3A_3 = arith.constant 0 : index
    %get3A_4 = vector.load %arg2[%get3A_2, %get3A_3] : memref<128x128xf32, #tpu.memory_space<vmem>>, vector<128x128xf32>
    %dot_general3A = arith.constant dense<0.000000e+00> : vector<2000x128xf32>
    %dot_general3A_5 = tpu.matmul %get3A_1, %get3A_4, %dot_general3A {dimension_numbers = #tpu.dot_dimension_numbers<[1], [0], [0], [1], [0, 0, 1, 1], [], []>, transpose_lhs_hint = false} : vector<2000x128xf32>, vector<128x128xf32>, vector<2000x128xf32> -> vector<2000x128xf32>
    %swap3A = arith.constant 0 : index
    %swap3A_6 = arith.constant 0 : index
    %swap3A_7 = vector.load %arg3[%swap3A, %swap3A_6] : memref<2000x128xf32, #tpu.memory_space<vmem>>, vector<2000x128xf32>
    tpu.vector_store %arg3[%swap3A, %swap3A_6], %dot_general3A_5 {strides = array<i32>} : memref<2000x128xf32, #tpu.memory_space<vmem>>, vector<2000x128xf32>,
    return
  }
  func.func @transform_0(%arg0: i32) -> (i32, i32) {
    %c0_i32 = arith.constant 0 : i32
    %c0_i32_0 = arith.constant 0 : i32
    return %arg0, %c0_i32 : i32, i32
  }
  func.func @transform_1(%arg0: i32) -> (i32, i32) {
    %c0_i32 = arith.constant 0 : i32
    %c0_i32_0 = arith.constant 0 : i32
    %c0_i32_1 = arith.constant 0 : i32
    return %c0_i32, %c0_i32_0 : i32, i32
  }
  func.func @transform_2(%arg0: i32) -> (i32, i32) {
    %c0_i32 = arith.constant 0 : i32
    %c0_i32_0 = arith.constant 0 : i32
    return %arg0, %c0_i32 : i32, i32
  }
}

module attributes {stable_mosaic.version = 14 : i64} {
  func.func @_edge_body(%arg0: i32, %arg1: memref<2000x128xf32, #tpu.memory_space<vmem>>, %arg2: memref<2000x128xf32, #tpu.memory_space<vmem>>, %arg3: memref<128x128xbf16, #tpu.memory_space<vmem>>, %arg4: memref<1x128xf32, #tpu.memory_space<vmem>>, %arg5: memref<1x128xf32, #tpu.memory_space<vmem>>, %arg6: memref<1x128xf32, #tpu.memory_space<vmem>>, %arg7: memref<2000x128xf32, #tpu.memory_space<vmem>>) attributes {dimension_semantics = [#tpu.dimension_semantics<arbitrary>], iteration_bounds = array<i64: 80>, scalar_prefetch = 0 : i64, scratch_operands = 0 : i64, tpu.core_type = #tpu.core_type<tc>, window_params = [{transform_indices = @transform_0, window_bounds = array<i64: 2000, 128>}, {transform_indices = @transform_1, window_bounds = array<i64: 2000, 128>}, {pipeline_mode = #tpu.pipeline_mode<synchronous>, transform_indices = @transform_2, window_bounds = array<i64: 128, 128>}, {pipeline_mode = #tpu.pipeline_mode<synchronous>, transform_indices = @transform_3, window_bounds = array<i64: 1, 128>}, {pipeline_mode = #tpu.pipeline_mode<synchronous>, transform_indices = @transform_4, window_bounds = array<i64: 1, 128>}, {pipeline_mode = #tpu.pipeline_mode<synchronous>, transform_indices = @transform_5, window_bounds = array<i64: 1, 128>}, {transform_indices = @transform_6, window_bounds = array<i64: 2000, 128>}]} {
    %get3A = arith.constant 0 : index
    %get3A_0 = arith.constant 0 : index
    %get3A_1 = vector.load %arg2[%get3A, %get3A_0] : memref<2000x128xf32, #tpu.memory_space<vmem>>, vector<2000x128xf32>
    %convert_element_type3A = arith.truncf %get3A_1 : vector<2000x128xf32> to vector<2000x128xbf16>
    %get3A_2 = arith.constant 0 : index
    %get3A_3 = arith.constant 0 : index
    %get3A_4 = vector.load %arg3[%get3A_2, %get3A_3] : memref<128x128xbf16, #tpu.memory_space<vmem>>, vector<128x128xbf16>
    %dot_general3A = arith.constant dense<0.000000e+00> : vector<2000x128xf32>
    %dot_general3A_5 = tpu.matmul %convert_element_type3A, %get3A_4, %dot_general3A {dimension_numbers = #tpu.dot_dimension_numbers<[1], [0], [0], [1], [0, 0, 1, 1], [], []>, transpose_lhs_hint = false} : vector<2000x128xbf16>, vector<128x128xbf16>, vector<2000x128xf32> -> vector<2000x128xf32>
    %get3A_6 = arith.constant 0 : index
    %get3A_7 = arith.constant 0 : index
    %get3A_8 = vector.load %arg1[%get3A_6, %get3A_7] : memref<2000x128xf32, #tpu.memory_space<vmem>>, vector<2000x128xf32>
    %add3A = arith.addf %get3A_8, %dot_general3A_5 : vector<2000x128xf32>
    %get3A_9 = arith.constant 0 : index
    %get3A_10 = arith.constant 0 : index
    %get3A_11 = vector.load %arg4[%get3A_9, %get3A_10] : memref<1x128xf32, #tpu.memory_space<vmem>>, vector<1x128xf32>
    %add3A_12 = vector.broadcast %get3A_11 : vector<1x128xf32> to vector<2000x128xf32>
    %add3A_13 = arith.addf %add3A, %add3A_12 : vector<2000x128xf32>
    %max3A = arith.constant 0.000000e+00 : f32
    %max3A_14 = vector.broadcast %max3A : f32 to vector<2000x128xf32>
    %max3A_15 = arith.maximumf %add3A_13, %max3A_14 : vector<2000x128xf32>
    %reduce_sum3A = arith.constant dense<0.000000e+00> : vector<2000xf32>
    %reduce_sum3A_16 = vector.multi_reduction <add>, %max3A_15, %reduce_sum3A [1] : vector<2000x128xf32> to vector<2000xf32>
    %broadcast_in_dim3A = vector.shape_cast %reduce_sum3A_16 : vector<2000xf32> to vector<2000x1xf32>
    %div3A = arith.constant 1.280000e+02 : f32
    %div3A_17 = vector.broadcast %div3A : f32 to vector<2000x1xf32>
    %div3A_18 = arith.divf %broadcast_in_dim3A, %div3A_17 : vector<2000x1xf32>
    %mul3A = arith.mulf %max3A_15, %max3A_15 : vector<2000x128xf32>
    %reduce_sum3A_19 = arith.constant dense<0.000000e+00> : vector<2000xf32>
    %reduce_sum3A_20 = vector.multi_reduction <add>, %mul3A, %reduce_sum3A_19 [1] : vector<2000x128xf32> to vector<2000xf32>
    %broadcast_in_dim3A_21 = vector.shape_cast %reduce_sum3A_20 : vector<2000xf32> to vector<2000x1xf32>
    %div3A_22 = arith.constant 1.280000e+02 : f32
    %div3A_23 = vector.broadcast %div3A_22 : f32 to vector<2000x1xf32>
    %div3A_24 = arith.divf %broadcast_in_dim3A_21, %div3A_23 : vector<2000x1xf32>
    %mul3A_25 = arith.mulf %div3A_18, %div3A_18 : vector<2000x1xf32>
    %sub3A = arith.subf %div3A_24, %mul3A_25 : vector<2000x1xf32>
    %max3A_26 = arith.constant 0.000000e+00 : f32
    %max3A_27 = vector.broadcast %max3A_26 : f32 to vector<2000x1xf32>
    %max3A_28 = arith.maximumf %sub3A, %max3A_27 : vector<2000x1xf32>
    %add3A_29 = arith.constant 9.99999974E-6 : f32
    %add3A_30 = vector.broadcast %add3A_29 : f32 to vector<2000x1xf32>
    %add3A_31 = arith.addf %max3A_28, %add3A_30 : vector<2000x1xf32>
    %rsqrt3A = math.rsqrt %add3A_31 : vector<2000x1xf32>
    %sub3A_32 = vector.broadcast %div3A_18 : vector<2000x1xf32> to vector<2000x128xf32>
    %sub3A_33 = arith.subf %max3A_15, %sub3A_32 : vector<2000x128xf32>
    %get3A_34 = arith.constant 0 : index
    %get3A_35 = arith.constant 0 : index
    %get3A_36 = vector.load %arg5[%get3A_34, %get3A_35] : memref<1x128xf32, #tpu.memory_space<vmem>>, vector<1x128xf32>
    %mul3A_37 = vector.broadcast %rsqrt3A : vector<2000x1xf32> to vector<2000x128xf32>
    %mul3A_38 = vector.broadcast %get3A_36 : vector<1x128xf32> to vector<2000x128xf32>
    %mul3A_39 = arith.mulf %mul3A_37, %mul3A_38 : vector<2000x128xf32>
    %mul3A_40 = arith.mulf %sub3A_33, %mul3A_39 : vector<2000x128xf32>
    %get3A_41 = arith.constant 0 : index
    %get3A_42 = arith.constant 0 : index
    %get3A_43 = vector.load %arg6[%get3A_41, %get3A_42] : memref<1x128xf32, #tpu.memory_space<vmem>>, vector<1x128xf32>
    %add3A_44 = vector.broadcast %get3A_43 : vector<1x128xf32> to vector<2000x128xf32>
    %add3A_45 = arith.addf %mul3A_40, %add3A_44 : vector<2000x128xf32>
    %swap3A = arith.constant 0 : index
    %swap3A_46 = arith.constant 0 : index
    %swap3A_47 = vector.load %arg7[%swap3A, %swap3A_46] : memref<2000x128xf32, #tpu.memory_space<vmem>>, vector<2000x128xf32>
    tpu.vector_store %arg7[%swap3A, %swap3A_46], %add3A_45 {strides = array<i32>} : memref<2000x128xf32, #tpu.memory_space<vmem>>, vector<2000x128xf32>,
    return
  }
  func.func @transform_0(%arg0: i32) -> (i32, i32) {
    %c0_i32 = arith.constant 0 : i32
    %c0_i32_0 = arith.constant 0 : i32
    return %arg0, %c0_i32 : i32, i32
  }
  func.func @transform_1(%arg0: i32) -> (i32, i32) {
    %add3A = arith.constant 80 : i32
    %add3A_0 = arith.addi %add3A, %arg0 : i32
    %c0_i32 = arith.constant 0 : i32
    %c0_i32_1 = arith.constant 0 : i32
    return %add3A_0, %c0_i32 : i32, i32
  }
  func.func @transform_2(%arg0: i32) -> (i32, i32) {
    %c0_i32 = arith.constant 0 : i32
    %c0_i32_0 = arith.constant 0 : i32
    %c0_i32_1 = arith.constant 0 : i32
    return %c0_i32, %c0_i32_0 : i32, i32
  }
  func.func @transform_3(%arg0: i32) -> (i32, i32) {
    %c0_i32 = arith.constant 0 : i32
    %c0_i32_0 = arith.constant 0 : i32
    %c0_i32_1 = arith.constant 0 : i32
    return %c0_i32, %c0_i32_0 : i32, i32
  }
  func.func @transform_4(%arg0: i32) -> (i32, i32) {
    %c0_i32 = arith.constant 0 : i32
    %c0_i32_0 = arith.constant 0 : i32
    %c0_i32_1 = arith.constant 0 : i32
    return %c0_i32, %c0_i32_0 : i32, i32
  }
  func.func @transform_5(%arg0: i32) -> (i32, i32) {
    %c0_i32 = arith.constant 0 : i32
    %c0_i32_0 = arith.constant 0 : i32
    %c0_i32_1 = arith.constant 0 : i32
    return %c0_i32, %c0_i32_0 : i32, i32
  }
  func.func @transform_6(%arg0: i32) -> (i32, i32) {
    %c0_i32 = arith.constant 0 : i32
    %c0_i32_0 = arith.constant 0 : i32
    return %arg0, %c0_i32 : i32, i32
  }
}

module attributes {stable_mosaic.version = 14 : i64} {
  func.func @_edge_body(%arg0: i32, %arg1: memref<2000x128xf32, #tpu.memory_space<vmem>>, %arg2: memref<2000x128xf32, #tpu.memory_space<vmem>>, %arg3: memref<128x128xbf16, #tpu.memory_space<vmem>>, %arg4: memref<1x128xf32, #tpu.memory_space<vmem>>, %arg5: memref<1x128xf32, #tpu.memory_space<vmem>>, %arg6: memref<1x128xf32, #tpu.memory_space<vmem>>, %arg7: memref<2000x128xf32, #tpu.memory_space<vmem>>) attributes {dimension_semantics = [#tpu.dimension_semantics<arbitrary>], iteration_bounds = array<i64: 80>, scalar_prefetch = 0 : i64, scratch_operands = 0 : i64, tpu.core_type = #tpu.core_type<tc>, window_params = [{transform_indices = @transform_0, window_bounds = array<i64: 2000, 128>}, {transform_indices = @transform_1, window_bounds = array<i64: 2000, 128>}, {pipeline_mode = #tpu.pipeline_mode<synchronous>, transform_indices = @transform_2, window_bounds = array<i64: 128, 128>}, {pipeline_mode = #tpu.pipeline_mode<synchronous>, transform_indices = @transform_3, window_bounds = array<i64: 1, 128>}, {pipeline_mode = #tpu.pipeline_mode<synchronous>, transform_indices = @transform_4, window_bounds = array<i64: 1, 128>}, {pipeline_mode = #tpu.pipeline_mode<synchronous>, transform_indices = @transform_5, window_bounds = array<i64: 1, 128>}, {transform_indices = @transform_6, window_bounds = array<i64: 2000, 128>}]} {
    %get3A = arith.constant 0 : index
    %get3A_0 = arith.constant 0 : index
    %get3A_1 = vector.load %arg2[%get3A, %get3A_0] : memref<2000x128xf32, #tpu.memory_space<vmem>>, vector<2000x128xf32>
    %convert_element_type3A = arith.truncf %get3A_1 : vector<2000x128xf32> to vector<2000x128xbf16>
    %get3A_2 = arith.constant 0 : index
    %get3A_3 = arith.constant 0 : index
    %get3A_4 = vector.load %arg3[%get3A_2, %get3A_3] : memref<128x128xbf16, #tpu.memory_space<vmem>>, vector<128x128xbf16>
    %dot_general3A = arith.constant dense<0.000000e+00> : vector<2000x128xf32>
    %dot_general3A_5 = tpu.matmul %convert_element_type3A, %get3A_4, %dot_general3A {dimension_numbers = #tpu.dot_dimension_numbers<[1], [0], [0], [1], [0, 0, 1, 1], [], []>, transpose_lhs_hint = false} : vector<2000x128xbf16>, vector<128x128xbf16>, vector<2000x128xf32> -> vector<2000x128xf32>
    %get3A_6 = arith.constant 0 : index
    %get3A_7 = arith.constant 0 : index
    %get3A_8 = vector.load %arg1[%get3A_6, %get3A_7] : memref<2000x128xf32, #tpu.memory_space<vmem>>, vector<2000x128xf32>
    %add3A = arith.addf %get3A_8, %dot_general3A_5 : vector<2000x128xf32>
    %get3A_9 = arith.constant 0 : index
    %get3A_10 = arith.constant 0 : index
    %get3A_11 = vector.load %arg4[%get3A_9, %get3A_10] : memref<1x128xf32, #tpu.memory_space<vmem>>, vector<1x128xf32>
    %add3A_12 = vector.broadcast %get3A_11 : vector<1x128xf32> to vector<2000x128xf32>
    %add3A_13 = arith.addf %add3A, %add3A_12 : vector<2000x128xf32>
    %max3A = arith.constant 0.000000e+00 : f32
    %max3A_14 = vector.broadcast %max3A : f32 to vector<2000x128xf32>
    %max3A_15 = arith.maximumf %add3A_13, %max3A_14 : vector<2000x128xf32>
    %reduce_sum3A = arith.constant dense<0.000000e+00> : vector<2000xf32>
    %reduce_sum3A_16 = vector.multi_reduction <add>, %max3A_15, %reduce_sum3A [1] : vector<2000x128xf32> to vector<2000xf32>
    %broadcast_in_dim3A = vector.shape_cast %reduce_sum3A_16 : vector<2000xf32> to vector<2000x1xf32>
    %div3A = arith.constant 1.280000e+02 : f32
    %div3A_17 = vector.broadcast %div3A : f32 to vector<2000x1xf32>
    %div3A_18 = arith.divf %broadcast_in_dim3A, %div3A_17 : vector<2000x1xf32>
    %mul3A = arith.mulf %max3A_15, %max3A_15 : vector<2000x128xf32>
    %reduce_sum3A_19 = arith.constant dense<0.000000e+00> : vector<2000xf32>
    %reduce_sum3A_20 = vector.multi_reduction <add>, %mul3A, %reduce_sum3A_19 [1] : vector<2000x128xf32> to vector<2000xf32>
    %broadcast_in_dim3A_21 = vector.shape_cast %reduce_sum3A_20 : vector<2000xf32> to vector<2000x1xf32>
    %div3A_22 = arith.constant 1.280000e+02 : f32
    %div3A_23 = vector.broadcast %div3A_22 : f32 to vector<2000x1xf32>
    %div3A_24 = arith.divf %broadcast_in_dim3A_21, %div3A_23 : vector<2000x1xf32>
    %mul3A_25 = arith.mulf %div3A_18, %div3A_18 : vector<2000x1xf32>
    %sub3A = arith.subf %div3A_24, %mul3A_25 : vector<2000x1xf32>
    %max3A_26 = arith.constant 0.000000e+00 : f32
    %max3A_27 = vector.broadcast %max3A_26 : f32 to vector<2000x1xf32>
    %max3A_28 = arith.maximumf %sub3A, %max3A_27 : vector<2000x1xf32>
    %add3A_29 = arith.constant 9.99999974E-6 : f32
    %add3A_30 = vector.broadcast %add3A_29 : f32 to vector<2000x1xf32>
    %add3A_31 = arith.addf %max3A_28, %add3A_30 : vector<2000x1xf32>
    %rsqrt3A = math.rsqrt %add3A_31 : vector<2000x1xf32>
    %sub3A_32 = vector.broadcast %div3A_18 : vector<2000x1xf32> to vector<2000x128xf32>
    %sub3A_33 = arith.subf %max3A_15, %sub3A_32 : vector<2000x128xf32>
    %get3A_34 = arith.constant 0 : index
    %get3A_35 = arith.constant 0 : index
    %get3A_36 = vector.load %arg5[%get3A_34, %get3A_35] : memref<1x128xf32, #tpu.memory_space<vmem>>, vector<1x128xf32>
    %mul3A_37 = vector.broadcast %rsqrt3A : vector<2000x1xf32> to vector<2000x128xf32>
    %mul3A_38 = vector.broadcast %get3A_36 : vector<1x128xf32> to vector<2000x128xf32>
    %mul3A_39 = arith.mulf %mul3A_37, %mul3A_38 : vector<2000x128xf32>
    %mul3A_40 = arith.mulf %sub3A_33, %mul3A_39 : vector<2000x128xf32>
    %get3A_41 = arith.constant 0 : index
    %get3A_42 = arith.constant 0 : index
    %get3A_43 = vector.load %arg6[%get3A_41, %get3A_42] : memref<1x128xf32, #tpu.memory_space<vmem>>, vector<1x128xf32>
    %add3A_44 = vector.broadcast %get3A_43 : vector<1x128xf32> to vector<2000x128xf32>
    %add3A_45 = arith.addf %mul3A_40, %add3A_44 : vector<2000x128xf32>
    %swap3A = arith.constant 0 : index
    %swap3A_46 = arith.constant 0 : index
    %swap3A_47 = vector.load %arg7[%swap3A, %swap3A_46] : memref<2000x128xf32, #tpu.memory_space<vmem>>, vector<2000x128xf32>
    tpu.vector_store %arg7[%swap3A, %swap3A_46], %add3A_45 {strides = array<i32>} : memref<2000x128xf32, #tpu.memory_space<vmem>>, vector<2000x128xf32>,
    return
  }
  func.func @transform_0(%arg0: i32) -> (i32, i32) {
    %c0_i32 = arith.constant 0 : i32
    %c0_i32_0 = arith.constant 0 : i32
    return %arg0, %c0_i32 : i32, i32
  }
  func.func @transform_1(%arg0: i32) -> (i32, i32) {
    %add3A = arith.constant 0 : i32
    %add3A_0 = arith.addi %add3A, %arg0 : i32
    %c0_i32 = arith.constant 0 : i32
    %c0_i32_1 = arith.constant 0 : i32
    return %add3A_0, %c0_i32 : i32, i32
  }
  func.func @transform_2(%arg0: i32) -> (i32, i32) {
    %c0_i32 = arith.constant 0 : i32
    %c0_i32_0 = arith.constant 0 : i32
    %c0_i32_1 = arith.constant 0 : i32
    return %c0_i32, %c0_i32_0 : i32, i32
  }
  func.func @transform_3(%arg0: i32) -> (i32, i32) {
    %c0_i32 = arith.constant 0 : i32
    %c0_i32_0 = arith.constant 0 : i32
    %c0_i32_1 = arith.constant 0 : i32
    return %c0_i32, %c0_i32_0 : i32, i32
  }
  func.func @transform_4(%arg0: i32) -> (i32, i32) {
    %c0_i32 = arith.constant 0 : i32
    %c0_i32_0 = arith.constant 0 : i32
    %c0_i32_1 = arith.constant 0 : i32
    return %c0_i32, %c0_i32_0 : i32, i32
  }
  func.func @transform_5(%arg0: i32) -> (i32, i32) {
    %c0_i32 = arith.constant 0 : i32
    %c0_i32_0 = arith.constant 0 : i32
    %c0_i32_1 = arith.constant 0 : i32
    return %c0_i32, %c0_i32_0 : i32, i32
  }
  func.func @transform_6(%arg0: i32) -> (i32, i32) {
    %c0_i32 = arith.constant 0 : i32
    %c0_i32_0 = arith.constant 0 : i32
    return %arg0, %c0_i32 : i32, i32
  }
}

module attributes {stable_mosaic.version = 14 : i64} {
  func.func @_node_body(%arg0: i32, %arg1: memref<2x2000x128xf32, #tpu.memory_space<vmem>>, %arg2: memref<2x2000x128xf32, #tpu.memory_space<vmem>>, %arg3: memref<2000x64xf32, #tpu.memory_space<vmem>>, %arg4: memref<2000x128xf32, #tpu.memory_space<vmem>>, %arg5: memref<2000x1xi32, #tpu.memory_space<vmem>>, %arg6: memref<1x4xf32, #tpu.memory_space<vmem>>, %arg7: memref<128x128xf32, #tpu.memory_space<vmem>>, %arg8: memref<128x128xf32, #tpu.memory_space<vmem>>, %arg9: memref<1x128xf32, #tpu.memory_space<vmem>>, %arg10: memref<1x128xf32, #tpu.memory_space<vmem>>, %arg11: memref<1x128xf32, #tpu.memory_space<vmem>>, %arg12: memref<1x128xf32, #tpu.memory_space<vmem>>, %arg13: memref<128x128xf32, #tpu.memory_space<vmem>>, %arg14: memref<1x128xf32, #tpu.memory_space<vmem>>, %arg15: memref<1x128xf32, #tpu.memory_space<vmem>>, %arg16: memref<1x128xf32, #tpu.memory_space<vmem>>, %arg17: memref<2000x128xf32, #tpu.memory_space<vmem>>) attributes {dimension_semantics = [#tpu.dimension_semantics<arbitrary>], iteration_bounds = array<i64: 5>, scalar_prefetch = 0 : i64, scratch_operands = 0 : i64, tpu.core_type = #tpu.core_type<tc>, window_params = [{transform_indices = @transform_0, window_bounds = array<i64: 2, 2000, 128>}, {transform_indices = @transform_1, window_bounds = array<i64: 2, 2000, 128>}, {transform_indices = @transform_2, window_bounds = array<i64: 2000, 64>}, {transform_indices = @transform_3, window_bounds = array<i64: 2000, 128>}, {transform_indices = @transform_4, window_bounds = array<i64: 2000, 1>}, {pipeline_mode = #tpu.pipeline_mode<synchronous>, transform_indices = @transform_5, window_bounds = array<i64: 1, 4>}, {pipeline_mode = #tpu.pipeline_mode<synchronous>, transform_indices = @transform_6, window_bounds = array<i64: 128, 128>}, {pipeline_mode = #tpu.pipeline_mode<synchronous>, transform_indices = @transform_7, window_bounds = array<i64: 128, 128>}, {pipeline_mode = #tpu.pipeline_mode<synchronous>, transform_indices = @transform_8, window_bounds = array<i64: 1, 128>}, {pipeline_mode = #tpu.pipeline_mode<synchronous>, transform_indices = @transform_9, window_bounds = array<i64: 1, 128>}, {pipeline_mode = #tpu.pipeline_mode<synchronous>, transform_indices = @transform_10, window_bounds = array<i64: 1, 128>}, {pipeline_mode = #tpu.pipeline_mode<synchronous>, transform_indices = @transform_11, window_bounds = array<i64: 1, 128>}, {pipeline_mode = #tpu.pipeline_mode<synchronous>, transform_indices = @transform_12, window_bounds = array<i64: 128, 128>}, {pipeline_mode = #tpu.pipeline_mode<synchronous>, transform_indices = @transform_13, window_bounds = array<i64: 1, 128>}, {pipeline_mode = #tpu.pipeline_mode<synchronous>, transform_indices = @transform_14, window_bounds = array<i64: 1, 128>}, {pipeline_mode = #tpu.pipeline_mode<synchronous>, transform_indices = @transform_15, window_bounds = array<i64: 1, 128>}, {transform_indices = @transform_16, window_bounds = array<i64: 2000, 128>}]} {
    %get3A = arith.constant 0 : index
    %get3A_0 = arith.constant 0 : index
    %get3A_1 = arith.constant 0 : index
    %get3A_2 = vector.load %arg1[%get3A, %get3A_0, %get3A_1] : memref<2x2000x128xf32, #tpu.memory_space<vmem>>, vector<1x2000x128xf32>
    %get3A_3 = vector.shape_cast %get3A_2 : vector<1x2000x128xf32> to vector<2000x128xf32>
    %get3A_4 = arith.constant 1 : index
    %get3A_5 = arith.constant 0 : index
    %get3A_6 = arith.constant 0 : index
    %get3A_7 = vector.load %arg1[%get3A_4, %get3A_5, %get3A_6] : memref<2x2000x128xf32, #tpu.memory_space<vmem>>, vector<1x2000x128xf32>
    %get3A_8 = vector.shape_cast %get3A_7 : vector<1x2000x128xf32> to vector<2000x128xf32>
    %add3A = arith.addf %get3A_3, %get3A_8 : vector<2000x128xf32>
    %get3A_9 = arith.constant 0 : index
    %get3A_10 = arith.constant 0 : index
    %get3A_11 = arith.constant 0 : index
    %get3A_12 = vector.load %arg2[%get3A_9, %get3A_10, %get3A_11] : memref<2x2000x128xf32, #tpu.memory_space<vmem>>, vector<1x2000x128xf32>
    %get3A_13 = vector.shape_cast %get3A_12 : vector<1x2000x128xf32> to vector<2000x128xf32>
    %add3A_14 = arith.addf %add3A, %get3A_13 : vector<2000x128xf32>
    %get3A_15 = arith.constant 1 : index
    %get3A_16 = arith.constant 0 : index
    %get3A_17 = arith.constant 0 : index
    %get3A_18 = vector.load %arg2[%get3A_15, %get3A_16, %get3A_17] : memref<2x2000x128xf32, #tpu.memory_space<vmem>>, vector<1x2000x128xf32>
    %get3A_19 = vector.shape_cast %get3A_18 : vector<1x2000x128xf32> to vector<2000x128xf32>
    %add3A_20 = arith.addf %add3A_14, %get3A_19 : vector<2000x128xf32>
    %get3A_21 = arith.constant 0 : index
    %get3A_22 = arith.constant 0 : index
    %get3A_23 = vector.load %arg3[%get3A_21, %get3A_22] : memref<2000x64xf32, #tpu.memory_space<vmem>>, vector<2000x64xf32>
    %reduce_sum3A = arith.constant dense<0.000000e+00> : vector<2000xf32>
    %reduce_sum3A_24 = vector.multi_reduction <add>, %get3A_23, %reduce_sum3A [1] : vector<2000x64xf32> to vector<2000xf32>
    %broadcast_in_dim3A = vector.shape_cast %reduce_sum3A_24 : vector<2000xf32> to vector<2000x1xf32>
    %max3A = arith.constant 1.000000e+00 : f32
    %max3A_25 = vector.broadcast %max3A : f32 to vector<2000x1xf32>
    %max3A_26 = arith.maximumf %broadcast_in_dim3A, %max3A_25 : vector<2000x1xf32>
    %div3A = vector.broadcast %max3A_26 : vector<2000x1xf32> to vector<2000x128xf32>
    %div3A_27 = arith.divf %add3A_20, %div3A : vector<2000x128xf32>
    %get3A_28 = arith.constant 0 : index
    %get3A_29 = arith.constant 0 : index
    %get3A_30 = vector.load %arg4[%get3A_28, %get3A_29] : memref<2000x128xf32, #tpu.memory_space<vmem>>, vector<2000x128xf32>
    %iota3A = tpu.iota {dimensions = array<i32: 1>} : vector<2000x4xi32>
    %get3A_31 = arith.constant 0 : index
    %get3A_32 = arith.constant 0 : index
    %get3A_33 = vector.load %arg5[%get3A_31, %get3A_32] : memref<2000x1xi32, #tpu.memory_space<vmem>>, vector<2000x1xi32>
    %eq3A = vector.broadcast %get3A_33 : vector<2000x1xi32> to vector<2000x4xi32>
    %eq3A_34 = arith.cmpi eq, %iota3A, %eq3A : vector<2000x4xi32>
    %convert_element_type3A = arith.extui %eq3A_34 : vector<2000x4xi1> to vector<2000x4xi32>
    %convert_element_type3A_35 = arith.sitofp %convert_element_type3A : vector<2000x4xi32> to vector<2000x4xf32>
    %get3A_36 = arith.constant 0 : index
    %get3A_37 = arith.constant 0 : index
    %get3A_38 = vector.load %arg6[%get3A_36, %get3A_37] : memref<1x4xf32, #tpu.memory_space<vmem>>, vector<1x4xf32>
    %mul3A = vector.broadcast %get3A_38 : vector<1x4xf32> to vector<2000x4xf32>
    %mul3A_39 = arith.mulf %convert_element_type3A_35, %mul3A : vector<2000x4xf32>
    %reduce_sum3A_40 = arith.constant dense<0.000000e+00> : vector<2000xf32>
    %reduce_sum3A_41 = vector.multi_reduction <add>, %mul3A_39, %reduce_sum3A_40 [1] : vector<2000x4xf32> to vector<2000xf32>
    %broadcast_in_dim3A_42 = vector.shape_cast %reduce_sum3A_41 : vector<2000xf32> to vector<2000x1xf32>
    %get3A_43 = arith.constant 0 : index
    %get3A_44 = arith.constant 0 : index
    %get3A_45 = vector.load %arg7[%get3A_43, %get3A_44] : memref<128x128xf32, #tpu.memory_space<vmem>>, vector<128x128xf32>
    %dot_general3A = arith.constant dense<0.000000e+00> : vector<2000x128xf32>
    %dot_general3A_46 = tpu.matmul %get3A_30, %get3A_45, %dot_general3A {dimension_numbers = #tpu.dot_dimension_numbers<[1], [0], [0], [1], [0, 0, 1, 1], [], []>, transpose_lhs_hint = false} : vector<2000x128xf32>, vector<128x128xf32>, vector<2000x128xf32> -> vector<2000x128xf32>
    %get3A_47 = arith.constant 0 : index
    %get3A_48 = arith.constant 0 : index
    %get3A_49 = vector.load %arg8[%get3A_47, %get3A_48] : memref<128x128xf32, #tpu.memory_space<vmem>>, vector<128x128xf32>
    %dot_general3A_50 = arith.constant dense<0.000000e+00> : vector<2000x128xf32>
    %dot_general3A_51 = tpu.matmul %div3A_27, %get3A_49, %dot_general3A_50 {dimension_numbers = #tpu.dot_dimension_numbers<[1], [0], [0], [1], [0, 0, 1, 1], [], []>, transpose_lhs_hint = false} : vector<2000x128xf32>, vector<128x128xf32>, vector<2000x128xf32> -> vector<2000x128xf32>
    %add3A_52 = arith.addf %dot_general3A_46, %dot_general3A_51 : vector<2000x128xf32>
    %get3A_53 = arith.constant 0 : index
    %get3A_54 = arith.constant 0 : index
    %get3A_55 = vector.load %arg9[%get3A_53, %get3A_54] : memref<1x128xf32, #tpu.memory_space<vmem>>, vector<1x128xf32>
    %mul3A_56 = vector.broadcast %broadcast_in_dim3A_42 : vector<2000x1xf32> to vector<2000x128xf32>
    %mul3A_57 = vector.broadcast %get3A_55 : vector<1x128xf32> to vector<2000x128xf32>
    %mul3A_58 = arith.mulf %mul3A_56, %mul3A_57 : vector<2000x128xf32>
    %add3A_59 = arith.addf %add3A_52, %mul3A_58 : vector<2000x128xf32>
    %get3A_60 = arith.constant 0 : index
    %get3A_61 = arith.constant 0 : index
    %get3A_62 = vector.load %arg10[%get3A_60, %get3A_61] : memref<1x128xf32, #tpu.memory_space<vmem>>, vector<1x128xf32>
    %add3A_63 = vector.broadcast %get3A_62 : vector<1x128xf32> to vector<2000x128xf32>
    %add3A_64 = arith.addf %add3A_59, %add3A_63 : vector<2000x128xf32>
    %max3A_65 = arith.constant 0.000000e+00 : f32
    %max3A_66 = vector.broadcast %max3A_65 : f32 to vector<2000x128xf32>
    %max3A_67 = arith.maximumf %add3A_64, %max3A_66 : vector<2000x128xf32>
    %get3A_68 = arith.constant 0 : index
    %get3A_69 = arith.constant 0 : index
    %get3A_70 = vector.load %arg11[%get3A_68, %get3A_69] : memref<1x128xf32, #tpu.memory_space<vmem>>, vector<1x128xf32>
    %get3A_71 = arith.constant 0 : index
    %get3A_72 = arith.constant 0 : index
    %get3A_73 = vector.load %arg12[%get3A_71, %get3A_72] : memref<1x128xf32, #tpu.memory_space<vmem>>, vector<1x128xf32>
    %reduce_sum3A_74 = arith.constant dense<0.000000e+00> : vector<2000xf32>
    %reduce_sum3A_75 = vector.multi_reduction <add>, %max3A_67, %reduce_sum3A_74 [1] : vector<2000x128xf32> to vector<2000xf32>
    %broadcast_in_dim3A_76 = vector.shape_cast %reduce_sum3A_75 : vector<2000xf32> to vector<2000x1xf32>
    %div3A_77 = arith.constant 1.280000e+02 : f32
    %div3A_78 = vector.broadcast %div3A_77 : f32 to vector<2000x1xf32>
    %div3A_79 = arith.divf %broadcast_in_dim3A_76, %div3A_78 : vector<2000x1xf32>
    %sub3A = vector.broadcast %div3A_79 : vector<2000x1xf32> to vector<2000x128xf32>
    %sub3A_80 = arith.subf %max3A_67, %sub3A : vector<2000x128xf32>
    %mul3A_81 = arith.mulf %sub3A_80, %sub3A_80 : vector<2000x128xf32>
    %reduce_sum3A_82 = arith.constant dense<0.000000e+00> : vector<2000xf32>
    %reduce_sum3A_83 = vector.multi_reduction <add>, %mul3A_81, %reduce_sum3A_82 [1] : vector<2000x128xf32> to vector<2000xf32>
    %broadcast_in_dim3A_84 = vector.shape_cast %reduce_sum3A_83 : vector<2000xf32> to vector<2000x1xf32>
    %div3A_85 = arith.constant 1.280000e+02 : f32
    %div3A_86 = vector.broadcast %div3A_85 : f32 to vector<2000x1xf32>
    %div3A_87 = arith.divf %broadcast_in_dim3A_84, %div3A_86 : vector<2000x1xf32>
    %add3A_88 = arith.constant 9.99999974E-6 : f32
    %add3A_89 = vector.broadcast %add3A_88 : f32 to vector<2000x1xf32>
    %add3A_90 = arith.addf %div3A_87, %add3A_89 : vector<2000x1xf32>
    %rsqrt3A = math.rsqrt %add3A_90 : vector<2000x1xf32>
    %mul3A_91 = vector.broadcast %rsqrt3A : vector<2000x1xf32> to vector<2000x128xf32>
    %mul3A_92 = arith.mulf %sub3A_80, %mul3A_91 : vector<2000x128xf32>
    %mul3A_93 = vector.broadcast %get3A_70 : vector<1x128xf32> to vector<2000x128xf32>
    %mul3A_94 = arith.mulf %mul3A_92, %mul3A_93 : vector<2000x128xf32>
    %add3A_95 = vector.broadcast %get3A_73 : vector<1x128xf32> to vector<2000x128xf32>
    %add3A_96 = arith.addf %mul3A_94, %add3A_95 : vector<2000x128xf32>
    %get3A_97 = arith.constant 0 : index
    %get3A_98 = arith.constant 0 : index
    %get3A_99 = vector.load %arg13[%get3A_97, %get3A_98] : memref<128x128xf32, #tpu.memory_space<vmem>>, vector<128x128xf32>
    %dot_general3A_100 = arith.constant dense<0.000000e+00> : vector<2000x128xf32>
    %dot_general3A_101 = tpu.matmul %add3A_96, %get3A_99, %dot_general3A_100 {dimension_numbers = #tpu.dot_dimension_numbers<[1], [0], [0], [1], [0, 0, 1, 1], [], []>, transpose_lhs_hint = false} : vector<2000x128xf32>, vector<128x128xf32>, vector<2000x128xf32> -> vector<2000x128xf32>
    %get3A_102 = arith.constant 0 : index
    %get3A_103 = arith.constant 0 : index
    %get3A_104 = vector.load %arg14[%get3A_102, %get3A_103] : memref<1x128xf32, #tpu.memory_space<vmem>>, vector<1x128xf32>
    %add3A_105 = vector.broadcast %get3A_104 : vector<1x128xf32> to vector<2000x128xf32>
    %add3A_106 = arith.addf %dot_general3A_101, %add3A_105 : vector<2000x128xf32>
    %get3A_107 = arith.constant 0 : index
    %get3A_108 = arith.constant 0 : index
    %get3A_109 = vector.load %arg15[%get3A_107, %get3A_108] : memref<1x128xf32, #tpu.memory_space<vmem>>, vector<1x128xf32>
    %get3A_110 = arith.constant 0 : index
    %get3A_111 = arith.constant 0 : index
    %get3A_112 = vector.load %arg16[%get3A_110, %get3A_111] : memref<1x128xf32, #tpu.memory_space<vmem>>, vector<1x128xf32>
    %reduce_sum3A_113 = arith.constant dense<0.000000e+00> : vector<2000xf32>
    %reduce_sum3A_114 = vector.multi_reduction <add>, %add3A_106, %reduce_sum3A_113 [1] : vector<2000x128xf32> to vector<2000xf32>
    %broadcast_in_dim3A_115 = vector.shape_cast %reduce_sum3A_114 : vector<2000xf32> to vector<2000x1xf32>
    %div3A_116 = arith.constant 1.280000e+02 : f32
    %div3A_117 = vector.broadcast %div3A_116 : f32 to vector<2000x1xf32>
    %div3A_118 = arith.divf %broadcast_in_dim3A_115, %div3A_117 : vector<2000x1xf32>
    %sub3A_119 = vector.broadcast %div3A_118 : vector<2000x1xf32> to vector<2000x128xf32>
    %sub3A_120 = arith.subf %add3A_106, %sub3A_119 : vector<2000x128xf32>
    %mul3A_121 = arith.mulf %sub3A_120, %sub3A_120 : vector<2000x128xf32>
    %reduce_sum3A_122 = arith.constant dense<0.000000e+00> : vector<2000xf32>
    %reduce_sum3A_123 = vector.multi_reduction <add>, %mul3A_121, %reduce_sum3A_122 [1] : vector<2000x128xf32> to vector<2000xf32>
    %broadcast_in_dim3A_124 = vector.shape_cast %reduce_sum3A_123 : vector<2000xf32> to vector<2000x1xf32>
    %div3A_125 = arith.constant 1.280000e+02 : f32
    %div3A_126 = vector.broadcast %div3A_125 : f32 to vector<2000x1xf32>
    %div3A_127 = arith.divf %broadcast_in_dim3A_124, %div3A_126 : vector<2000x1xf32>
    %add3A_128 = arith.constant 9.99999974E-6 : f32
    %add3A_129 = vector.broadcast %add3A_128 : f32 to vector<2000x1xf32>
    %add3A_130 = arith.addf %div3A_127, %add3A_129 : vector<2000x1xf32>
    %rsqrt3A_131 = math.rsqrt %add3A_130 : vector<2000x1xf32>
    %mul3A_132 = vector.broadcast %rsqrt3A_131 : vector<2000x1xf32> to vector<2000x128xf32>
    %mul3A_133 = arith.mulf %sub3A_120, %mul3A_132 : vector<2000x128xf32>
    %mul3A_134 = vector.broadcast %get3A_109 : vector<1x128xf32> to vector<2000x128xf32>
    %mul3A_135 = arith.mulf %mul3A_133, %mul3A_134 : vector<2000x128xf32>
    %add3A_136 = vector.broadcast %get3A_112 : vector<1x128xf32> to vector<2000x128xf32>
    %add3A_137 = arith.addf %mul3A_135, %add3A_136 : vector<2000x128xf32>
    %add3A_138 = arith.addf %add3A_137, %get3A_30 : vector<2000x128xf32>
    %swap3A = arith.constant 0 : index
    %swap3A_139 = arith.constant 0 : index
    %swap3A_140 = vector.load %arg17[%swap3A, %swap3A_139] : memref<2000x128xf32, #tpu.memory_space<vmem>>, vector<2000x128xf32>
    tpu.vector_store %arg17[%swap3A, %swap3A_139], %add3A_138 {strides = array<i32>} : memref<2000x128xf32, #tpu.memory_space<vmem>>, vector<2000x128xf32>,
    return
  }
  func.func @transform_0(%arg0: i32) -> (i32, i32, i32) {
    %c0_i32 = arith.constant 0 : i32
    %c0_i32_0 = arith.constant 0 : i32
    %c0_i32_1 = arith.constant 0 : i32
    return %c0_i32, %arg0, %c0_i32_0 : i32, i32, i32
  }
  func.func @transform_1(%arg0: i32) -> (i32, i32, i32) {
    %c0_i32 = arith.constant 0 : i32
    %c0_i32_0 = arith.constant 0 : i32
    %c0_i32_1 = arith.constant 0 : i32
    return %c0_i32, %arg0, %c0_i32_0 : i32, i32, i32
  }
  func.func @transform_2(%arg0: i32) -> (i32, i32) {
    %c0_i32 = arith.constant 0 : i32
    %c0_i32_0 = arith.constant 0 : i32
    return %arg0, %c0_i32 : i32, i32
  }
  func.func @transform_3(%arg0: i32) -> (i32, i32) {
    %c0_i32 = arith.constant 0 : i32
    %c0_i32_0 = arith.constant 0 : i32
    return %arg0, %c0_i32 : i32, i32
  }
  func.func @transform_4(%arg0: i32) -> (i32, i32) {
    %c0_i32 = arith.constant 0 : i32
    %c0_i32_0 = arith.constant 0 : i32
    return %arg0, %c0_i32 : i32, i32
  }
  func.func @transform_5(%arg0: i32) -> (i32, i32) {
    %c0_i32 = arith.constant 0 : i32
    %c0_i32_0 = arith.constant 0 : i32
    %c0_i32_1 = arith.constant 0 : i32
    return %c0_i32, %c0_i32_0 : i32, i32
  }
  func.func @transform_6(%arg0: i32) -> (i32, i32) {
    %c0_i32 = arith.constant 0 : i32
    %c0_i32_0 = arith.constant 0 : i32
    %c0_i32_1 = arith.constant 0 : i32
    return %c0_i32, %c0_i32_0 : i32, i32
  }
  func.func @transform_7(%arg0: i32) -> (i32, i32) {
    %c0_i32 = arith.constant 0 : i32
    %c0_i32_0 = arith.constant 0 : i32
    %c0_i32_1 = arith.constant 0 : i32
    return %c0_i32, %c0_i32_0 : i32, i32
  }
  func.func @transform_8(%arg0: i32) -> (i32, i32) {
    %c0_i32 = arith.constant 0 : i32
    %c0_i32_0 = arith.constant 0 : i32
    %c0_i32_1 = arith.constant 0 : i32
    return %c0_i32, %c0_i32_0 : i32, i32
  }
  func.func @transform_9(%arg0: i32) -> (i32, i32) {
    %c0_i32 = arith.constant 0 : i32
    %c0_i32_0 = arith.constant 0 : i32
    %c0_i32_1 = arith.constant 0 : i32
    return %c0_i32, %c0_i32_0 : i32, i32
  }
  func.func @transform_10(%arg0: i32) -> (i32, i32) {
    %c0_i32 = arith.constant 0 : i32
    %c0_i32_0 = arith.constant 0 : i32
    %c0_i32_1 = arith.constant 0 : i32
    return %c0_i32, %c0_i32_0 : i32, i32
  }
  func.func @transform_11(%arg0: i32) -> (i32, i32) {
    %c0_i32 = arith.constant 0 : i32
    %c0_i32_0 = arith.constant 0 : i32
    %c0_i32_1 = arith.constant 0 : i32
    return %c0_i32, %c0_i32_0 : i32, i32
  }
  func.func @transform_12(%arg0: i32) -> (i32, i32) {
    %c0_i32 = arith.constant 0 : i32
    %c0_i32_0 = arith.constant 0 : i32
    %c0_i32_1 = arith.constant 0 : i32
    return %c0_i32, %c0_i32_0 : i32, i32
  }
  func.func @transform_13(%arg0: i32) -> (i32, i32) {
    %c0_i32 = arith.constant 0 : i32
    %c0_i32_0 = arith.constant 0 : i32
    %c0_i32_1 = arith.constant 0 : i32
    return %c0_i32, %c0_i32_0 : i32, i32
  }
  func.func @transform_14(%arg0: i32) -> (i32, i32) {
    %c0_i32 = arith.constant 0 : i32
    %c0_i32_0 = arith.constant 0 : i32
    %c0_i32_1 = arith.constant 0 : i32
    return %c0_i32, %c0_i32_0 : i32, i32
  }
  func.func @transform_15(%arg0: i32) -> (i32, i32) {
    %c0_i32 = arith.constant 0 : i32
    %c0_i32_0 = arith.constant 0 : i32
    %c0_i32_1 = arith.constant 0 : i32
    return %c0_i32, %c0_i32_0 : i32, i32
  }
  func.func @transform_16(%arg0: i32) -> (i32, i32) {
    %c0_i32 = arith.constant 0 : i32
    %c0_i32_0 = arith.constant 0 : i32
    return %arg0, %c0_i32 : i32, i32
  }
}

</mosaic_0001>

<sc_bundles>
// kernel: kernel.10.cloned.1.call-start
scs
__scs_entry_jumppad:
0x0: {  	(pc) =	sbr.rel $0x88, $3  }
0x1: {  	(tag) =	ssettag $0x0;
	lr =	simm.s32 $0x1  }
0x2: {  	[smem:$0x3F90] =	sst lr;
	_ =	strace $0xD0000000  }
0x3: {  	_ = 	snop  }
0x4: {  	_ = 	snop  }
0x5: {  	_ = 	snop  }
0x6: {  	_ = 	snop  }
0x7: {  	_ = 	snop  }
__scs_overlays_trampoline_lowered:
0x8: {  	[smem:$0x3F9F] =	sst s0  }
0x9: {  	[smem:$0x3FA0] =	sst s1  }
0xa: {  	[smem:$0x3FA1] =	sst s2  }
0xb: {  	[smem:$0x3FA2] =	sst s3  }
0xc: {  	[smem:$0x3FA3] =	sst s4  }
0xd: {  	[smem:$0x3FA4] =	sst s5  }
0xe: {  	[smem:$0x3FA5] =	sst s6  }
0xf: {  	[smem:$0x3FA6] =	sst s7  }
0x10: {  	[smem:$0x3FA7] =	sst s8  }
0x11: {  	[smem:$0x3FA8] =	sst s9;
	s0 =	simm.s32 @!p0 $0x0  }
0x12: {  	s1 =	sld [smem:$0x3F8E];
	s0 =	simm.s32 @p0 $0x1  }
0x13: {  	[smem:$0x3FA9] =	sst s0;
	s0 =	simm.s32 @!p1 $0x0  }
0x14: {  	s2 =	sld [smem:$0x3F8D];
	s0 =	simm.s32 @p1 $0x1  }
0x15: {  	[smem:$0x3FAA] =	sst s0;
	s0 =	simm.s32 @!p2 $0x0  }
0x16: {  	s3 =	sld [smem:$0x3FDB];
	s0 =	simm.s32 @p2 $0x1  }
0x17: {  	s4 =	simm.s32 $0x1BF5;
	[smem:$0x3FAC] =	sst s0  }
0x18: {  	s0 =	sld [smem:$0x3F8F];
	_ =	swait.ge [sflag:s4], $0x0  }
0x19: {  	s7 =	sld [smem:$0x3F90]  }
0x1a: {  	s8 =	sadd.s32 $0xFFFFE003, lr  }
0x1b: {  	s9 =	sadd.s32 $0xFFFFFEF7, lr;
	s5 =	simm.s32 $0xFFFFFFFF;
	p2 =	slt.u32 s8, $0xFFFFF086  }
0x1c: {  	p1 =	slt.u32 s9, $0xF7A;
	s5 =	simm.s32 @!p2 $0x0  }
0x1d: {  	s5 =	simm.s32 @p1 $0x1;
	p0 =	seq.s32 s7, s2  }
0x1e: {  	s7 =	smul.u32 @!p0 $0xF7A, s2;
	p2 =	seq.s32 @!p0 s5, $0x0  }
0x1f: {  	s9 =	smul.u32 $0xF7A, s1;
	s8 =	simm.s32 @!p0 $0x1BF5;
	p2 =	por !p2, p0  }
0x20: {  	[sflag:s8] =	ssyncset.s32 @!p0 $0xFFFFF086;
	s6 =	sadd.s32 @!p0 s3, s7;
	s7 =	simm.s32 @!p0 $0x108  }
0x21: {  	s3 =	sadd.s32 s3, s9;
	s6 =	sadd.s32 @!p0 $0x88, s6;
	s7 =	simm.s32 @p2 $0x1082  }
0x22: {  	[simem:s7], [sflag:s8] =	dma.local @!p0 [hbm:s6], $0xF7A  }
0x23: {  	s9 =	sor.u32 $0xD0000000, s2;
	s6 =	simm.s32 $0x108;
	_ =	swait.ge @!p0 [sflag:s8], $0x0  }
0x24: {  	s3 =	sadd.s32 $0x88, s3;
	s6 =	simm.s32 @!p1 $0x1082;
	[sflag:s4] =	ssyncset.s32 $0xFFFFF086  }
0x25: {  	[simem:s6], [sflag:s4] =	dma.local [hbm:s3], $0xF7A  }
0x26: {  	[smem:$0x3F90] =	sst s1;
	(tag) =	ssettag s2;
	_ =	strace s9  }
0x27: {  	s1 =	sld [smem:$0x3FA0]  }
0x28: {  	s2 =	sld [smem:$0x3FA1]  }
0x29: {  	s4 =	sld [smem:$0x3FA3]  }
0x2a: {  	p0 =	seq.s32 s5, $0x0;
	s5 =	sld [smem:$0x3FA4]  }
0x2b: {  	s6 =	sld [smem:$0x3FA5]  }
0x2c: {  	s7 =	sld [smem:$0x3FA6]  }
0x2d: {  	s3 =	simm.s32 $0x108;
	s8 =	sld [smem:$0x3FA7]  }
0x2e: {  	s3 =	simm.s32 @!p0 $0x1082;
	s9 =	sld [smem:$0x3FA8]  }
0x2f: {  	lr =	sadd.s32 s0, s3;
	s0 =	sld [smem:$0x3F9F]  }
0x30: {  	s3 =	sld [smem:$0x3FA2]  }
0x31: {  	[smem:$0x3FAB] =	sst s10  }
0x32: {  	s10 =	sld [smem:$0x3FA9];
	_ =	sdelay $0x3  }
0x33: {  	p0 =	seq.s32 s10, $0x1;
	s10 =	sld [smem:$0x3FAB];
	_ =	sdelay $0x3  }
0x34: {  	[smem:$0x3FAB] =	sst s10  }
0x35: {  	s10 =	sld [smem:$0x3FAA];
	_ =	sdelay $0x3  }
0x36: {  	p1 =	seq.s32 s10, $0x1;
	s10 =	sld [smem:$0x3FAB];
	_ =	sdelay $0x3  }
0x37: {  	[smem:$0x3FAB] =	sst s10  }
0x38: {  	s10 =	sld [smem:$0x3FAC]  }
0x39: {  	_ = 	snop;
	(pc) =	sbr.ind lr, $3  }
0x3a: {  	_ = 	snop  }
0x3b: {  	_ = 	snop  }
0x3c: {  	p2 =	seq.s32 s10, $0x1;
	s10 =	sld [smem:$0x3FAB]  }
0x3d: {  	_ =	shalt  }
0x3e: {  	_ =	shalt  }
0x3f: {  	_ =	shalt  }
0x40: {  	_ =	shalt  }
0x41: {  	_ =	shalt  }
0x42: {  	_ =	shalt  }
0x43: {  	_ =	shalt  }
0x44: {  	_ =	shalt  }
0x45: {  	_ =	shalt  }
0x46: {  	_ =	shalt  }
0x47: {  	_ =	shalt  }
0x48: {  	_ =	shalt  }
0x49: {  	_ =	shalt  }
0x4a: {  	_ =	shalt  }
0x4b: {  	_ =	shalt  }
0x4c: {  	_ =	shalt  }
0x4d: {  	_ =	shalt  }
0x4e: {  	_ =	shalt  }
0x4f: {  	_ =	shalt  }
0x50: {  	_ =	shalt  }
0x51: {  	_ =	shalt  }
0x52: {  	_ =	shalt  }
0x53: {  	_ =	shalt  }
0x54: {  	_ =	shalt  }
0x55: {  	_ =	shalt  }
0x56: {  	_ =	shalt  }
0x57: {  	_ =	shalt  }
0x58: {  	_ =	shalt  }
0x59: {  	_ =	shalt  }
0x5a: {  	_ =	shalt  }
0x5b: {  	_ =	shalt  }
0x5c: {  	_ =	shalt  }
0x5d: {  	_ =	shalt  }
0x5e: {  	_ =	shalt  }
0x5f: {  	_ =	shalt  }
0x60: {  	_ =	shalt  }
0x61: {  	_ =	shalt  }
0x62: {  	_ =	shalt  }
0x63: {  	_ =	shalt  }
0x64: {  	_ =	shalt  }
0x65: {  	_ =	shalt  }
0x66: {  	_ =	shalt  }
0x67: {  	_ =	shalt  }
0x68: {  	_ =	shalt  }
0x69: {  	_ =	shalt  }
0x6a: {  	_ =	shalt  }
0x6b: {  	_ =	shalt  }
0x6c: {  	_ =	shalt  }
0x6d: {  	_ =	shalt  }
0x6e: {  	_ =	shalt  }
0x6f: {  	_ =	shalt  }
0x70: {  	_ =	shalt  }
0x71: {  	_ =	shalt  }
0x72: {  	_ =	shalt  }
0x73: {  	_ =	shalt  }
0x74: {  	_ =	shalt  }
0x75: {  	_ =	shalt  }
0x76: {  	_ =	shalt  }
0x77: {  	_ =	shalt  }
0x78: {  	_ =	shalt  }
0x79: {  	_ =	shalt  }
0x7a: {  	_ =	shalt  }
0x7b: {  	_ =	shalt  }
0x7c: {  	_ =	shalt  }
0x7d: {  	_ =	shalt  }
0x7e: {  	_ =	shalt  }
0x7f: {  	_ =	shalt  }
0x80: {  	_ =	shalt  }
0x81: {  	_ =	shalt  }
0x82: {  	_ =	shalt  }
0x83: {  	_ =	shalt  }
0x84: {  	_ =	shalt  }
0x85: {  	_ =	shalt  }
0x86: {  	_ =	shalt  }
0x87: {  	_ =	shalt  }
.Lfunc_end0:
.L_simem_size_0:
called_computation_lowered:
.L_overlay_start_0:
0x88: {  	s2 =	sld [smem:$0x3FD9]  }
0x89: {  	s3 =	sld [smem:$0x3FFE];
	_ =	sdelay $0x1  }
0x8a: {  	s1 =	srdreg.scid  }
0x8b: {  	s0 =	sand.u32 $0x1, s1  }
0x8c: {  	s17 =	sshll.u32 s0, $0xA;
	s2 =	sadd.s32 s3, s2  }
0x8d: {  	s2 =	sadd.s32 s2, s17  }
0x8e: {  	[smem:$0x3FB7] =	sst s2  }
0x8f: {  	_ = 	snop  }
0x90: {  	s18 =	sld [smem:$0x3FD0];
	(tm) =	ssettm $0x1  }
0x91: {  	s19 =	sld [smem:$0x3FFB];
	_ =	sdelay $0x3  }
0x92: {  	_ =	strace s19  }
0x93: {  	s2 =	sld [smem:$0x3FFC];
	_ =	sdelay $0x3  }
0x94: {  	_ =	strace s2  }
0x95: {  	s2 =	sld [smem:$0x3FFD];
	_ =	sdelay $0x3  }
0x96: {  	_ =	strace s2  }
0x97: {  	_ =	strace $0x8FFFFFFF  }
0x98: {  	s20 =	sld [smem:$0x3FDB];
	_ =	sdelay $0x1  }
0x99: {  	s4 =	simm.s32 $_scs_section_size  }
0x9a: {  	s5 =	simm.s32 $_size__tile_overlayer_lowered;
	s6 =	simm.s32 $_tile_overlayer_lowered  }
0x9b: {  	s7 =	simm.s32 $0x1BFF;
	s21 =	sshll.u32 s6, $0x1;
	s4 =	sadd.s32 s4, s20  }
0x9c: {  	s22 =	simm.s32 $0x0;
	s5 =	sshll.u32 s5, $0x1;
	s6 =	sadd.s32 s21, s4  }
0x9d: {  	[timem:s22], [sflag:s7] =	dma.local [hbm:s6], s5  }
0x9e: {  	_ =	swait.ge [sflag:s7], s5  }
0x9f: {  	s5 =	ssub.s32 $0x0, s5;
	[sflag:s7] =	ssyncset.done $0x0  }
0xa0: {  	[sflag:s7] =	ssyncadd.s32 s5;
	_ =	sdelay $0x1  }
0xa1: {  	s23 =	simm.s32 $0x1B8B  }
0xa2: {  	_ =	swait.ge [sflag:s23], $0x1  }
0xa3: {  	[sflag:s23] =	ssyncset.done $0x0  }
0xa4: {  	[sflag:s23] =	ssyncadd.s32 $0xFFFFFFFF  }
0xa5: {  	s5 =	sld [smem:$0x0]  }
0xa6: {  	s6 =	sand.u32 $0xFFFFFFFE, s1  }
0xa7: {  	p0 =	sne.s32 s1, s6  }
0xa8: {  	s6 =	sshll.u32 @p0 s6, $0xE  }
0xa9: {  	s6 =	sadd.s32 @p0 $0x11B8D, s6;
	s7 =	sshll.u32 @p0 s5, $0x11  }
0xaa: {  	s6 =	sor.u32 @p0 s7, s6  }
0xab: {  	[sflag:s6] =	ssyncadd.remote.s32 @p0 $0x1;
	_ =	sdelay $0x1  }
0xac: {  	s6 =	simm.s32 @p0 $0x1B8D  }
0xad: {  	_ =	swait.eq @p0 [sflag:s6], $0x1  }
0xae: {  	[sflag:s6] =	ssyncadd.s32 @p0 $0xFFFFFFFF  }
0xaf: {  	s7 =	sshll.u32 @!p0 s1, $0xE  }
0xb0: {  	s7 =	sor.u32 @!p0 $0x4000, s7;
	s6 =	simm.s32 @!p0 $0x1B8D  }
0xb1: {  	s5 =	sshll.u32 @!p0 s5, $0x11;
	s7 =	sadd.s32 @!p0 $0x11B8D, s7;
	_ =	swait.eq @!p0 [sflag:s6], $0x1  }
0xb2: {  	s5 =	sor.u32 @!p0 s5, s7;
	[sflag:s6] =	ssyncadd.s32 @!p0 $0xFFFFFFFF  }
0xb3: {  	s25 =	simm.s32 $0x1B8E;
	s24 =	sld [smem:$0x3FFE];
	[sflag:s5] =	ssyncadd.remote.s32 @!p0 $0x1  }
0xb4: {  	s26 =	simm.s32 $execute0_lowered;
	[smem:$0x3FD2] =	sst s25  }
0xb5: {  	s6 =	sshll.u32 s26, $0x1;
	_ =	strace $0x80000049;
	[dreg:$0x1] =	wrdreg $0xFFFFFFFF  }
0xb6: {  	s28 =	simm.s32 $_size_execute0_lowered;
	s4 =	sadd.s32 s4, s6;
	[dreg:$0x0] =	wrdreg $0x0  }
0xb7: {  	s6 =	sshll.u32 s28, $0x1;
	[dreg:$0x2] =	wrdreg s4  }
0xb8: {  	[dreg:$0x3] =	wrdreg s6  }
0xb9: {  	[dreg:$0x4] =	wrdreg $0xC0  }
0xba: {  	_ =	task [dreg:s22], $0x5FFFF  }
0xbb: {  	[dreg:$0x1] =	wrdreg $0xFFFFFFFF  }
0xbc: {  	[dreg:$0x0] =	wrdreg $0x60  }
0xbd: {  	[dreg:$0x2] =	wrdreg s18  }
0xbe: {  	[dreg:$0x3] =	wrdreg s24  }
0xbf: {  	[dreg:$0x4] =	wrdreg $0x9  }
0xc0: {  	_ =	task.clear_ibuf [dreg:s22], $0x5FFFF;
	_ =	strace $0x90000049  }
0xc1: {  	s29 =	simm.s32 $0x9;
	_ =	strace $0x8000004B  }
0xc2: {  	_ =	swait.ge [sflag:s29], $0x1  }
0xc3: {  	[sflag:s29] =	ssyncadd.s32 $0xFFFFFFFF  }
0xc4: {  	_ =	strace $0x9000004B  }
0xc5: {  	_ =	sfence  }
0xc6: {  	s30 =	sld [smem:$0x0];
	_ =	sdelay $0x2  }
0xc7: {  	s31 =	sshll.u32 s1, $0xD;
	s1 =	sshrl.u32 s1, $0x2  }
0xc8: {  	s4 =	sand.u32 $0x4000, s31;
	s1 =	sadd.s32 s1, s30  }
0xc9: {  	s0 =	sor.u32 s4, s0;
	s1 =	sshll.u32 s1, $0x11  }
0xca: {  	s0 =	sor.u32 s1, s0  }
0xcb: {  	s0 =	sadd.s32 $0x8F2B, s0  }
0xcc: {  	[sflag:s0] =	ssyncadd.remote.s32 $0x1  }
0xcd: {  	_ =	sfence.sel $0xFFFF  }
0xce: {  	[dreg:$0x0] =	wrdreg $0xFFFFFFFF;
	(pc) =	sbr.abs _section_cstart, $3  }
0xcf: {  	[dreg:$0x1] =	wrdreg $0xFFFFFFFF  }
0xd0: {  	_ =	task.clear_ibuf [dreg:s22], $0x2FFFF;
	_ =	strace $0x9FFFFFFF  }
0xd1: {  	(tm) =	ssettm $0x7FFFFFFF  }
tec
execute0_lowered:
.L_overlay_start_1:
0x0: {  	(tag) =	ssettag $0x1  }
0x1: {  	s2 =	rddreg [dreg:$0x0]  }
0x2: {  	s0 =	srdreg.scid;
	s4 =	rddreg [dreg:$0x1]  }
0x3: {  	s1 =	stileid.u32;
	s3 =	simm.s32 $0x0;
	s12 =	simm.s32 $0x1400  }
0x4: {  	s13 =	simm.s32 $0x5400;
	s14 =	simm.s32 $0x1;
	s15 =	simm.s32 $0x3  }
0x5: {  	s16 =	simm.s32 $0x100;
	s17 =	simm.s32 $0x2;
	s18 =	simm.s32 $0x4  }
0x6: {  	s19 =	simm.s32 $0x0;
	s6 =	sand.u32 $0x1, s0;
	[smem:$0x7FF] =	sst s3  }
0x7: {  	s9 =	sadd.s32 $0x28DC00, s4;
	s11 =	sshll.u32 s1, $0xB;
	s5 =	sshll.u32 s6, $0x4  }
0x8: {  	_ =	strace $0x8000004A;
	s8 =	ssub.s32 $0x2, s6;
	s6 =	sshll.u32 s6, $0xF  }
0x9: {  	s7 =	sor.u32 s1, s5;
	s30 =	sshrl.u32 s8, $0x1;
	s10 =	sadd.s32 s6, s9  }
0xa: {  	s5 =	smul.u32 $0x280, s7;
	s8 =	ssub.s32 s8, s30;
	p0 =	slt.u32 s7, $0x2  }
0xb: {  	s7 =	sshll.u32 s7, $0xB;
	s31 =	sadd.s32 s11, s10;
	s10 =	simm.s32 $0x5  }
0xc: {  	s11 =	simm.s32 $0x80;
	s6 =	sadd.s32 s9, s7;
	s7 =	smax.u32 s8, $0x1  }
0xd: {  	s9 =	sadd.s32 $0x20000, s31;
	s5 =	sadd.s32 s5, s4;
	s4 =	simm.s32 $0x28  }
0xe: {  	s8 =	sadd.s32 $0x10000, s6;
	s4 =	simm.s32 @!p0 $0x27;
	s5 =	sadd.s32 $0x288C00, s5  }
.LBB2_1:
0xf: {  	[tilespmem:s3], [sflag:$0x5] =	stream.linear.gather [hbm4b:s5+s3], $0x1400, $0x38;
	[tilespmem:$0x9400] =	vst v63  }
0x10: {  	_ =	swait.ge [sflag:s10], $0x1400  }
0x11: {  	[sflag:s10] =	ssyncset.done $0x0  }
0x12: {  	[sflag:s10] =	ssyncadd.s32 $0xFFFFEC00  }
0x13: {  	[tilespmem:s12], [sflag:$0x1] =	stream.indirect.gather [hbm4b:s2+s11], $0x80, s3, s11, $0xb8;
	[tilespmem:$0x9400] =	vst v63  }
0x14: {  	_ = 	snop  }
0x15: {  	[tilespmem:s13], [sflag:$0x2] =	stream.indirect.gather [hbm4b:s2+s11], $0x80, s11, s11, $0xb8;
	[tilespmem:$0x9400] =	vst v63  }
0x16: {  	_ =	swait.ge [sflag:s14], $0x4000  }
0x17: {  	[sflag:s14] =	ssyncset.done $0x0  }
0x18: {  	[sflag:s14] =	ssyncadd.s32 $0xFFFFC000  }
0x19: {  	[hbm4b:s6+s3] =	stream.linear.scatter [tilespmem:s12], [sflag:$0x3], $0x4000, $0x38;
	[tilespmem:$0x9400] =	vst v63  }
0x1a: {  	_ =	swait.ge [sflag:s15], $0x4000  }
0x1b: {  	[sflag:s15] =	ssyncset.done $0x0  }
0x1c: {  	[sflag:s15] =	ssyncadd.s32 $0xFFFFC000  }
0x1d: {  	[tilespmem:s12], [sflag:$0x1] =	stream.indirect.gather [hbm4b:s2+s11], $0x80, s16, s11, $0xb8;
	[tilespmem:$0x9400] =	vst v63  }
0x1e: {  	_ =	swait.ge [sflag:s17], $0x4000  }
0x1f: {  	p1 =	sle.u32 s4, $0x3;
	[sflag:s17] =	ssyncset.done $0x0  }
0x20: {  	s20 =	simm.s32 @!p1 $0x4;
	[sflag:s17] =	ssyncadd.s32 $0xFFFFC000  }
0x21: {  	[hbm4b:s8+s3] =	stream.linear.scatter [tilespmem:s13], [sflag:$0x4], $0x4000, $0x38;
	[tilespmem:$0x9400] =	vst v63  }
0x22: {  	p0 =	por p1, p1;
	_ =	swait.ge @!p1 [sflag:s20], $0x4000  }
0x23: {  	s21 =	simm.s32 $0x180;
	p2 =	sle.u32 s4, $0x2;
	[sflag:s20] =	ssyncset.done @!p0 $0x0  }
0x24: {  	s22 =	simm.s32 @!p0 $0x5400;
	[sflag:s20] =	ssyncadd.s32 @!p0 $0xFFFFC000;
	s20 =	simm.s32 @!p0 $0x80  }
0x25: {  	[tilespmem:s22], [sflag:$0x2] =	stream.indirect.gather @!p0 [hbm4b:s2+s20], $0x80, s21, s20, $0xb8;
	[tilespmem:$0x9400] =	vst v63  }
0x26: {  	p1 =	sle.u32 @!p1 s4, $0x4;
	s20 =	simm.s32 @!p2 $0x1  }
0x27: {  	p1 =	por p1, p0;
	_ =	swait.ge @!p2 [sflag:s20], $0x4000  }
0x28: {  	s25 =	simm.s32 @!p1 $0x3;
	[sflag:s20] =	ssyncset.done @!p2 $0x0  }
0x29: {  	s21 =	simm.s32 @!p2 $0x1400;
	[sflag:s20] =	ssyncadd.s32 @!p2 $0xFFFFC000;
	s20 =	simm.s32 @!p2 $0x0  }
0x2a: {  	[hbm4b:s9+s20] =	stream.linear.scatter @!p2 [tilespmem:s21], [sflag:$0x3], $0x4000, $0x38;
	[tilespmem:$0x9400] =	vst v63  }
0x2b: {  	s23 =	simm.s32 $0x6;
	s24 =	simm.s32 $0x8;
	_ =	swait.ge @!p1 [sflag:s25], $0x4000  }
0x2c: {  	s29 =	simm.s32 $0x5;
	s20 =	simm.s32 @!p1 $0x1400;
	[sflag:s25] =	ssyncset.done @!p1 $0x0  }
0x2d: {  	s21 =	simm.s32 @!p1 $0x200;
	[sflag:s25] =	ssyncadd.s32 @!p1 $0xFFFFC000;
	s25 =	simm.s32 @!p1 $0x80  }
0x2e: {  	[tilespmem:s20], [sflag:$0x1] =	stream.indirect.gather @!p1 [hbm4b:s2+s25], $0x80, s21, s25, $0xb8;
	[tilespmem:$0x9400] =	vst v63  }
0x2f: {  	s26 =	simm.s32 @!p0 $0x2;
	s28 =	simm.s32 @!p0 $0x0;
	s20 =	sadd.s32 $0x20000, s9  }
0x30: {  	s21 =	simm.s32 $0x280;
	s25 =	smov.u32 s9;
	_ =	swait.ge @!p0 [sflag:s26], $0x4000  }
.LBB2_2:
0x31: {  	p1 =	sge.u32 s29, s4;
	[sflag:s26] =	ssyncset.done @!p0 $0x0;
	s29 =	sadd.s32 @!p0 $0x10000, s25  }
0x32: {  	s30 =	smov.u32 s24;
	s25 =	smov.u32 s20;
	s31 =	smov.u32 s21  }
0x33: {  	s0 =	simm.s32 @!p1 $0x4;
	p2 =	sge.u32 @!p1 s23, s4;
	[sflag:s26] =	ssyncadd.s32 @!p0 $0xFFFFC000  }
0x34: {  	[hbm4b:s29+s28] =	stream.linear.scatter @!p0 [tilespmem:s22], [sflag:$0x4], $0x4000, $0x38;
	[tilespmem:$0x9400] =	vst v63  }
0x35: {  	s24 =	sadd.s32 $0x2, s24;
	p0 =	por p1, p1;
	_ =	swait.ge @!p1 [sflag:s0], $0x4000  }
0x36: {  	s23 =	sadd.s32 $0xFFFFFFFE, s23;
	s22 =	simm.s32 @!p0 $0x5400;
	[sflag:s0] =	ssyncset.done @!p0 $0x0  }
0x37: {  	p3 =	sge.u32 s23, s4;
	[sflag:s0] =	ssyncadd.s32 @!p0 $0xFFFFC000;
	s0 =	simm.s32 @!p0 $0x80  }
0x38: {  	[tilespmem:s22], [sflag:$0x2] =	stream.indirect.gather @!p0 [hbm4b:s2+s0], $0x80, s21, s0, $0xb8;
	[tilespmem:$0x9400] =	vst v63  }
0x39: {  	s23 =	smov.u32 s30;
	p1 =	sne.s32 s24, $0x2A;
	s0 =	simm.s32 @!p3 $0x1  }
0x3a: {  	p2 =	por p2, p0;
	_ =	swait.ge @!p3 [sflag:s0], $0x4000  }
0x3b: {  	s26 =	simm.s32 @!p3 $0x1400;
	s28 =	simm.s32 @!p2 $0x3;
	[sflag:s0] =	ssyncset.done @!p3 $0x0  }
0x3c: {  	s21 =	sadd.s32 $0x100, s21;
	[sflag:s0] =	ssyncadd.s32 @!p3 $0xFFFFC000;
	s0 =	simm.s32 @!p3 $0x0  }
0x3d: {  	[hbm4b:s20+s0] =	stream.linear.scatter @!p3 [tilespmem:s26], [sflag:$0x3], $0x4000, $0x38;
	[tilespmem:$0x9400] =	vst v63  }
.Ltmp0:
0x3e: {  	s20 =	sadd.s32 $0x20000, s20;
	_ =	swait.ge @!p2 [sflag:s28], $0x4000;
	(pc) =	sbr.rel @p1 .LBB2_2-.Ltmp0, $4  }
0x3f: {  	s0 =	simm.s32 @!p2 $0x1400;
	s26 =	simm.s32 @!p0 $0x2;
	[sflag:s28] =	ssyncset.done @!p2 $0x0  }
0x40: {  	s29 =	simm.s32 @!p2 $0x80;
	[sflag:s28] =	ssyncadd.s32 @!p2 $0xFFFFC000;
	s28 =	sadd.s32 @!p2 $0x80, s31  }
0x41: {  	[tilespmem:s0], [sflag:$0x1] =	stream.indirect.gather @!p2 [hbm4b:s2+s29], $0x80, s28, s29, $0xb8;
	[tilespmem:$0x9400] =	vst v63  }
0x42: {  	s29 =	sadd.s32 $0xFFFFFFFF, s23;
	s28 =	simm.s32 @!p0 $0x0;
	_ =	swait.ge @!p0 [sflag:s26], $0x4000  }
0x43: {  	p1 =	sge.u32 s29, s4;
	[sflag:s26] =	ssyncset.done @!p0 $0x0;
	s0 =	sadd.s32 @!p0 $0x10000, s25  }
0x44: {  	s31 =	sadd.s32 $0xFFFFFFFE, s23;
	s24 =	simm.s32 @!p1 $0x4;
	[sflag:s26] =	ssyncadd.s32 @!p0 $0xFFFFC000  }
0x45: {  	[hbm4b:s0+s28] =	stream.linear.scatter @!p0 [tilespmem:s22], [sflag:$0x4], $0x4000, $0x38;
	[tilespmem:$0x9400] =	vst v63  }
0x46: {  	p2 =	sge.u32 s31, s4;
	p0 =	por p1, p1;
	_ =	swait.ge @!p1 [sflag:s24], $0x4000  }
0x47: {  	s0 =	simm.s32 @!p2 $0x1;
	[sflag:s24] =	ssyncset.done @!p0 $0x0  }
0x48: {  	s22 =	simm.s32 @!p0 $0x5400;
	[sflag:s24] =	ssyncadd.s32 @!p0 $0xFFFFC000;
	s24 =	simm.s32 @!p0 $0x80  }
0x49: {  	[tilespmem:s22], [sflag:$0x2] =	stream.indirect.gather @!p0 [hbm4b:s2+s24], $0x80, s21, s24, $0xb8;
	[tilespmem:$0x9400] =	vst v63  }
0x4a: {  	p1 =	sge.u32 @!p1 s23, s4;
	_ =	swait.ge @!p2 [sflag:s0], $0x4000  }
0x4b: {  	s23 =	simm.s32 @!p2 $0x1400;
	p1 =	por p1, p0;
	[sflag:s0] =	ssyncset.done @!p2 $0x0  }
0x4c: {  	s24 =	simm.s32 @!p1 $0x3;
	[sflag:s0] =	ssyncadd.s32 @!p2 $0xFFFFC000;
	s0 =	simm.s32 @!p2 $0x0  }
0x4d: {  	[hbm4b:s20+s0] =	stream.linear.scatter @!p2 [tilespmem:s23], [sflag:$0x3], $0x4000, $0x38;
	[tilespmem:$0x9400] =	vst v63  }
0x4e: {  	_ =	swait.ge @!p1 [sflag:s24], $0x4000  }
0x4f: {  	s21 =	sadd.s32 @!p1 $0x80, s21;
	s0 =	simm.s32 @!p1 $0x1400;
	[sflag:s24] =	ssyncset.done @!p1 $0x0  }
0x50: {  	s23 =	simm.s32 @!p0 $0x2;
	[sflag:s24] =	ssyncadd.s32 @!p1 $0xFFFFC000;
	s24 =	simm.s32 @!p1 $0x80  }
0x51: {  	[tilespmem:s0], [sflag:$0x1] =	stream.indirect.gather @!p1 [hbm4b:s2+s24], $0x80, s21, s24, $0xb8;
	[tilespmem:$0x9400] =	vst v63  }
0x52: {  	_ =	swait.ge @!p0 [sflag:s23], $0x4000  }
0x53: {  	s19 =	sadd.s32 $0x1, s19;
	[sflag:s23] =	ssyncset.done @!p0 $0x0  }
0x54: {  	s20 =	sadd.s32 @!p0 $0x10000, s20;
	s0 =	simm.s32 @!p0 $0x0;
	[sflag:s23] =	ssyncadd.s32 @!p0 $0xFFFFC000  }
0x55: {  	[hbm4b:s20+s0] =	stream.linear.scatter @!p0 [tilespmem:s22], [sflag:$0x4], $0x4000, $0x38;
	[tilespmem:$0x9400] =	vst v63  }
0x56: {  	p0 =	sne.s32 s19, s7;
	_ =	swait.ge [sflag:s15], $0x4000  }
.Ltmp1:
0x57: {  	[sflag:s15] =	ssyncset.done $0x0;
	(pc) =	sbr.rel @p0 .LBB2_1-.Ltmp1, $4  }
0x58: {  	[sflag:s15] =	ssyncadd.s32 $0xFFFFC000  }
0x59: {  	_ =	swait.ge [sflag:s18], $0x4000  }
0x5a: {  	[sflag:s18] =	ssyncset.done $0x0  }
0x5b: {  	[sflag:s18] =	ssyncadd.s32 $0xFFFFC000  }
0x5c: {  	_ =	sfence.sel $0x180000  }
0x5d: {  	[bflag:$0x0] =	sbarrier.arrive $0xFFFF  }
0x5e: {  	_ =	strace $0x9000004A  }
0x5f: {  	[bflag:$0x2] =	sbarrier.arrive $0xFFFF  }
0x60: {  	p0 =	sne.s32 s1, $0x0;
	s0 =	rddreg [dreg:$0x2]  }
0x61: {  	s0 =	sadd.s32 @!p0 $0x100000, s0  }
0x62: {  	[sflag:s0] =	ssyncadd.tile.s32 @!p0 $0x1;
	_ =	shalt  }
.Lfunc_end2:
_tile_overlayer_lowered:
.L_overlay_start_2:
0x63: {  	(tag) =	ssettag $0x2  }
0x64: {  	s0 =	rddreg [dreg:$0x0];
	s2 =	stileid.u32  }
0x65: {  	s1 =	rddreg [dreg:$0x1];
	p0 =	sne.s32 s2, $0x0  }
0x66: {  	s3 =	rddreg [dreg:$0x2];
	[bflag:$0x3] =	sbarrier.arrive $0xFFFF;
	s2 =	simm.s32 @!p0 $0x1C05  }
0x67: {  	[timem:s3], [sflag:s2] =	dma.local @!p0 [hbm:s0], s1  }
0x68: {  	s0 =	simm.s32 @!p0 $0x5  }
0x69: {  	_ =	swait.ge @!p0 [sflag:s0], s1  }
0x6a: {  	s1 =	ssub.s32 @!p0 $0x0, s1;
	[sflag:s0] =	ssyncset.done @!p0 $0x0  }
0x6b: {  	[sflag:s0] =	ssyncadd.s32 @!p0 s1  }
0x6c: {  	[bflag:$0x3] =	sbarrier.arrive $0xFFFF  }
0x6d: {  	_ =	shalt  }

// kernel: kernel.13.cloned.1.call-start
scs
__scs_entry_jumppad:
0x0: {  	(pc) =	sbr.rel $0x88, $3  }
0x1: {  	(tag) =	ssettag $0x0;
	lr =	simm.s32 $0x1  }
0x2: {  	[smem:$0x3F90] =	sst lr;
	_ =	strace $0xD0000000  }
0x3: {  	_ = 	snop  }
0x4: {  	_ = 	snop  }
0x5: {  	_ = 	snop  }
0x6: {  	_ = 	snop  }
0x7: {  	_ = 	snop  }
__scs_overlays_trampoline_lowered:
0x8: {  	[smem:$0x3F9F] =	sst s0  }
0x9: {  	[smem:$0x3FA0] =	sst s1  }
0xa: {  	[smem:$0x3FA1] =	sst s2  }
0xb: {  	[smem:$0x3FA2] =	sst s3  }
0xc: {  	[smem:$0x3FA3] =	sst s4  }
0xd: {  	[smem:$0x3FA4] =	sst s5  }
0xe: {  	[smem:$0x3FA5] =	sst s6  }
0xf: {  	[smem:$0x3FA6] =	sst s7  }
0x10: {  	[smem:$0x3FA7] =	sst s8  }
0x11: {  	[smem:$0x3FA8] =	sst s9;
	s0 =	simm.s32 @!p0 $0x0  }
0x12: {  	s1 =	sld [smem:$0x3F8E];
	s0 =	simm.s32 @p0 $0x1  }
0x13: {  	[smem:$0x3FA9] =	sst s0;
	s0 =	simm.s32 @!p1 $0x0  }
0x14: {  	s2 =	sld [smem:$0x3F8D];
	s0 =	simm.s32 @p1 $0x1  }
0x15: {  	[smem:$0x3FAA] =	sst s0;
	s0 =	simm.s32 @!p2 $0x0  }
0x16: {  	s3 =	sld [smem:$0x3FDB];
	s0 =	simm.s32 @p2 $0x1  }
0x17: {  	s4 =	simm.s32 $0x1BF5;
	[smem:$0x3FAC] =	sst s0  }
0x18: {  	s0 =	sld [smem:$0x3F8F];
	_ =	swait.ge [sflag:s4], $0x0  }
0x19: {  	s7 =	sld [smem:$0x3F90]  }
0x1a: {  	s8 =	sadd.s32 $0xFFFFE003, lr  }
0x1b: {  	s9 =	sadd.s32 $0xFFFFFEF7, lr;
	s5 =	simm.s32 $0xFFFFFFFF;
	p2 =	slt.u32 s8, $0xFFFFF086  }
0x1c: {  	p1 =	slt.u32 s9, $0xF7A;
	s5 =	simm.s32 @!p2 $0x0  }
0x1d: {  	s5 =	simm.s32 @p1 $0x1;
	p0 =	seq.s32 s7, s2  }
0x1e: {  	s7 =	smul.u32 @!p0 $0xF7A, s2;
	p2 =	seq.s32 @!p0 s5, $0x0  }
0x1f: {  	s9 =	smul.u32 $0xF7A, s1;
	s8 =	simm.s32 @!p0 $0x1BF5;
	p2 =	por !p2, p0  }
0x20: {  	[sflag:s8] =	ssyncset.s32 @!p0 $0xFFFFF086;
	s6 =	sadd.s32 @!p0 s3, s7;
	s7 =	simm.s32 @!p0 $0x108  }
0x21: {  	s3 =	sadd.s32 s3, s9;
	s6 =	sadd.s32 @!p0 $0x88, s6;
	s7 =	simm.s32 @p2 $0x1082  }
0x22: {  	[simem:s7], [sflag:s8] =	dma.local @!p0 [hbm:s6], $0xF7A  }
0x23: {  	s9 =	sor.u32 $0xD0000000, s2;
	s6 =	simm.s32 $0x108;
	_ =	swait.ge @!p0 [sflag:s8], $0x0  }
0x24: {  	s3 =	sadd.s32 $0x88, s3;
	s6 =	simm.s32 @!p1 $0x1082;
	[sflag:s4] =	ssyncset.s32 $0xFFFFF086  }
0x25: {  	[simem:s6], [sflag:s4] =	dma.local [hbm:s3], $0xF7A  }
0x26: {  	[smem:$0x3F90] =	sst s1;
	(tag) =	ssettag s2;
	_ =	strace s9  }
0x27: {  	s1 =	sld [smem:$0x3FA0]  }
0x28: {  	s2 =	sld [smem:$0x3FA1]  }
0x29: {  	s4 =	sld [smem:$0x3FA3]  }
0x2a: {  	p0 =	seq.s32 s5, $0x0;
	s5 =	sld [smem:$0x3FA4]  }
0x2b: {  	s6 =	sld [smem:$0x3FA5]  }
0x2c: {  	s7 =	sld [smem:$0x3FA6]  }
0x2d: {  	s3 =	simm.s32 $0x108;
	s8 =	sld [smem:$0x3FA7]  }
0x2e: {  	s3 =	simm.s32 @!p0 $0x1082;
	s9 =	sld [smem:$0x3FA8]  }
0x2f: {  	lr =	sadd.s32 s0, s3;
	s0 =	sld [smem:$0x3F9F]  }
0x30: {  	s3 =	sld [smem:$0x3FA2]  }
0x31: {  	[smem:$0x3FAB] =	sst s10  }
0x32: {  	s10 =	sld [smem:$0x3FA9];
	_ =	sdelay $0x3  }
0x33: {  	p0 =	seq.s32 s10, $0x1;
	s10 =	sld [smem:$0x3FAB];
	_ =	sdelay $0x3  }
0x34: {  	[smem:$0x3FAB] =	sst s10  }
0x35: {  	s10 =	sld [smem:$0x3FAA];
	_ =	sdelay $0x3  }
0x36: {  	p1 =	seq.s32 s10, $0x1;
	s10 =	sld [smem:$0x3FAB];
	_ =	sdelay $0x3  }
0x37: {  	[smem:$0x3FAB] =	sst s10  }
0x38: {  	s10 =	sld [smem:$0x3FAC]  }
0x39: {  	_ = 	snop;
	(pc) =	sbr.ind lr, $3  }
0x3a: {  	_ = 	snop  }
0x3b: {  	_ = 	snop  }
0x3c: {  	p2 =	seq.s32 s10, $0x1;
	s10 =	sld [smem:$0x3FAB]  }
0x3d: {  	_ =	shalt  }
0x3e: {  	_ =	shalt  }
0x3f: {  	_ =	shalt  }
0x40: {  	_ =	shalt  }
0x41: {  	_ =	shalt  }
0x42: {  	_ =	shalt  }
0x43: {  	_ =	shalt  }
0x44: {  	_ =	shalt  }
0x45: {  	_ =	shalt  }
0x46: {  	_ =	shalt  }
0x47: {  	_ =	shalt  }
0x48: {  	_ =	shalt  }
0x49: {  	_ =	shalt  }
0x4a: {  	_ =	shalt  }
0x4b: {  	_ =	shalt  }
0x4c: {  	_ =	shalt  }
0x4d: {  	_ =	shalt  }
0x4e: {  	_ =	shalt  }
0x4f: {  	_ =	shalt  }
0x50: {  	_ =	shalt  }
0x51: {  	_ =	shalt  }
0x52: {  	_ =	shalt  }
0x53: {  	_ =	shalt  }
0x54: {  	_ =	shalt  }
0x55: {  	_ =	shalt  }
0x56: {  	_ =	shalt  }
0x57: {  	_ =	shalt  }
0x58: {  	_ =	shalt  }
0x59: {  	_ =	shalt  }
0x5a: {  	_ =	shalt  }
0x5b: {  	_ =	shalt  }
0x5c: {  	_ =	shalt  }
0x5d: {  	_ =	shalt  }
0x5e: {  	_ =	shalt  }
0x5f: {  	_ =	shalt  }
0x60: {  	_ =	shalt  }
0x61: {  	_ =	shalt  }
0x62: {  	_ =	shalt  }
0x63: {  	_ =	shalt  }
0x64: {  	_ =	shalt  }
0x65: {  	_ =	shalt  }
0x66: {  	_ =	shalt  }
0x67: {  	_ =	shalt  }
0x68: {  	_ =	shalt  }
0x69: {  	_ =	shalt  }
0x6a: {  	_ =	shalt  }
0x6b: {  	_ =	shalt  }
0x6c: {  	_ =	shalt  }
0x6d: {  	_ =	shalt  }
0x6e: {  	_ =	shalt  }
0x6f: {  	_ =	shalt  }
0x70: {  	_ =	shalt  }
0x71: {  	_ =	shalt  }
0x72: {  	_ =	shalt  }
0x73: {  	_ =	shalt  }
0x74: {  	_ =	shalt  }
0x75: {  	_ =	shalt  }
0x76: {  	_ =	shalt  }
0x77: {  	_ =	shalt  }
0x78: {  	_ =	shalt  }
0x79: {  	_ =	shalt  }
0x7a: {  	_ =	shalt  }
0x7b: {  	_ =	shalt  }
0x7c: {  	_ =	shalt  }
0x7d: {  	_ =	shalt  }
0x7e: {  	_ =	shalt  }
0x7f: {  	_ =	shalt  }
0x80: {  	_ =	shalt  }
0x81: {  	_ =	shalt  }
0x82: {  	_ =	shalt  }
0x83: {  	_ =	shalt  }
0x84: {  	_ =	shalt  }
0x85: {  	_ =	shalt  }
0x86: {  	_ =	shalt  }
0x87: {  	_ =	shalt  }
.Lfunc_end0:
.L_simem_size_0:
called_computation.1_lowered:
.L_overlay_start_0:
0x88: {  	s2 =	sld [smem:$0x3FD9]  }
0x89: {  	s3 =	sld [smem:$0x3FFE];
	_ =	sdelay $0x1  }
0x8a: {  	s1 =	srdreg.scid  }
0x8b: {  	s0 =	sand.u32 $0x1, s1  }
0x8c: {  	s17 =	sshll.u32 s0, $0xA;
	s2 =	sadd.s32 s3, s2  }
0x8d: {  	s2 =	sadd.s32 s2, s17  }
0x8e: {  	[smem:$0x3FB7] =	sst s2  }
0x8f: {  	_ = 	snop  }
0x90: {  	s18 =	sld [smem:$0x3FD0];
	(tm) =	ssettm $0x1  }
0x91: {  	s19 =	sld [smem:$0x3FFB];
	_ =	sdelay $0x3  }
0x92: {  	_ =	strace s19  }
0x93: {  	s2 =	sld [smem:$0x3FFC];
	_ =	sdelay $0x3  }
0x94: {  	_ =	strace s2  }
0x95: {  	s2 =	sld [smem:$0x3FFD];
	_ =	sdelay $0x3  }
0x96: {  	_ =	strace s2  }
0x97: {  	_ =	strace $0x8FFFFFFF  }
0x98: {  	s20 =	sld [smem:$0x3FDB];
	_ =	sdelay $0x1  }
0x99: {  	s4 =	simm.s32 $_scs_section_size  }
0x9a: {  	s5 =	simm.s32 $_size__tile_overlayer_lowered;
	s6 =	simm.s32 $_tile_overlayer_lowered  }
0x9b: {  	s7 =	simm.s32 $0x1BFF;
	s21 =	sshll.u32 s6, $0x1;
	s4 =	sadd.s32 s4, s20  }
0x9c: {  	s22 =	simm.s32 $0x0;
	s5 =	sshll.u32 s5, $0x1;
	s6 =	sadd.s32 s21, s4  }
0x9d: {  	[timem:s22], [sflag:s7] =	dma.local [hbm:s6], s5  }
0x9e: {  	_ =	swait.ge [sflag:s7], s5  }
0x9f: {  	s5 =	ssub.s32 $0x0, s5;
	[sflag:s7] =	ssyncset.done $0x0  }
0xa0: {  	[sflag:s7] =	ssyncadd.s32 s5;
	_ =	sdelay $0x1  }
0xa1: {  	s23 =	simm.s32 $0x1B8B  }
0xa2: {  	_ =	swait.ge [sflag:s23], $0x1  }
0xa3: {  	[sflag:s23] =	ssyncset.done $0x0  }
0xa4: {  	[sflag:s23] =	ssyncadd.s32 $0xFFFFFFFF  }
0xa5: {  	s5 =	sld [smem:$0x0]  }
0xa6: {  	s6 =	sand.u32 $0xFFFFFFFE, s1  }
0xa7: {  	p0 =	sne.s32 s1, s6  }
0xa8: {  	s6 =	sshll.u32 @p0 s6, $0xE  }
0xa9: {  	s6 =	sadd.s32 @p0 $0x11B8D, s6;
	s7 =	sshll.u32 @p0 s5, $0x11  }
0xaa: {  	s6 =	sor.u32 @p0 s7, s6  }
0xab: {  	[sflag:s6] =	ssyncadd.remote.s32 @p0 $0x1;
	_ =	sdelay $0x1  }
0xac: {  	s6 =	simm.s32 @p0 $0x1B8D  }
0xad: {  	_ =	swait.eq @p0 [sflag:s6], $0x1  }
0xae: {  	[sflag:s6] =	ssyncadd.s32 @p0 $0xFFFFFFFF  }
0xaf: {  	s7 =	sshll.u32 @!p0 s1, $0xE  }
0xb0: {  	s7 =	sor.u32 @!p0 $0x4000, s7;
	s6 =	simm.s32 @!p0 $0x1B8D  }
0xb1: {  	s5 =	sshll.u32 @!p0 s5, $0x11;
	s7 =	sadd.s32 @!p0 $0x11B8D, s7;
	_ =	swait.eq @!p0 [sflag:s6], $0x1  }
0xb2: {  	s5 =	sor.u32 @!p0 s5, s7;
	[sflag:s6] =	ssyncadd.s32 @!p0 $0xFFFFFFFF  }
0xb3: {  	s25 =	simm.s32 $0x1B8E;
	s24 =	sld [smem:$0x3FFE];
	[sflag:s5] =	ssyncadd.remote.s32 @!p0 $0x1  }
0xb4: {  	s26 =	simm.s32 $execute0_lowered;
	[smem:$0x3FD2] =	sst s25  }
0xb5: {  	s6 =	sshll.u32 s26, $0x1;
	_ =	strace $0x8000004F;
	[dreg:$0x1] =	wrdreg $0xFFFFFFFF  }
0xb6: {  	s28 =	simm.s32 $_size_execute0_lowered;
	s4 =	sadd.s32 s4, s6;
	[dreg:$0x0] =	wrdreg $0x0  }
0xb7: {  	s6 =	sshll.u32 s28, $0x1;
	[dreg:$0x2] =	wrdreg s4  }
0xb8: {  	[dreg:$0x3] =	wrdreg s6  }
0xb9: {  	[dreg:$0x4] =	wrdreg $0xC0  }
0xba: {  	_ =	task [dreg:s22], $0x5FFFF  }
0xbb: {  	[dreg:$0x1] =	wrdreg $0xFFFFFFFF  }
0xbc: {  	[dreg:$0x0] =	wrdreg $0x60  }
0xbd: {  	[dreg:$0x2] =	wrdreg s24  }
0xbe: {  	[dreg:$0x3] =	wrdreg s18  }
0xbf: {  	[dreg:$0x4] =	wrdreg $0xA8800  }
0xc0: {  	[dreg:$0x5] =	wrdreg $0x9  }
0xc1: {  	_ =	task.clear_ibuf [dreg:s22], $0x6FFFF;
	_ =	strace $0x9000004F  }
0xc2: {  	s29 =	simm.s32 $0x9;
	_ =	strace $0x80000051  }
0xc3: {  	_ =	swait.ge [sflag:s29], $0x1  }
0xc4: {  	[sflag:s29] =	ssyncadd.s32 $0xFFFFFFFF  }
0xc5: {  	_ =	strace $0x90000051  }
0xc6: {  	_ =	sfence  }
0xc7: {  	s30 =	sld [smem:$0x0];
	_ =	sdelay $0x2  }
0xc8: {  	s31 =	sshll.u32 s1, $0xD;
	s1 =	sshrl.u32 s1, $0x2  }
0xc9: {  	s4 =	sand.u32 $0x4000, s31;
	s1 =	sadd.s32 s1, s30  }
0xca: {  	s0 =	sor.u32 s4, s0;
	s1 =	sshll.u32 s1, $0x11  }
0xcb: {  	s0 =	sor.u32 s1, s0  }
0xcc: {  	s0 =	sadd.s32 $0x8F2B, s0  }
0xcd: {  	[sflag:s0] =	ssyncadd.remote.s32 $0x1  }
0xce: {  	_ =	sfence.sel $0xFFFF  }
0xcf: {  	[dreg:$0x0] =	wrdreg $0xFFFFFFFF;
	(pc) =	sbr.abs _section_cstart, $3  }
0xd0: {  	[dreg:$0x1] =	wrdreg $0xFFFFFFFF  }
0xd1: {  	_ =	task.clear_ibuf [dreg:s22], $0x2FFFF;
	_ =	strace $0x9FFFFFFF  }
0xd2: {  	(tm) =	ssettm $0x7FFFFFFF  }
0xd3: {  	_ =	shalt  }
tec
execute0_lowered:
.L_overlay_start_1:
0x0: {  	(tag) =	ssettag $0x1  }
0x1: {  	s5 =	rddreg [dreg:$0x0]  }
0x2: {  	s11 =	rddreg [dreg:$0x1]  }
0x3: {  	s2 =	rddreg [dreg:$0x2]  }
0x4: {  	s0 =	stileid.u32;
	s4 =	srdreg.scid;
	s3 =	simm.s32 $0x0  }
0x5: {  	s6 =	smul.u32 $0x13C00, s0;
	s12 =	sand.u32 $0x1, s4;
	s13 =	sadd.s32 $0x76FC00, s5  }
0x6: {  	[smem:$0x7FF] =	sst s3;
	s4 =	sadd.s32 $0x283C00, s5;
	s14 =	smul.u32 $0x4F000, s0  }
0x7: {  	s23 =	sshll.u32 s0, $0x6;
	s25 =	sshrl.u32 s0, $0x3;
	s28 =	sshll.u32 s0, $0x7  }
0x8: {  	s31 =	sshll.u32 s0, $0xB;
	s7 =	smul.u32 $0x13C000, s12;
	_ =	strace $0x80000050  }
0x9: {  	s20 =	ssub.s32 $0x2, s12;
	s10 =	sshll.u32 s12, $0x4;
	s24 =	smul.u32 $0x27800, s12  }
0xa: {  	s18 =	smul.u32 $0x13C00, s25;
	s30 =	sshll.u32 s12, $0xB;
	s12 =	sshll.u32 s12, $0xF  }
0xb: {  	s8 =	sshrl.u32 s6, $0x3;
	s9 =	sshrl.u32 s20, $0x1;
	s21 =	sor.u32 s0, s10  }
0xc: {  	s22 =	sshrl.u32 s14, $0x2;
	s12 =	sadd.s32 s12, s13;
	s6 =	sadd.s32 s6, s7  }
0xd: {  	s19 =	sadd.s32 s8, s5;
	s16 =	ssub.s32 s20, s9;
	p0 =	slt.u32 s21, $0x2  }
0xe: {  	s17 =	sadd.s32 s22, s2;
	s7 =	sor.u32 $0x1C05, s23;
	s26 =	sshll.u32 s21, $0x4  }
0xf: {  	s9 =	sshll.u32 s21, $0xB;
	s18 =	sadd.s32 s24, s18;
	s20 =	simm.s32 $0x4  }
0x10: {  	s21 =	simm.s32 $0x80;
	s22 =	simm.s32 $0x400;
	s23 =	simm.s32 $0x8100  }
0x11: {  	s6 =	sshrl.u32 s6, $0x3;
	s8 =	sadd.s32 s4, s26;
	s9 =	sadd.s32 s13, s9  }
0x12: {  	s13 =	sadd.s32 s31, s12;
	s12 =	smax.u32 s16, $0x1;
	s16 =	sshrl.u32 s17, $0x3  }
0x13: {  	s17 =	simm.s32 $0x5;
	s15 =	sadd.s32 s6, s5;
	s5 =	simm.s32 $0x28  }
0x14: {  	s6 =	sadd.s32 $0x8E00, s19;
	s19 =	sand.u32 $0x380, s28;
	s13 =	sadd.s32 $0x10000, s13  }
0x15: {  	s5 =	simm.s32 @!p0 $0x27;
	s29 =	sor.u32 s19, s18;
	s18 =	sor.u32 s28, s30  }
0x16: {  	s10 =	sadd.s32 $0x89400, s15;
	s15 =	sshrl.u32 s29, $0x3;
	s14 =	sor.u32 $0x1000, s18  }
0x17: {  	s19 =	simm.s32 $0x3;
	s11 =	sadd.s32 s11, s15;
	s14 =	sshrl.u32 s14, $0x3  }
0x18: {  	v0 =	vimm.f32 $0.0e+00;
	s15 =	sor.u32 $0x2000, s18;
	s18 =	simm.s32 $0x100;
	s14 =	sadd.s32 s14, s4  }
.LBB2_1:
0x19: {  	[spmem:s16], [sflag:s7] =	dma.local [hbm:s6], $0x2780  }
0x1a: {  	_ =	swait.ge [sflag:s17], $0x2780  }
0x1b: {  	[sflag:s17] =	ssyncset.done $0x0  }
0x1c: {  	s24 =	simm.s32 $0x40;
	s25 =	simm.s32 $0x0;
	[sflag:s17] =	ssyncadd.s32 $0xFFFFD880  }
.LBB2_2:
0x1d: {  	p0 =	sne.s32 s24, $0x9DC0;
	[tilespmem:s25+$0x8100] =	vst v0;
	s25 =	smov.u32 s24;
	s24 =	sadd.s32 $0x40, s24  }
.Ltmp0:
0x1e: {  	(pc) =	sbr.rel @p0 .LBB2_2-.Ltmp0, $2  }
0x1f: {  	_ =	sdelay $0x2  }
0x20: {  	s25 =	sshra.s32 s25, $0x2  }
0x21: {  	[tilespmem:s25+$0x8100] =	vst v0  }
0x22: {  	s24 =	simm.s32 $0x0;
	[bflag:$0x0] =	sbarrier.arrive $0xFFFF  }
0x23: {  	[tilespmem:s24], [sflag:$0x1] =	stream.linear.gather [hbm4b:s8+s24], $0x80, $0x38;
	[tilespmem:$0x1E480] =	vst v63  }
0x24: {  	s25 =	smov.u32 s15;
	s26 =	smov.u32 s14;
	s28 =	smov.u32 s13  }
0x25: {  	[tilespmem:s18], [sflag:$0x1] =	stream.linear.gather [hbm4b:s9+s24], $0x4000, $0x38;
	[tilespmem:$0x1E480] =	vst v63  }
.LBB2_4:
0x26: {  	s29 =	sadd.s32 $0x1, s24  }
0x27: {  	p0 =	sge.u32 s29, s5  }
0x28: {  	p1 =	seq.s32 @!p0 s24, $0x0  }
0x29: {  	p1 =	por p1, p0  }
0x2a: {  	s29 =	simm.s32 @!p1 $0x4  }
0x2b: {  	_ =	swait.ge @!p1 [sflag:s29], $0x4000  }
0x2c: {  	[sflag:s29] =	ssyncset.done @!p1 $0x0  }
0x2d: {  	s30 =	simm.s32 @!p0 $0x80;
	[sflag:s29] =	ssyncadd.s32 @!p1 $0xFFFFC000;
	s29 =	simm.s32 @!p0 $0x0  }
0x2e: {  	[tilespmem:s30], [sflag:$0x2] =	stream.linear.gather @!p0 [hbm4b:s26+s29], $0x80, $0x38;
	[tilespmem:$0x1E480] =	vst v63  }
0x2f: {  	s31 =	simm.s32 @!p0 $0x4100;
	p1 =	sge.u32 s24, s5  }
0x30: {  	[tilespmem:s31], [sflag:$0x2] =	stream.linear.gather @!p0 [hbm4b:s28+s29], $0x4000, $0x38;
	[tilespmem:$0x1E480] =	vst v63  }
0x31: {  	s29 =	simm.s32 @!p1 $0x1  }
0x32: {  	_ =	swait.ge @!p1 [sflag:s29], $0x80  }
0x33: {  	[sflag:s29] =	ssyncset.done @!p1 $0x0  }
0x34: {  	[sflag:s29] =	ssyncadd.s32 @!p1 $0xFFFFFF80  }
0x35: {  	_ =	swait.ge @!p1 [sflag:s29], $0x4000  }
0x36: {  	s0 =	simm.s32 @!p1 $0x0;
	[sflag:s29] =	ssyncset.done @!p1 $0x0  }
0x37: {  	s1 =	simm.s32 @!p1 $0x100;
	[sflag:s29] =	ssyncadd.s32 @!p1 $0xFFFFC000;
	s29 =	simm.s32 @!p1 $0x80  }
0x38: {  	[spmem:s2] =	stream.indirect.scatter.add.f32 @!p1 [tilespmem:s1], [sflag:$0x3], $0x80, s0, s29, $0xb8;
	[tilespmem:$0x1E480] =	vst v63  }
0x39: {  	v1 =	vld @!p1 [tilespmem:$0x0];
	_ =	sdelay $0x6  }
0x3a: {  	v2 =	vimm.f32 @!p1 $1.000000000e+00;
	s0 =	simm.s32 @!p1 $0x8100  }
0x3b: {  	[tilespmem:v1+s0+$0x0] =	vst.idx.add.f32.msk @!p1 $0xffff, v2  }
0x3c: {  	v1 =	vld @!p1 [tilespmem:$0x10];
	_ =	sdelay $0x7  }
0x3d: {  	[tilespmem:v1+s0+$0x0] =	vst.idx.add.f32.msk @!p1 $0xffff, v2  }
0x3e: {  	v1 =	vld @!p1 [tilespmem:$0x20];
	_ =	sdelay $0x7  }
0x3f: {  	[tilespmem:v1+s0+$0x0] =	vst.idx.add.f32.msk @!p1 $0xffff, v2  }
0x40: {  	v1 =	vld @!p1 [tilespmem:$0x30];
	_ =	sdelay $0x7  }
0x41: {  	[tilespmem:v1+s0+$0x0] =	vst.idx.add.f32.msk @!p1 $0xffff, v2  }
0x42: {  	v1 =	vld @!p1 [tilespmem:$0x40];
	_ =	sdelay $0x7  }
0x43: {  	[tilespmem:v1+s0+$0x0] =	vst.idx.add.f32.msk @!p1 $0xffff, v2  }
0x44: {  	v1 =	vld @!p1 [tilespmem:$0x50];
	_ =	sdelay $0x7  }
0x45: {  	[tilespmem:v1+s0+$0x0] =	vst.idx.add.f32.msk @!p1 $0xffff, v2  }
0x46: {  	v1 =	vld @!p1 [tilespmem:$0x60];
	_ =	sdelay $0x7  }
0x47: {  	[tilespmem:v1+s0+$0x0] =	vst.idx.add.f32.msk @!p1 $0xffff, v2  }
0x48: {  	v1 =	vld @!p1 [tilespmem:$0x70];
	_ =	sdelay $0x4  }
0x49: {  	s1 =	sadd.s32 @!p0 $0x2, s24  }
0x4a: {  	p2 =	sge.u32 @!p0 s1, s5  }
0x4b: {  	p2 =	por p2, p0  }
0x4c: {  	[tilespmem:v1+s0+$0x0] =	vst.idx.add.f32.msk @!p1 $0xffff, v2;
	s0 =	simm.s32 @!p2 $0x3  }
0x4d: {  	_ =	swait.ge @!p2 [sflag:s0], $0x4000  }
0x4e: {  	s1 =	sshrl.u32 @!p2 s25, $0x3;
	[sflag:s0] =	ssyncset.done @!p2 $0x0  }
0x4f: {  	[sflag:s0] =	ssyncadd.s32 @!p2 $0xFFFFC000;
	s0 =	sadd.s32 @!p2 s4, s1;
	s1 =	simm.s32 @!p2 $0x0  }
0x50: {  	[tilespmem:s1], [sflag:$0x1] =	stream.linear.gather @!p2 [hbm4b:s0+s1], $0x80, $0x38;
	[tilespmem:$0x1E480] =	vst v63  }
0x51: {  	s29 =	simm.s32 @!p2 $0x100;
	s0 =	sadd.s32 @!p2 $0x10000, s28  }
0x52: {  	[tilespmem:s29], [sflag:$0x1] =	stream.linear.gather @!p2 [hbm4b:s0+s1], $0x4000, $0x38;
	[tilespmem:$0x1E480] =	vst v63  }
0x53: {  	s0 =	simm.s32 @!p0 $0x2  }
0x54: {  	_ =	swait.ge @!p0 [sflag:s0], $0x80  }
0x55: {  	[sflag:s0] =	ssyncset.done @!p0 $0x0  }
0x56: {  	[sflag:s0] =	ssyncadd.s32 @!p0 $0xFFFFFF80  }
0x57: {  	_ =	swait.ge @!p0 [sflag:s0], $0x4000  }
0x58: {  	[sflag:s0] =	ssyncset.done @!p0 $0x0  }
0x59: {  	[sflag:s0] =	ssyncadd.s32 @!p0 $0xFFFFC000  }
0x5a: {  	[spmem:s2] =	stream.indirect.scatter.add.f32 @!p0 [tilespmem:s31], [sflag:$0x4], $0x80, s30, s30, $0xb8;
	[tilespmem:$0x1E480] =	vst v63  }
0x5b: {  	v1 =	vld @!p0 [tilespmem:$0x80];
	_ =	sdelay $0x6  }
0x5c: {  	v2 =	vimm.f32 @!p0 $1.000000000e+00;
	s0 =	simm.s32 @!p0 $0x8100  }
0x5d: {  	[tilespmem:v1+s0+$0x0] =	vst.idx.add.f32.msk @!p0 $0xffff, v2  }
0x5e: {  	v1 =	vld @!p0 [tilespmem:$0x90];
	_ =	sdelay $0x7  }
0x5f: {  	[tilespmem:v1+s0+$0x0] =	vst.idx.add.f32.msk @!p0 $0xffff, v2  }
0x60: {  	v1 =	vld @!p0 [tilespmem:$0xA0];
	_ =	sdelay $0x7  }
0x61: {  	[tilespmem:v1+s0+$0x0] =	vst.idx.add.f32.msk @!p0 $0xffff, v2  }
0x62: {  	v1 =	vld @!p0 [tilespmem:$0xB0];
	_ =	sdelay $0x7  }
0x63: {  	[tilespmem:v1+s0+$0x0] =	vst.idx.add.f32.msk @!p0 $0xffff, v2  }
0x64: {  	v1 =	vld @!p0 [tilespmem:$0xC0];
	_ =	sdelay $0x7  }
0x65: {  	[tilespmem:v1+s0+$0x0] =	vst.idx.add.f32.msk @!p0 $0xffff, v2  }
0x66: {  	v1 =	vld @!p0 [tilespmem:$0xD0];
	_ =	sdelay $0x7  }
0x67: {  	[tilespmem:v1+s0+$0x0] =	vst.idx.add.f32.msk @!p0 $0xffff, v2  }
0x68: {  	v1 =	vld @!p0 [tilespmem:$0xE0];
	_ =	sdelay $0x7  }
0x69: {  	[tilespmem:v1+s0+$0x0] =	vst.idx.add.f32.msk @!p0 $0xffff, v2  }
0x6a: {  	v1 =	vld @!p0 [tilespmem:$0xF0];
	_ =	sdelay $0x1  }
0x6b: {  	s24 =	sadd.s32 $0x2, s24  }
0x6c: {  	p1 =	sne.s32 s24, $0x28  }
.Ltmp1:
0x6d: {  	_ = 	snop;
	(pc) =	sbr.rel @p1 .LBB2_4-.Ltmp1, $2  }
0x6e: {  	_ =	sdelay $0x2  }
0x6f: {  	s26 =	sadd.s32 $0x400, s26;
	s25 =	sadd.s32 $0x2000, s25;
	s28 =	sadd.s32 $0x20000, s28;
	[tilespmem:v1+s0+$0x0] =	vst.idx.add.f32.msk @!p0 $0xffff, v2  }
0x70: {  	_ =	swait.ge [sflag:s19], $0x4000  }
0x71: {  	[sflag:s19] =	ssyncset.done $0x0  }
0x72: {  	[sflag:s19] =	ssyncadd.s32 $0xFFFFC000  }
0x73: {  	_ =	swait.ge [sflag:s20], $0x4000  }
0x74: {  	[sflag:s20] =	ssyncset.done $0x0  }
0x75: {  	[sflag:s20] =	ssyncadd.s32 $0xFFFFC000  }
0x76: {  	[bflag:$0x0] =	sbarrier.arrive $0xFFFF  }
0x77: {  	[hbm:s10], [sflag:s7] =	dma.local [spmem:s16], $0x2780  }
0x78: {  	s3 =	sadd.s32 $0x1, s3;
	_ =	swait.ge [sflag:s17], $0x2780  }
0x79: {  	p0 =	sne.s32 s3, s12;
	[sflag:s17] =	ssyncset.done $0x0  }
.Ltmp2:
0x7a: {  	[sflag:s17] =	ssyncadd.s32 $0xFFFFD880;
	(pc) =	sbr.rel @p0 .LBB2_1-.Ltmp2, $4  }
0x7b: {  	[hbm4b:s11+s21] =	stream.strided.scatter [tilespmem:s23], [sflag:$0x5], $0x2780, s22, s21, $0x38;
	[tilespmem:$0x1E480] =	vst v63  }
0x7c: {  	_ =	swait.ge [sflag:s17], $0x2780  }
0x7d: {  	[sflag:s17] =	ssyncset.done $0x0  }
0x7e: {  	[sflag:s17] =	ssyncadd.s32 $0xFFFFD880  }
0x7f: {  	_ =	sfence.sel $0x180000  }
0x80: {  	[bflag:$0x0] =	sbarrier.arrive $0xFFFF  }
0x81: {  	_ =	strace $0x90000050  }
0x82: {  	s0 =	stileid.u32;
	[bflag:$0x2] =	sbarrier.arrive $0xFFFF  }
0x83: {  	p0 =	sne.s32 s0, $0x0;
	s0 =	rddreg [dreg:$0x3]  }
0x84: {  	s0 =	sadd.s32 @!p0 $0x100000, s0  }
0x85: {  	[sflag:s0] =	ssyncadd.tile.s32 @!p0 $0x1;
	_ =	shalt  }
.Lfunc_end2:
_tile_overlayer_lowered:
.L_overlay_start_2:
0x86: {  	(tag) =	ssettag $0x2  }
0x87: {  	s0 =	rddreg [dreg:$0x0];
	s2 =	stileid.u32  }
0x88: {  	s1 =	rddreg [dreg:$0x1];
	p0 =	sne.s32 s2, $0x0  }
0x89: {  	s3 =	rddreg [dreg:$0x2];
	[bflag:$0x3] =	sbarrier.arrive $0xFFFF;
	s2 =	simm.s32 @!p0 $0x1C05  }
0x8a: {  	[timem:s3], [sflag:s2] =	dma.local @!p0 [hbm:s0], s1  }
0x8b: {  	s0 =	simm.s32 @!p0 $0x5  }
0x8c: {  	_ =	swait.ge @!p0 [sflag:s0], s1  }
0x8d: {  	s1 =	ssub.s32 @!p0 $0x0, s1;
	[sflag:s0] =	ssyncset.done @!p0 $0x0  }
0x8e: {  	[sflag:s0] =	ssyncadd.s32 @!p0 s1  }
0x8f: {  	[bflag:$0x3] =	sbarrier.arrive $0xFFFF  }
0x90: {  	_ =	shalt  }

// kernel: kernel.16.cloned.1.call-start
scs
__scs_entry_jumppad:
0x0: {  	(pc) =	sbr.rel $0x88, $3  }
0x1: {  	(tag) =	ssettag $0x0;
	lr =	simm.s32 $0x1  }
0x2: {  	[smem:$0x3F90] =	sst lr;
	_ =	strace $0xD0000000  }
0x3: {  	_ = 	snop  }
0x4: {  	_ = 	snop  }
0x5: {  	_ = 	snop  }
0x6: {  	_ = 	snop  }
0x7: {  	_ = 	snop  }
__scs_overlays_trampoline_lowered:
0x8: {  	[smem:$0x3F9F] =	sst s0  }
0x9: {  	[smem:$0x3FA0] =	sst s1  }
0xa: {  	[smem:$0x3FA1] =	sst s2  }
0xb: {  	[smem:$0x3FA2] =	sst s3  }
0xc: {  	[smem:$0x3FA3] =	sst s4  }
0xd: {  	[smem:$0x3FA4] =	sst s5  }
0xe: {  	[smem:$0x3FA5] =	sst s6  }
0xf: {  	[smem:$0x3FA6] =	sst s7  }
0x10: {  	[smem:$0x3FA7] =	sst s8  }
0x11: {  	[smem:$0x3FA8] =	sst s9;
	s0 =	simm.s32 @!p0 $0x0  }
0x12: {  	s1 =	sld [smem:$0x3F8E];
	s0 =	simm.s32 @p0 $0x1  }
0x13: {  	[smem:$0x3FA9] =	sst s0;
	s0 =	simm.s32 @!p1 $0x0  }
0x14: {  	s2 =	sld [smem:$0x3F8D];
	s0 =	simm.s32 @p1 $0x1  }
0x15: {  	[smem:$0x3FAA] =	sst s0;
	s0 =	simm.s32 @!p2 $0x0  }
0x16: {  	s3 =	sld [smem:$0x3FDB];
	s0 =	simm.s32 @p2 $0x1  }
0x17: {  	s4 =	simm.s32 $0x1BF5;
	[smem:$0x3FAC] =	sst s0  }
0x18: {  	s0 =	sld [smem:$0x3F8F];
	_ =	swait.ge [sflag:s4], $0x0  }
0x19: {  	s7 =	sld [smem:$0x3F90]  }
0x1a: {  	s8 =	sadd.s32 $0xFFFFE003, lr  }
0x1b: {  	s9 =	sadd.s32 $0xFFFFFEF7, lr;
	s5 =	simm.s32 $0xFFFFFFFF;
	p2 =	slt.u32 s8, $0xFFFFF086  }
0x1c: {  	p1 =	slt.u32 s9, $0xF7A;
	s5 =	simm.s32 @!p2 $0x0  }
0x1d: {  	s5 =	simm.s32 @p1 $0x1;
	p0 =	seq.s32 s7, s2  }
0x1e: {  	s7 =	smul.u32 @!p0 $0xF7A, s2;
	p2 =	seq.s32 @!p0 s5, $0x0  }
0x1f: {  	s9 =	smul.u32 $0xF7A, s1;
	s8 =	simm.s32 @!p0 $0x1BF5;
	p2 =	por !p2, p0  }
0x20: {  	[sflag:s8] =	ssyncset.s32 @!p0 $0xFFFFF086;
	s6 =	sadd.s32 @!p0 s3, s7;
	s7 =	simm.s32 @!p0 $0x108  }
0x21: {  	s3 =	sadd.s32 s3, s9;
	s6 =	sadd.s32 @!p0 $0x88, s6;
	s7 =	simm.s32 @p2 $0x1082  }
0x22: {  	[simem:s7], [sflag:s8] =	dma.local @!p0 [hbm:s6], $0xF7A  }
0x23: {  	s9 =	sor.u32 $0xD0000000, s2;
	s6 =	simm.s32 $0x108;
	_ =	swait.ge @!p0 [sflag:s8], $0x0  }
0x24: {  	s3 =	sadd.s32 $0x88, s3;
	s6 =	simm.s32 @!p1 $0x1082;
	[sflag:s4] =	ssyncset.s32 $0xFFFFF086  }
0x25: {  	[simem:s6], [sflag:s4] =	dma.local [hbm:s3], $0xF7A  }
0x26: {  	[smem:$0x3F90] =	sst s1;
	(tag) =	ssettag s2;
	_ =	strace s9  }
0x27: {  	s1 =	sld [smem:$0x3FA0]  }
0x28: {  	s2 =	sld [smem:$0x3FA1]  }
0x29: {  	s4 =	sld [smem:$0x3FA3]  }
0x2a: {  	p0 =	seq.s32 s5, $0x0;
	s5 =	sld [smem:$0x3FA4]  }
0x2b: {  	s6 =	sld [smem:$0x3FA5]  }
0x2c: {  	s7 =	sld [smem:$0x3FA6]  }
0x2d: {  	s3 =	simm.s32 $0x108;
	s8 =	sld [smem:$0x3FA7]  }
0x2e: {  	s3 =	simm.s32 @!p0 $0x1082;
	s9 =	sld [smem:$0x3FA8]  }
0x2f: {  	lr =	sadd.s32 s0, s3;
	s0 =	sld [smem:$0x3F9F]  }
0x30: {  	s3 =	sld [smem:$0x3FA2]  }
0x31: {  	[smem:$0x3FAB] =	sst s10  }
0x32: {  	s10 =	sld [smem:$0x3FA9];
	_ =	sdelay $0x3  }
0x33: {  	p0 =	seq.s32 s10, $0x1;
	s10 =	sld [smem:$0x3FAB];
	_ =	sdelay $0x3  }
0x34: {  	[smem:$0x3FAB] =	sst s10  }
0x35: {  	s10 =	sld [smem:$0x3FAA];
	_ =	sdelay $0x3  }
0x36: {  	p1 =	seq.s32 s10, $0x1;
	s10 =	sld [smem:$0x3FAB];
	_ =	sdelay $0x3  }
0x37: {  	[smem:$0x3FAB] =	sst s10  }
0x38: {  	s10 =	sld [smem:$0x3FAC]  }
0x39: {  	_ = 	snop;
	(pc) =	sbr.ind lr, $3  }
0x3a: {  	_ = 	snop  }
0x3b: {  	_ = 	snop  }
0x3c: {  	p2 =	seq.s32 s10, $0x1;
	s10 =	sld [smem:$0x3FAB]  }
0x3d: {  	_ =	shalt  }
0x3e: {  	_ =	shalt  }
0x3f: {  	_ =	shalt  }
0x40: {  	_ =	shalt  }
0x41: {  	_ =	shalt  }
0x42: {  	_ =	shalt  }
0x43: {  	_ =	shalt  }
0x44: {  	_ =	shalt  }
0x45: {  	_ =	shalt  }
0x46: {  	_ =	shalt  }
0x47: {  	_ =	shalt  }
0x48: {  	_ =	shalt  }
0x49: {  	_ =	shalt  }
0x4a: {  	_ =	shalt  }
0x4b: {  	_ =	shalt  }
0x4c: {  	_ =	shalt  }
0x4d: {  	_ =	shalt  }
0x4e: {  	_ =	shalt  }
0x4f: {  	_ =	shalt  }
0x50: {  	_ =	shalt  }
0x51: {  	_ =	shalt  }
0x52: {  	_ =	shalt  }
0x53: {  	_ =	shalt  }
0x54: {  	_ =	shalt  }
0x55: {  	_ =	shalt  }
0x56: {  	_ =	shalt  }
0x57: {  	_ =	shalt  }
0x58: {  	_ =	shalt  }
0x59: {  	_ =	shalt  }
0x5a: {  	_ =	shalt  }
0x5b: {  	_ =	shalt  }
0x5c: {  	_ =	shalt  }
0x5d: {  	_ =	shalt  }
0x5e: {  	_ =	shalt  }
0x5f: {  	_ =	shalt  }
0x60: {  	_ =	shalt  }
0x61: {  	_ =	shalt  }
0x62: {  	_ =	shalt  }
0x63: {  	_ =	shalt  }
0x64: {  	_ =	shalt  }
0x65: {  	_ =	shalt  }
0x66: {  	_ =	shalt  }
0x67: {  	_ =	shalt  }
0x68: {  	_ =	shalt  }
0x69: {  	_ =	shalt  }
0x6a: {  	_ =	shalt  }
0x6b: {  	_ =	shalt  }
0x6c: {  	_ =	shalt  }
0x6d: {  	_ =	shalt  }
0x6e: {  	_ =	shalt  }
0x6f: {  	_ =	shalt  }
0x70: {  	_ =	shalt  }
0x71: {  	_ =	shalt  }
0x72: {  	_ =	shalt  }
0x73: {  	_ =	shalt  }
0x74: {  	_ =	shalt  }
0x75: {  	_ =	shalt  }
0x76: {  	_ =	shalt  }
0x77: {  	_ =	shalt  }
0x78: {  	_ =	shalt  }
0x79: {  	_ =	shalt  }
0x7a: {  	_ =	shalt  }
0x7b: {  	_ =	shalt  }
0x7c: {  	_ =	shalt  }
0x7d: {  	_ =	shalt  }
0x7e: {  	_ =	shalt  }
0x7f: {  	_ =	shalt  }
0x80: {  	_ =	shalt  }
0x81: {  	_ =	shalt  }
0x82: {  	_ =	shalt  }
0x83: {  	_ =	shalt  }
0x84: {  	_ =	shalt  }
0x85: {  	_ =	shalt  }
0x86: {  	_ =	shalt  }
0x87: {  	_ =	shalt  }
.Lfunc_end0:
.L_simem_size_0:
called_computation.2_lowered:
.L_overlay_start_0:
0x88: {  	s2 =	sld [smem:$0x3FD9]  }
0x89: {  	s3 =	sld [smem:$0x3FFE];
	_ =	sdelay $0x1  }
0x8a: {  	s1 =	srdreg.scid  }
0x8b: {  	s0 =	sand.u32 $0x1, s1  }
0x8c: {  	s17 =	sshll.u32 s0, $0xA;
	s2 =	sadd.s32 s3, s2  }
0x8d: {  	s2 =	sadd.s32 s2, s17  }
0x8e: {  	[smem:$0x3FB7] =	sst s2  }
0x8f: {  	_ = 	snop  }
0x90: {  	s2 =	sld [smem:$0x3FD0];
	(tm) =	ssettm $0x1  }
0x91: {  	s18 =	sld [smem:$0x3FFB];
	_ =	sdelay $0x3  }
0x92: {  	_ =	strace s18  }
0x93: {  	s3 =	sld [smem:$0x3FFC];
	_ =	sdelay $0x3  }
0x94: {  	_ =	strace s3  }
0x95: {  	s3 =	sld [smem:$0x3FFD];
	_ =	sdelay $0x3  }
0x96: {  	_ =	strace s3  }
0x97: {  	_ =	strace $0x8FFFFFFF  }
0x98: {  	s19 =	sld [smem:$0x3FDB];
	_ =	sdelay $0x1  }
0x99: {  	s4 =	simm.s32 $_scs_section_size  }
0x9a: {  	s5 =	simm.s32 $_size__tile_overlayer_lowered;
	s6 =	simm.s32 $_tile_overlayer_lowered  }
0x9b: {  	s22 =	simm.s32 $0x1BFF;
	s21 =	sshll.u32 s6, $0x1;
	s3 =	sadd.s32 s4, s19  }
0x9c: {  	s7 =	simm.s32 $0x0;
	s20 =	sshll.u32 s5, $0x1;
	s5 =	sadd.s32 s21, s3  }
0x9d: {  	[timem:s7], [sflag:s22] =	dma.local [hbm:s5], s20  }
0x9e: {  	_ =	swait.ge [sflag:s22], s20  }
0x9f: {  	s4 =	ssub.s32 $0x0, s20;
	[sflag:s22] =	ssyncset.done $0x0  }
0xa0: {  	[sflag:s22] =	ssyncadd.s32 s4;
	_ =	sdelay $0x1  }
0xa1: {  	s23 =	simm.s32 $0x1B8B  }
0xa2: {  	_ =	swait.ge [sflag:s23], $0x1  }
0xa3: {  	[sflag:s23] =	ssyncset.done $0x0  }
0xa4: {  	s25 =	simm.s32 $0x1B8E;
	s24 =	sld [smem:$0x3FFE];
	[sflag:s23] =	ssyncadd.s32 $0xFFFFFFFF  }
0xa5: {  	s26 =	simm.s32 $execute0_lowered;
	[smem:$0x3FD2] =	sst s25  }
0xa6: {  	s5 =	sshll.u32 s26, $0x1;
	_ =	strace $0x80000046;
	[dreg:$0x1] =	wrdreg $0xFFFFFFFF  }
0xa7: {  	s28 =	simm.s32 $_size_execute0_lowered;
	s3 =	sadd.s32 s3, s5;
	[dreg:$0x0] =	wrdreg $0x0  }
0xa8: {  	s5 =	sshll.u32 s28, $0x1;
	[dreg:$0x2] =	wrdreg s3  }
0xa9: {  	[dreg:$0x3] =	wrdreg s5  }
0xaa: {  	[dreg:$0x4] =	wrdreg $0xC0  }
0xab: {  	_ =	task [dreg:s7], $0x5FFFF  }
0xac: {  	[dreg:$0x1] =	wrdreg $0xFFFFFFFF  }
0xad: {  	[dreg:$0x0] =	wrdreg $0x60  }
0xae: {  	[dreg:$0x2] =	wrdreg s2  }
0xaf: {  	[dreg:$0x3] =	wrdreg s24  }
0xb0: {  	[dreg:$0x4] =	wrdreg $0xA  }
0xb1: {  	_ =	task.clear_ibuf [dreg:s7], $0x5FFFF;
	_ =	strace $0x90000046  }
0xb2: {  	s29 =	simm.s32 $0xA;
	_ =	strace $0x80000048  }
0xb3: {  	_ =	swait.ge [sflag:s29], $0x1  }
0xb4: {  	[sflag:s29] =	ssyncadd.s32 $0xFFFFFFFF  }
0xb5: {  	_ =	strace $0x90000048  }
0xb6: {  	_ =	sfence  }
0xb7: {  	s30 =	sld [smem:$0x0];
	_ =	sdelay $0x2  }
0xb8: {  	s31 =	sshll.u32 s1, $0xD;
	s1 =	sshrl.u32 s1, $0x2  }
0xb9: {  	s3 =	sand.u32 $0x4000, s31;
	s1 =	sadd.s32 s1, s30  }
0xba: {  	s0 =	sor.u32 s3, s0;
	s1 =	sshll.u32 s1, $0x11  }
0xbb: {  	s0 =	sor.u32 s1, s0  }
0xbc: {  	s0 =	sadd.s32 $0x8F2B, s0  }
0xbd: {  	[sflag:s0] =	ssyncadd.remote.s32 $0x1  }
0xbe: {  	_ =	sfence.sel $0xFFFF  }
0xbf: {  	[dreg:$0x0] =	wrdreg $0xFFFFFFFF;
	(pc) =	sbr.abs _section_cstart, $3  }
0xc0: {  	[dreg:$0x1] =	wrdreg $0xFFFFFFFF  }
0xc1: {  	_ =	task.clear_ibuf [dreg:s7], $0x2FFFF;
	_ =	strace $0x9FFFFFFF  }
0xc2: {  	(tm) =	ssettm $0x7FFFFFFF  }
0xc3: {  	_ =	shalt  }
tec
execute0_lowered:
.L_overlay_start_1:
0x0: {  	(tag) =	ssettag $0x1  }
0x1: {  	s2 =	rddreg [dreg:$0x0]  }
0x2: {  	s0 =	srdreg.scid;
	s4 =	rddreg [dreg:$0x1]  }
0x3: {  	s1 =	stileid.u32;
	s3 =	simm.s32 $0x0;
	s12 =	simm.s32 $0x1400  }
0x4: {  	s13 =	simm.s32 $0x5400;
	s14 =	simm.s32 $0x1;
	s15 =	simm.s32 $0x3  }
0x5: {  	s16 =	simm.s32 $0x100;
	s17 =	simm.s32 $0x2;
	s18 =	simm.s32 $0x4  }
0x6: {  	s19 =	simm.s32 $0x0;
	s6 =	sand.u32 $0x1, s0;
	[smem:$0x7FF] =	sst s3  }
0x7: {  	s9 =	sadd.s32 $0x12C00, s4;
	s11 =	sshll.u32 s1, $0xB;
	s5 =	sshll.u32 s6, $0x4  }
0x8: {  	_ =	strace $0x80000047;
	s8 =	ssub.s32 $0x2, s6;
	s6 =	sshll.u32 s6, $0xF  }
0x9: {  	s7 =	sor.u32 s1, s5;
	s30 =	sshrl.u32 s8, $0x1;
	s10 =	sadd.s32 s6, s9  }
0xa: {  	s5 =	smul.u32 $0x280, s7;
	s8 =	ssub.s32 s8, s30;
	p0 =	slt.u32 s7, $0x2  }
0xb: {  	s7 =	sshll.u32 s7, $0xB;
	s31 =	sadd.s32 s11, s10;
	s10 =	simm.s32 $0x5  }
0xc: {  	s11 =	simm.s32 $0x80;
	s6 =	sadd.s32 s9, s7;
	s7 =	smax.u32 s8, $0x1  }
0xd: {  	s9 =	sadd.s32 $0x20000, s31;
	s5 =	sadd.s32 s5, s4;
	s4 =	simm.s32 $0x28  }
0xe: {  	s8 =	sadd.s32 $0x10000, s6;
	s4 =	simm.s32 @!p0 $0x27;
	s5 =	sadd.s32 $0xDC00, s5  }
.LBB2_1:
0xf: {  	[tilespmem:s3], [sflag:$0x5] =	stream.linear.gather [hbm4b:s5+s3], $0x1400, $0x38;
	[tilespmem:$0x9400] =	vst v63  }
0x10: {  	_ =	swait.ge [sflag:s10], $0x1400  }
0x11: {  	[sflag:s10] =	ssyncset.done $0x0  }
0x12: {  	[sflag:s10] =	ssyncadd.s32 $0xFFFFEC00  }
0x13: {  	[tilespmem:s12], [sflag:$0x1] =	stream.indirect.gather [hbm4b:s2+s11], $0x80, s3, s11, $0xb8;
	[tilespmem:$0x9400] =	vst v63  }
0x14: {  	_ = 	snop  }
0x15: {  	[tilespmem:s13], [sflag:$0x2] =	stream.indirect.gather [hbm4b:s2+s11], $0x80, s11, s11, $0xb8;
	[tilespmem:$0x9400] =	vst v63  }
0x16: {  	_ =	swait.ge [sflag:s14], $0x4000  }
0x17: {  	[sflag:s14] =	ssyncset.done $0x0  }
0x18: {  	[sflag:s14] =	ssyncadd.s32 $0xFFFFC000  }
0x19: {  	[hbm4b:s6+s3] =	stream.linear.scatter [tilespmem:s12], [sflag:$0x3], $0x4000, $0x38;
	[tilespmem:$0x9400] =	vst v63  }
0x1a: {  	_ =	swait.ge [sflag:s15], $0x4000  }
0x1b: {  	[sflag:s15] =	ssyncset.done $0x0  }
0x1c: {  	[sflag:s15] =	ssyncadd.s32 $0xFFFFC000  }
0x1d: {  	[tilespmem:s12], [sflag:$0x1] =	stream.indirect.gather [hbm4b:s2+s11], $0x80, s16, s11, $0xb8;
	[tilespmem:$0x9400] =	vst v63  }
0x1e: {  	_ =	swait.ge [sflag:s17], $0x4000  }
0x1f: {  	p1 =	sle.u32 s4, $0x3;
	[sflag:s17] =	ssyncset.done $0x0  }
0x20: {  	s20 =	simm.s32 @!p1 $0x4;
	[sflag:s17] =	ssyncadd.s32 $0xFFFFC000  }
0x21: {  	[hbm4b:s8+s3] =	stream.linear.scatter [tilespmem:s13], [sflag:$0x4], $0x4000, $0x38;
	[tilespmem:$0x9400] =	vst v63  }
0x22: {  	p0 =	por p1, p1;
	_ =	swait.ge @!p1 [sflag:s20], $0x4000  }
0x23: {  	s21 =	simm.s32 $0x180;
	p2 =	sle.u32 s4, $0x2;
	[sflag:s20] =	ssyncset.done @!p0 $0x0  }
0x24: {  	s22 =	simm.s32 @!p0 $0x5400;
	[sflag:s20] =	ssyncadd.s32 @!p0 $0xFFFFC000;
	s20 =	simm.s32 @!p0 $0x80  }
0x25: {  	[tilespmem:s22], [sflag:$0x2] =	stream.indirect.gather @!p0 [hbm4b:s2+s20], $0x80, s21, s20, $0xb8;
	[tilespmem:$0x9400] =	vst v63  }
0x26: {  	p1 =	sle.u32 @!p1 s4, $0x4;
	s20 =	simm.s32 @!p2 $0x1  }
0x27: {  	p1 =	por p1, p0;
	_ =	swait.ge @!p2 [sflag:s20], $0x4000  }
0x28: {  	s25 =	simm.s32 @!p1 $0x3;
	[sflag:s20] =	ssyncset.done @!p2 $0x0  }
0x29: {  	s21 =	simm.s32 @!p2 $0x1400;
	[sflag:s20] =	ssyncadd.s32 @!p2 $0xFFFFC000;
	s20 =	simm.s32 @!p2 $0x0  }
0x2a: {  	[hbm4b:s9+s20] =	stream.linear.scatter @!p2 [tilespmem:s21], [sflag:$0x3], $0x4000, $0x38;
	[tilespmem:$0x9400] =	vst v63  }
0x2b: {  	s23 =	simm.s32 $0x6;
	s24 =	simm.s32 $0x8;
	_ =	swait.ge @!p1 [sflag:s25], $0x4000  }
0x2c: {  	s29 =	simm.s32 $0x5;
	s20 =	simm.s32 @!p1 $0x1400;
	[sflag:s25] =	ssyncset.done @!p1 $0x0  }
0x2d: {  	s21 =	simm.s32 @!p1 $0x200;
	[sflag:s25] =	ssyncadd.s32 @!p1 $0xFFFFC000;
	s25 =	simm.s32 @!p1 $0x80  }
0x2e: {  	[tilespmem:s20], [sflag:$0x1] =	stream.indirect.gather @!p1 [hbm4b:s2+s25], $0x80, s21, s25, $0xb8;
	[tilespmem:$0x9400] =	vst v63  }
0x2f: {  	s26 =	simm.s32 @!p0 $0x2;
	s28 =	simm.s32 @!p0 $0x0;
	s20 =	sadd.s32 $0x20000, s9  }
0x30: {  	s21 =	simm.s32 $0x280;
	s25 =	smov.u32 s9;
	_ =	swait.ge @!p0 [sflag:s26], $0x4000  }
.LBB2_2:
0x31: {  	p1 =	sge.u32 s29, s4;
	[sflag:s26] =	ssyncset.done @!p0 $0x0;
	s29 =	sadd.s32 @!p0 $0x10000, s25  }
0x32: {  	s30 =	smov.u32 s24;
	s25 =	smov.u32 s20;
	s31 =	smov.u32 s21  }
0x33: {  	s0 =	simm.s32 @!p1 $0x4;
	p2 =	sge.u32 @!p1 s23, s4;
	[sflag:s26] =	ssyncadd.s32 @!p0 $0xFFFFC000  }
0x34: {  	[hbm4b:s29+s28] =	stream.linear.scatter @!p0 [tilespmem:s22], [sflag:$0x4], $0x4000, $0x38;
	[tilespmem:$0x9400] =	vst v63  }
0x35: {  	s24 =	sadd.s32 $0x2, s24;
	p0 =	por p1, p1;
	_ =	swait.ge @!p1 [sflag:s0], $0x4000  }
0x36: {  	s23 =	sadd.s32 $0xFFFFFFFE, s23;
	s22 =	simm.s32 @!p0 $0x5400;
	[sflag:s0] =	ssyncset.done @!p0 $0x0  }
0x37: {  	p3 =	sge.u32 s23, s4;
	[sflag:s0] =	ssyncadd.s32 @!p0 $0xFFFFC000;
	s0 =	simm.s32 @!p0 $0x80  }
0x38: {  	[tilespmem:s22], [sflag:$0x2] =	stream.indirect.gather @!p0 [hbm4b:s2+s0], $0x80, s21, s0, $0xb8;
	[tilespmem:$0x9400] =	vst v63  }
0x39: {  	s23 =	smov.u32 s30;
	p1 =	sne.s32 s24, $0x2A;
	s0 =	simm.s32 @!p3 $0x1  }
0x3a: {  	p2 =	por p2, p0;
	_ =	swait.ge @!p3 [sflag:s0], $0x4000  }
0x3b: {  	s26 =	simm.s32 @!p3 $0x1400;
	s28 =	simm.s32 @!p2 $0x3;
	[sflag:s0] =	ssyncset.done @!p3 $0x0  }
0x3c: {  	s21 =	sadd.s32 $0x100, s21;
	[sflag:s0] =	ssyncadd.s32 @!p3 $0xFFFFC000;
	s0 =	simm.s32 @!p3 $0x0  }
0x3d: {  	[hbm4b:s20+s0] =	stream.linear.scatter @!p3 [tilespmem:s26], [sflag:$0x3], $0x4000, $0x38;
	[tilespmem:$0x9400] =	vst v63  }
.Ltmp0:
0x3e: {  	s20 =	sadd.s32 $0x20000, s20;
	_ =	swait.ge @!p2 [sflag:s28], $0x4000;
	(pc) =	sbr.rel @p1 .LBB2_2-.Ltmp0, $4  }
0x3f: {  	s0 =	simm.s32 @!p2 $0x1400;
	s26 =	simm.s32 @!p0 $0x2;
	[sflag:s28] =	ssyncset.done @!p2 $0x0  }
0x40: {  	s29 =	simm.s32 @!p2 $0x80;
	[sflag:s28] =	ssyncadd.s32 @!p2 $0xFFFFC000;
	s28 =	sadd.s32 @!p2 $0x80, s31  }
0x41: {  	[tilespmem:s0], [sflag:$0x1] =	stream.indirect.gather @!p2 [hbm4b:s2+s29], $0x80, s28, s29, $0xb8;
	[tilespmem:$0x9400] =	vst v63  }
0x42: {  	s29 =	sadd.s32 $0xFFFFFFFF, s23;
	s28 =	simm.s32 @!p0 $0x0;
	_ =	swait.ge @!p0 [sflag:s26], $0x4000  }
0x43: {  	p1 =	sge.u32 s29, s4;
	[sflag:s26] =	ssyncset.done @!p0 $0x0;
	s0 =	sadd.s32 @!p0 $0x10000, s25  }
0x44: {  	s31 =	sadd.s32 $0xFFFFFFFE, s23;
	s24 =	simm.s32 @!p1 $0x4;
	[sflag:s26] =	ssyncadd.s32 @!p0 $0xFFFFC000  }
0x45: {  	[hbm4b:s0+s28] =	stream.linear.scatter @!p0 [tilespmem:s22], [sflag:$0x4], $0x4000, $0x38;
	[tilespmem:$0x9400] =	vst v63  }
0x46: {  	p2 =	sge.u32 s31, s4;
	p0 =	por p1, p1;
	_ =	swait.ge @!p1 [sflag:s24], $0x4000  }
0x47: {  	s0 =	simm.s32 @!p2 $0x1;
	[sflag:s24] =	ssyncset.done @!p0 $0x0  }
0x48: {  	s22 =	simm.s32 @!p0 $0x5400;
	[sflag:s24] =	ssyncadd.s32 @!p0 $0xFFFFC000;
	s24 =	simm.s32 @!p0 $0x80  }
0x49: {  	[tilespmem:s22], [sflag:$0x2] =	stream.indirect.gather @!p0 [hbm4b:s2+s24], $0x80, s21, s24, $0xb8;
	[tilespmem:$0x9400] =	vst v63  }
0x4a: {  	p1 =	sge.u32 @!p1 s23, s4;
	_ =	swait.ge @!p2 [sflag:s0], $0x4000  }
0x4b: {  	s23 =	simm.s32 @!p2 $0x1400;
	p1 =	por p1, p0;
	[sflag:s0] =	ssyncset.done @!p2 $0x0  }
0x4c: {  	s24 =	simm.s32 @!p1 $0x3;
	[sflag:s0] =	ssyncadd.s32 @!p2 $0xFFFFC000;
	s0 =	simm.s32 @!p2 $0x0  }
0x4d: {  	[hbm4b:s20+s0] =	stream.linear.scatter @!p2 [tilespmem:s23], [sflag:$0x3], $0x4000, $0x38;
	[tilespmem:$0x9400] =	vst v63  }
0x4e: {  	_ =	swait.ge @!p1 [sflag:s24], $0x4000  }
0x4f: {  	s21 =	sadd.s32 @!p1 $0x80, s21;
	s0 =	simm.s32 @!p1 $0x1400;
	[sflag:s24] =	ssyncset.done @!p1 $0x0  }
0x50: {  	s23 =	simm.s32 @!p0 $0x2;
	[sflag:s24] =	ssyncadd.s32 @!p1 $0xFFFFC000;
	s24 =	simm.s32 @!p1 $0x80  }
0x51: {  	[tilespmem:s0], [sflag:$0x1] =	stream.indirect.gather @!p1 [hbm4b:s2+s24], $0x80, s21, s24, $0xb8;
	[tilespmem:$0x9400] =	vst v63  }
0x52: {  	_ =	swait.ge @!p0 [sflag:s23], $0x4000  }
0x53: {  	s19 =	sadd.s32 $0x1, s19;
	[sflag:s23] =	ssyncset.done @!p0 $0x0  }
0x54: {  	s20 =	sadd.s32 @!p0 $0x10000, s20;
	s0 =	simm.s32 @!p0 $0x0;
	[sflag:s23] =	ssyncadd.s32 @!p0 $0xFFFFC000  }
0x55: {  	[hbm4b:s20+s0] =	stream.linear.scatter @!p0 [tilespmem:s22], [sflag:$0x4], $0x4000, $0x38;
	[tilespmem:$0x9400] =	vst v63  }
0x56: {  	p0 =	sne.s32 s19, s7;
	_ =	swait.ge [sflag:s15], $0x4000  }
.Ltmp1:
0x57: {  	[sflag:s15] =	ssyncset.done $0x0;
	(pc) =	sbr.rel @p0 .LBB2_1-.Ltmp1, $4  }
0x58: {  	[sflag:s15] =	ssyncadd.s32 $0xFFFFC000  }
0x59: {  	_ =	swait.ge [sflag:s18], $0x4000  }
0x5a: {  	[sflag:s18] =	ssyncset.done $0x0  }
0x5b: {  	[sflag:s18] =	ssyncadd.s32 $0xFFFFC000  }
0x5c: {  	_ =	sfence.sel $0x180000  }
0x5d: {  	[bflag:$0x0] =	sbarrier.arrive $0xFFFF  }
0x5e: {  	_ =	strace $0x90000047  }
0x5f: {  	[bflag:$0x2] =	sbarrier.arrive $0xFFFF  }
0x60: {  	p0 =	sne.s32 s1, $0x0;
	s0 =	rddreg [dreg:$0x2]  }
0x61: {  	s0 =	sadd.s32 @!p0 $0x100000, s0  }
0x62: {  	[sflag:s0] =	ssyncadd.tile.s32 @!p0 $0x1;
	_ =	shalt  }
.Lfunc_end2:
_tile_overlayer_lowered:
.L_overlay_start_2:
0x63: {  	(tag) =	ssettag $0x2  }
0x64: {  	s0 =	rddreg [dreg:$0x0];
	s2 =	stileid.u32  }
0x65: {  	s1 =	rddreg [dreg:$0x1];
	p0 =	sne.s32 s2, $0x0  }
0x66: {  	s3 =	rddreg [dreg:$0x2];
	[bflag:$0x3] =	sbarrier.arrive $0xFFFF;
	s2 =	simm.s32 @!p0 $0x1C05  }
0x67: {  	[timem:s3], [sflag:s2] =	dma.local @!p0 [hbm:s0], s1  }
0x68: {  	s0 =	simm.s32 @!p0 $0x5  }
0x69: {  	_ =	swait.ge @!p0 [sflag:s0], s1  }
0x6a: {  	s1 =	ssub.s32 @!p0 $0x0, s1;
	[sflag:s0] =	ssyncset.done @!p0 $0x0  }
0x6b: {  	[sflag:s0] =	ssyncadd.s32 @!p0 s1  }
0x6c: {  	[bflag:$0x3] =	sbarrier.arrive $0xFFFF  }
0x6d: {  	_ =	shalt  }

// kernel: kernel.19.cloned.1.call-start
scs
__scs_entry_jumppad:
0x0: {  	(pc) =	sbr.rel $0x88, $3  }
0x1: {  	(tag) =	ssettag $0x0;
	lr =	simm.s32 $0x1  }
0x2: {  	[smem:$0x3F90] =	sst lr;
	_ =	strace $0xD0000000  }
0x3: {  	_ = 	snop  }
0x4: {  	_ = 	snop  }
0x5: {  	_ = 	snop  }
0x6: {  	_ = 	snop  }
0x7: {  	_ = 	snop  }
__scs_overlays_trampoline_lowered:
0x8: {  	[smem:$0x3F9F] =	sst s0  }
0x9: {  	[smem:$0x3FA0] =	sst s1  }
0xa: {  	[smem:$0x3FA1] =	sst s2  }
0xb: {  	[smem:$0x3FA2] =	sst s3  }
0xc: {  	[smem:$0x3FA3] =	sst s4  }
0xd: {  	[smem:$0x3FA4] =	sst s5  }
0xe: {  	[smem:$0x3FA5] =	sst s6  }
0xf: {  	[smem:$0x3FA6] =	sst s7  }
0x10: {  	[smem:$0x3FA7] =	sst s8  }
0x11: {  	[smem:$0x3FA8] =	sst s9;
	s0 =	simm.s32 @!p0 $0x0  }
0x12: {  	s1 =	sld [smem:$0x3F8E];
	s0 =	simm.s32 @p0 $0x1  }
0x13: {  	[smem:$0x3FA9] =	sst s0;
	s0 =	simm.s32 @!p1 $0x0  }
0x14: {  	s2 =	sld [smem:$0x3F8D];
	s0 =	simm.s32 @p1 $0x1  }
0x15: {  	[smem:$0x3FAA] =	sst s0;
	s0 =	simm.s32 @!p2 $0x0  }
0x16: {  	s3 =	sld [smem:$0x3FDB];
	s0 =	simm.s32 @p2 $0x1  }
0x17: {  	s4 =	simm.s32 $0x1BF5;
	[smem:$0x3FAC] =	sst s0  }
0x18: {  	s0 =	sld [smem:$0x3F8F];
	_ =	swait.ge [sflag:s4], $0x0  }
0x19: {  	s7 =	sld [smem:$0x3F90]  }
0x1a: {  	s8 =	sadd.s32 $0xFFFFE003, lr  }
0x1b: {  	s9 =	sadd.s32 $0xFFFFFEF7, lr;
	s5 =	simm.s32 $0xFFFFFFFF;
	p2 =	slt.u32 s8, $0xFFFFF086  }
0x1c: {  	p1 =	slt.u32 s9, $0xF7A;
	s5 =	simm.s32 @!p2 $0x0  }
0x1d: {  	s5 =	simm.s32 @p1 $0x1;
	p0 =	seq.s32 s7, s2  }
0x1e: {  	s7 =	smul.u32 @!p0 $0xF7A, s2;
	p2 =	seq.s32 @!p0 s5, $0x0  }
0x1f: {  	s9 =	smul.u32 $0xF7A, s1;
	s8 =	simm.s32 @!p0 $0x1BF5;
	p2 =	por !p2, p0  }
0x20: {  	[sflag:s8] =	ssyncset.s32 @!p0 $0xFFFFF086;
	s6 =	sadd.s32 @!p0 s3, s7;
	s7 =	simm.s32 @!p0 $0x108  }
0x21: {  	s3 =	sadd.s32 s3, s9;
	s6 =	sadd.s32 @!p0 $0x88, s6;
	s7 =	simm.s32 @p2 $0x1082  }
0x22: {  	[simem:s7], [sflag:s8] =	dma.local @!p0 [hbm:s6], $0xF7A  }
0x23: {  	s9 =	sor.u32 $0xD0000000, s2;
	s6 =	simm.s32 $0x108;
	_ =	swait.ge @!p0 [sflag:s8], $0x0  }
0x24: {  	s3 =	sadd.s32 $0x88, s3;
	s6 =	simm.s32 @!p1 $0x1082;
	[sflag:s4] =	ssyncset.s32 $0xFFFFF086  }
0x25: {  	[simem:s6], [sflag:s4] =	dma.local [hbm:s3], $0xF7A  }
0x26: {  	[smem:$0x3F90] =	sst s1;
	(tag) =	ssettag s2;
	_ =	strace s9  }
0x27: {  	s1 =	sld [smem:$0x3FA0]  }
0x28: {  	s2 =	sld [smem:$0x3FA1]  }
0x29: {  	s4 =	sld [smem:$0x3FA3]  }
0x2a: {  	p0 =	seq.s32 s5, $0x0;
	s5 =	sld [smem:$0x3FA4]  }
0x2b: {  	s6 =	sld [smem:$0x3FA5]  }
0x2c: {  	s7 =	sld [smem:$0x3FA6]  }
0x2d: {  	s3 =	simm.s32 $0x108;
	s8 =	sld [smem:$0x3FA7]  }
0x2e: {  	s3 =	simm.s32 @!p0 $0x1082;
	s9 =	sld [smem:$0x3FA8]  }
0x2f: {  	lr =	sadd.s32 s0, s3;
	s0 =	sld [smem:$0x3F9F]  }
0x30: {  	s3 =	sld [smem:$0x3FA2]  }
0x31: {  	[smem:$0x3FAB] =	sst s10  }
0x32: {  	s10 =	sld [smem:$0x3FA9];
	_ =	sdelay $0x3  }
0x33: {  	p0 =	seq.s32 s10, $0x1;
	s10 =	sld [smem:$0x3FAB];
	_ =	sdelay $0x3  }
0x34: {  	[smem:$0x3FAB] =	sst s10  }
0x35: {  	s10 =	sld [smem:$0x3FAA];
	_ =	sdelay $0x3  }
0x36: {  	p1 =	seq.s32 s10, $0x1;
	s10 =	sld [smem:$0x3FAB];
	_ =	sdelay $0x3  }
0x37: {  	[smem:$0x3FAB] =	sst s10  }
0x38: {  	s10 =	sld [smem:$0x3FAC]  }
0x39: {  	_ = 	snop;
	(pc) =	sbr.ind lr, $3  }
0x3a: {  	_ = 	snop  }
0x3b: {  	_ = 	snop  }
0x3c: {  	p2 =	seq.s32 s10, $0x1;
	s10 =	sld [smem:$0x3FAB]  }
0x3d: {  	_ =	shalt  }
0x3e: {  	_ =	shalt  }
0x3f: {  	_ =	shalt  }
0x40: {  	_ =	shalt  }
0x41: {  	_ =	shalt  }
0x42: {  	_ =	shalt  }
0x43: {  	_ =	shalt  }
0x44: {  	_ =	shalt  }
0x45: {  	_ =	shalt  }
0x46: {  	_ =	shalt  }
0x47: {  	_ =	shalt  }
0x48: {  	_ =	shalt  }
0x49: {  	_ =	shalt  }
0x4a: {  	_ =	shalt  }
0x4b: {  	_ =	shalt  }
0x4c: {  	_ =	shalt  }
0x4d: {  	_ =	shalt  }
0x4e: {  	_ =	shalt  }
0x4f: {  	_ =	shalt  }
0x50: {  	_ =	shalt  }
0x51: {  	_ =	shalt  }
0x52: {  	_ =	shalt  }
0x53: {  	_ =	shalt  }
0x54: {  	_ =	shalt  }
0x55: {  	_ =	shalt  }
0x56: {  	_ =	shalt  }
0x57: {  	_ =	shalt  }
0x58: {  	_ =	shalt  }
0x59: {  	_ =	shalt  }
0x5a: {  	_ =	shalt  }
0x5b: {  	_ =	shalt  }
0x5c: {  	_ =	shalt  }
0x5d: {  	_ =	shalt  }
0x5e: {  	_ =	shalt  }
0x5f: {  	_ =	shalt  }
0x60: {  	_ =	shalt  }
0x61: {  	_ =	shalt  }
0x62: {  	_ =	shalt  }
0x63: {  	_ =	shalt  }
0x64: {  	_ =	shalt  }
0x65: {  	_ =	shalt  }
0x66: {  	_ =	shalt  }
0x67: {  	_ =	shalt  }
0x68: {  	_ =	shalt  }
0x69: {  	_ =	shalt  }
0x6a: {  	_ =	shalt  }
0x6b: {  	_ =	shalt  }
0x6c: {  	_ =	shalt  }
0x6d: {  	_ =	shalt  }
0x6e: {  	_ =	shalt  }
0x6f: {  	_ =	shalt  }
0x70: {  	_ =	shalt  }
0x71: {  	_ =	shalt  }
0x72: {  	_ =	shalt  }
0x73: {  	_ =	shalt  }
0x74: {  	_ =	shalt  }
0x75: {  	_ =	shalt  }
0x76: {  	_ =	shalt  }
0x77: {  	_ =	shalt  }
0x78: {  	_ =	shalt  }
0x79: {  	_ =	shalt  }
0x7a: {  	_ =	shalt  }
0x7b: {  	_ =	shalt  }
0x7c: {  	_ =	shalt  }
0x7d: {  	_ =	shalt  }
0x7e: {  	_ =	shalt  }
0x7f: {  	_ =	shalt  }
0x80: {  	_ =	shalt  }
0x81: {  	_ =	shalt  }
0x82: {  	_ =	shalt  }
0x83: {  	_ =	shalt  }
0x84: {  	_ =	shalt  }
0x85: {  	_ =	shalt  }
0x86: {  	_ =	shalt  }
0x87: {  	_ =	shalt  }
.Lfunc_end0:
.L_simem_size_0:
called_computation.3_lowered:
.L_overlay_start_0:
0x88: {  	s2 =	sld [smem:$0x3FD9]  }
0x89: {  	s3 =	sld [smem:$0x3FFE];
	_ =	sdelay $0x1  }
0x8a: {  	s1 =	srdreg.scid  }
0x8b: {  	s0 =	sand.u32 $0x1, s1  }
0x8c: {  	s17 =	sshll.u32 s0, $0xA;
	s2 =	sadd.s32 s3, s2  }
0x8d: {  	s2 =	sadd.s32 s2, s17  }
0x8e: {  	[smem:$0x3FB7] =	sst s2  }
0x8f: {  	_ = 	snop  }
0x90: {  	(tm) =	ssettm $0x1  }
0x91: {  	s18 =	sld [smem:$0x3FFB];
	_ =	sdelay $0x3  }
0x92: {  	_ =	strace s18  }
0x93: {  	s2 =	sld [smem:$0x3FFC];
	_ =	sdelay $0x3  }
0x94: {  	_ =	strace s2  }
0x95: {  	s2 =	sld [smem:$0x3FFD];
	_ =	sdelay $0x3  }
0x96: {  	_ =	strace s2  }
0x97: {  	_ =	strace $0x8FFFFFFF  }
0x98: {  	s19 =	sld [smem:$0x3FDB];
	_ =	sdelay $0x1  }
0x99: {  	s20 =	simm.s32 $_scs_section_size  }
0x9a: {  	s4 =	simm.s32 $_size__tile_overlayer_lowered;
	s5 =	simm.s32 $_tile_overlayer_lowered  }
0x9b: {  	s6 =	simm.s32 $0x1BFF;
	s21 =	sshll.u32 s5, $0x1;
	s3 =	sadd.s32 s20, s19  }
0x9c: {  	s22 =	simm.s32 $0x0;
	s4 =	sshll.u32 s4, $0x1;
	s5 =	sadd.s32 s21, s3  }
0x9d: {  	[timem:s22], [sflag:s6] =	dma.local [hbm:s5], s4  }
0x9e: {  	_ =	swait.ge [sflag:s6], s4  }
0x9f: {  	s4 =	ssub.s32 $0x0, s4;
	[sflag:s6] =	ssyncset.done $0x0  }
0xa0: {  	[sflag:s6] =	ssyncadd.s32 s4;
	_ =	sdelay $0x1  }
0xa1: {  	s23 =	simm.s32 $0x1B8B  }
0xa2: {  	_ =	swait.ge [sflag:s23], $0x1  }
0xa3: {  	[sflag:s23] =	ssyncset.done $0x0  }
0xa4: {  	[sflag:s23] =	ssyncadd.s32 $0xFFFFFFFF  }
0xa5: {  	s4 =	sld [smem:$0x0]  }
0xa6: {  	s5 =	sand.u32 $0xFFFFFFFE, s1  }
0xa7: {  	p0 =	sne.s32 s1, s5  }
0xa8: {  	s5 =	sshll.u32 @p0 s5, $0xE  }
0xa9: {  	s5 =	sadd.s32 @p0 $0x11B8D, s5;
	s6 =	sshll.u32 @p0 s4, $0x11  }
0xaa: {  	s5 =	sor.u32 @p0 s6, s5  }
0xab: {  	[sflag:s5] =	ssyncadd.remote.s32 @p0 $0x1;
	_ =	sdelay $0x1  }
0xac: {  	s5 =	simm.s32 @p0 $0x1B8D  }
0xad: {  	_ =	swait.eq @p0 [sflag:s5], $0x1  }
0xae: {  	[sflag:s5] =	ssyncadd.s32 @p0 $0xFFFFFFFF  }
0xaf: {  	s6 =	sshll.u32 @!p0 s1, $0xE  }
0xb0: {  	s6 =	sor.u32 @!p0 $0x4000, s6;
	s5 =	simm.s32 @!p0 $0x1B8D  }
0xb1: {  	s4 =	sshll.u32 @!p0 s4, $0x11;
	s6 =	sadd.s32 @!p0 $0x11B8D, s6;
	_ =	swait.eq @!p0 [sflag:s5], $0x1  }
0xb2: {  	s4 =	sor.u32 @!p0 s4, s6;
	[sflag:s5] =	ssyncadd.s32 @!p0 $0xFFFFFFFF  }
0xb3: {  	s25 =	simm.s32 $0x1B8E;
	s24 =	sld [smem:$0x3FFE];
	[sflag:s4] =	ssyncadd.remote.s32 @!p0 $0x1  }
0xb4: {  	s26 =	simm.s32 $execute0_lowered;
	[smem:$0x3FD2] =	sst s25  }
0xb5: {  	s5 =	sshll.u32 s26, $0x1;
	_ =	strace $0x8000004C;
	[dreg:$0x1] =	wrdreg $0xFFFFFFFF  }
0xb6: {  	s28 =	simm.s32 $_size_execute0_lowered;
	s3 =	sadd.s32 s3, s5;
	[dreg:$0x0] =	wrdreg $0x0  }
0xb7: {  	s5 =	sshll.u32 s28, $0x1;
	[dreg:$0x2] =	wrdreg s3  }
0xb8: {  	[dreg:$0x3] =	wrdreg s5  }
0xb9: {  	[dreg:$0x4] =	wrdreg $0xC0  }
0xba: {  	_ =	task [dreg:s22], $0x5FFFF  }
0xbb: {  	[dreg:$0x1] =	wrdreg $0xFFFFFFFF  }
0xbc: {  	[dreg:$0x0] =	wrdreg $0x60  }
0xbd: {  	[dreg:$0x2] =	wrdreg s24  }
0xbe: {  	[dreg:$0x3] =	wrdreg $0xA8800  }
0xbf: {  	[dreg:$0x4] =	wrdreg $0xA  }
0xc0: {  	_ =	task.clear_ibuf [dreg:s22], $0x5FFFF;
	_ =	strace $0x9000004C  }
0xc1: {  	s29 =	simm.s32 $0xA;
	_ =	strace $0x8000004E  }
0xc2: {  	_ =	swait.ge [sflag:s29], $0x1  }
0xc3: {  	[sflag:s29] =	ssyncadd.s32 $0xFFFFFFFF  }
0xc4: {  	_ =	strace $0x9000004E  }
0xc5: {  	_ =	sfence  }
0xc6: {  	s30 =	sld [smem:$0x0];
	_ =	sdelay $0x2  }
0xc7: {  	s31 =	sshll.u32 s1, $0xD;
	s1 =	sshrl.u32 s1, $0x2  }
0xc8: {  	s4 =	sand.u32 $0x4000, s31;
	s1 =	sadd.s32 s1, s30  }
0xc9: {  	s0 =	sor.u32 s4, s0;
	s1 =	sshll.u32 s1, $0x11  }
0xca: {  	s0 =	sor.u32 s1, s0  }
0xcb: {  	s0 =	sadd.s32 $0x8F2B, s0  }
0xcc: {  	[sflag:s0] =	ssyncadd.remote.s32 $0x1  }
0xcd: {  	_ =	sfence.sel $0xFFFF  }
0xce: {  	[dreg:$0x0] =	wrdreg $0xFFFFFFFF;
	(pc) =	sbr.abs _section_cstart, $3  }
0xcf: {  	[dreg:$0x1] =	wrdreg $0xFFFFFFFF  }
0xd0: {  	_ =	task.clear_ibuf [dreg:s22], $0x2FFFF;
	_ =	strace $0x9FFFFFFF  }
0xd1: {  	(tm) =	ssettm $0x7FFFFFFF  }
tec
execute0_lowered:
.L_overlay_start_1:
0x0: {  	(tag) =	ssettag $0x1  }
0x1: {  	s5 =	rddreg [dreg:$0x0]  }
0x2: {  	s2 =	rddreg [dreg:$0x1];
	s0 =	stileid.u32  }
0x3: {  	s4 =	srdreg.scid;
	s3 =	simm.s32 $0x0;
	s6 =	smul.u32 $0x13C00, s0  }
0x4: {  	s11 =	sand.u32 $0x1, s4;
	[smem:$0x7FF] =	sst s3;
	s18 =	sshrl.u32 s0, $0x3  }
0x5: {  	s12 =	sadd.s32 $0x4FEC00, s5;
	s13 =	sshll.u32 s0, $0x7;
	s25 =	smul.u32 $0x4F000, s0  }
0x6: {  	s4 =	sadd.s32 $0x3E00, s5;
	s28 =	sshll.u32 s0, $0x6;
	s7 =	smul.u32 $0x27800, s11  }
0x7: {  	s30 =	sshll.u32 s0, $0xB;
	_ =	strace $0x8000004D;
	s8 =	smul.u32 $0x13C00, s18  }
0x8: {  	s9 =	smul.u32 $0x13C000, s11;
	s19 =	sand.u32 $0x380, s13;
	s22 =	sshll.u32 s11, $0x4  }
0x9: {  	s23 =	ssub.s32 $0x2, s11;
	s17 =	sshll.u32 s11, $0xB;
	s11 =	sshll.u32 s11, $0xF  }
0xa: {  	s10 =	sshrl.u32 s6, $0x3;
	s24 =	sor.u32 s0, s22;
	s15 =	sshrl.u32 s23, $0x1  }
0xb: {  	s26 =	sshrl.u32 s25, $0x2;
	s17 =	sor.u32 s13, s17;
	s22 =	simm.s32 $0x400  }
0xc: {  	s7 =	sadd.s32 s7, s8;
	s6 =	sadd.s32 s6, s9;
	s20 =	sadd.s32 s10, s5  }
0xd: {  	p0 =	slt.u32 s24, $0x2;
	s15 =	ssub.s32 s23, s15;
	s16 =	sadd.s32 s26, s2  }
0xe: {  	s29 =	sshll.u32 s24, $0x4;
	s9 =	sshll.u32 s24, $0xB;
	s18 =	sor.u32 $0x1000, s17  }
0xf: {  	s23 =	simm.s32 $0x8100;
	s7 =	sor.u32 s19, s7;
	s6 =	sshrl.u32 s6, $0x3  }
0x10: {  	s8 =	sadd.s32 s4, s29;
	s9 =	sadd.s32 s12, s9;
	s12 =	sadd.s32 s11, s12  }
0x11: {  	s31 =	sshrl.u32 s18, $0x3;
	s16 =	sshrl.u32 s16, $0x3;
	s18 =	simm.s32 $0x100  }
0x12: {  	s19 =	simm.s32 $0x3;
	s7 =	sshrl.u32 s7, $0x3;
	s21 =	sadd.s32 s6, s5  }
0x13: {  	s6 =	sadd.s32 $0x8E00, s20;
	s13 =	sadd.s32 s30, s12;
	s12 =	smax.u32 s15, $0x1  }
0x14: {  	s15 =	sor.u32 $0x2000, s17;
	s17 =	simm.s32 $0x5;
	s20 =	simm.s32 $0x4  }
0x15: {  	s14 =	sadd.s32 s7, s5;
	s5 =	simm.s32 $0x28;
	s7 =	sor.u32 $0x1C05, s28  }
0x16: {  	s10 =	sadd.s32 $0x3A400, s21;
	s13 =	sadd.s32 $0x10000, s13;
	s21 =	simm.s32 $0x80  }
0x17: {  	v0 =	vimm.f32 $0.0e+00;
	s5 =	simm.s32 @!p0 $0x27;
	s11 =	sadd.s32 $0x30600, s14;
	s14 =	sadd.s32 s31, s4  }
.LBB2_1:
0x18: {  	[spmem:s16], [sflag:s7] =	dma.local [hbm:s6], $0x2780  }
0x19: {  	_ =	swait.ge [sflag:s17], $0x2780  }
0x1a: {  	[sflag:s17] =	ssyncset.done $0x0  }
0x1b: {  	s24 =	simm.s32 $0x40;
	s25 =	simm.s32 $0x0;
	[sflag:s17] =	ssyncadd.s32 $0xFFFFD880  }
.LBB2_2:
0x1c: {  	p0 =	sne.s32 s24, $0x9DC0;
	[tilespmem:s25+$0x8100] =	vst v0;
	s25 =	smov.u32 s24;
	s24 =	sadd.s32 $0x40, s24  }
.Ltmp0:
0x1d: {  	(pc) =	sbr.rel @p0 .LBB2_2-.Ltmp0, $2  }
0x1e: {  	_ =	sdelay $0x2  }
0x1f: {  	s25 =	sshra.s32 s25, $0x2  }
0x20: {  	[tilespmem:s25+$0x8100] =	vst v0  }
0x21: {  	s24 =	simm.s32 $0x0;
	[bflag:$0x0] =	sbarrier.arrive $0xFFFF  }
0x22: {  	[tilespmem:s24], [sflag:$0x1] =	stream.linear.gather [hbm4b:s8+s24], $0x80, $0x38;
	[tilespmem:$0x1E480] =	vst v63  }
0x23: {  	s25 =	smov.u32 s15;
	s26 =	smov.u32 s14;
	s28 =	smov.u32 s13  }
0x24: {  	[tilespmem:s18], [sflag:$0x1] =	stream.linear.gather [hbm4b:s9+s24], $0x4000, $0x38;
	[tilespmem:$0x1E480] =	vst v63  }
.LBB2_4:
0x25: {  	s29 =	sadd.s32 $0x1, s24  }
0x26: {  	p0 =	sge.u32 s29, s5  }
0x27: {  	p1 =	seq.s32 @!p0 s24, $0x0  }
0x28: {  	p1 =	por p1, p0  }
0x29: {  	s29 =	simm.s32 @!p1 $0x4  }
0x2a: {  	_ =	swait.ge @!p1 [sflag:s29], $0x4000  }
0x2b: {  	[sflag:s29] =	ssyncset.done @!p1 $0x0  }
0x2c: {  	s30 =	simm.s32 @!p0 $0x80;
	[sflag:s29] =	ssyncadd.s32 @!p1 $0xFFFFC000;
	s29 =	simm.s32 @!p0 $0x0  }
0x2d: {  	[tilespmem:s30], [sflag:$0x2] =	stream.linear.gather @!p0 [hbm4b:s26+s29], $0x80, $0x38;
	[tilespmem:$0x1E480] =	vst v63  }
0x2e: {  	s31 =	simm.s32 @!p0 $0x4100;
	p1 =	sge.u32 s24, s5  }
0x2f: {  	[tilespmem:s31], [sflag:$0x2] =	stream.linear.gather @!p0 [hbm4b:s28+s29], $0x4000, $0x38;
	[tilespmem:$0x1E480] =	vst v63  }
0x30: {  	s29 =	simm.s32 @!p1 $0x1  }
0x31: {  	_ =	swait.ge @!p1 [sflag:s29], $0x80  }
0x32: {  	[sflag:s29] =	ssyncset.done @!p1 $0x0  }
0x33: {  	[sflag:s29] =	ssyncadd.s32 @!p1 $0xFFFFFF80  }
0x34: {  	_ =	swait.ge @!p1 [sflag:s29], $0x4000  }
0x35: {  	s0 =	simm.s32 @!p1 $0x0;
	[sflag:s29] =	ssyncset.done @!p1 $0x0  }
0x36: {  	s1 =	simm.s32 @!p1 $0x100;
	[sflag:s29] =	ssyncadd.s32 @!p1 $0xFFFFC000;
	s29 =	simm.s32 @!p1 $0x80  }
0x37: {  	[spmem:s2] =	stream.indirect.scatter.add.f32 @!p1 [tilespmem:s1], [sflag:$0x3], $0x80, s0, s29, $0xb8;
	[tilespmem:$0x1E480] =	vst v63  }
0x38: {  	v1 =	vld @!p1 [tilespmem:$0x0];
	_ =	sdelay $0x6  }
0x39: {  	v2 =	vimm.f32 @!p1 $1.000000000e+00;
	s0 =	simm.s32 @!p1 $0x8100  }
0x3a: {  	[tilespmem:v1+s0+$0x0] =	vst.idx.add.f32.msk @!p1 $0xffff, v2  }
0x3b: {  	v1 =	vld @!p1 [tilespmem:$0x10];
	_ =	sdelay $0x7  }
0x3c: {  	[tilespmem:v1+s0+$0x0] =	vst.idx.add.f32.msk @!p1 $0xffff, v2  }
0x3d: {  	v1 =	vld @!p1 [tilespmem:$0x20];
	_ =	sdelay $0x7  }
0x3e: {  	[tilespmem:v1+s0+$0x0] =	vst.idx.add.f32.msk @!p1 $0xffff, v2  }
0x3f: {  	v1 =	vld @!p1 [tilespmem:$0x30];
	_ =	sdelay $0x7  }
0x40: {  	[tilespmem:v1+s0+$0x0] =	vst.idx.add.f32.msk @!p1 $0xffff, v2  }
0x41: {  	v1 =	vld @!p1 [tilespmem:$0x40];
	_ =	sdelay $0x7  }
0x42: {  	[tilespmem:v1+s0+$0x0] =	vst.idx.add.f32.msk @!p1 $0xffff, v2  }
0x43: {  	v1 =	vld @!p1 [tilespmem:$0x50];
	_ =	sdelay $0x7  }
0x44: {  	[tilespmem:v1+s0+$0x0] =	vst.idx.add.f32.msk @!p1 $0xffff, v2  }
0x45: {  	v1 =	vld @!p1 [tilespmem:$0x60];
	_ =	sdelay $0x7  }
0x46: {  	[tilespmem:v1+s0+$0x0] =	vst.idx.add.f32.msk @!p1 $0xffff, v2  }
0x47: {  	v1 =	vld @!p1 [tilespmem:$0x70];
	_ =	sdelay $0x4  }
0x48: {  	s1 =	sadd.s32 @!p0 $0x2, s24  }
0x49: {  	p2 =	sge.u32 @!p0 s1, s5  }
0x4a: {  	p2 =	por p2, p0  }
0x4b: {  	[tilespmem:v1+s0+$0x0] =	vst.idx.add.f32.msk @!p1 $0xffff, v2;
	s0 =	simm.s32 @!p2 $0x3  }
0x4c: {  	_ =	swait.ge @!p2 [sflag:s0], $0x4000  }
0x4d: {  	s1 =	sshrl.u32 @!p2 s25, $0x3;
	[sflag:s0] =	ssyncset.done @!p2 $0x0  }
0x4e: {  	[sflag:s0] =	ssyncadd.s32 @!p2 $0xFFFFC000;
	s0 =	sadd.s32 @!p2 s4, s1;
	s1 =	simm.s32 @!p2 $0x0  }
0x4f: {  	[tilespmem:s1], [sflag:$0x1] =	stream.linear.gather @!p2 [hbm4b:s0+s1], $0x80, $0x38;
	[tilespmem:$0x1E480] =	vst v63  }
0x50: {  	s29 =	simm.s32 @!p2 $0x100;
	s0 =	sadd.s32 @!p2 $0x10000, s28  }
0x51: {  	[tilespmem:s29], [sflag:$0x1] =	stream.linear.gather @!p2 [hbm4b:s0+s1], $0x4000, $0x38;
	[tilespmem:$0x1E480] =	vst v63  }
0x52: {  	s0 =	simm.s32 @!p0 $0x2  }
0x53: {  	_ =	swait.ge @!p0 [sflag:s0], $0x80  }
0x54: {  	[sflag:s0] =	ssyncset.done @!p0 $0x0  }
0x55: {  	[sflag:s0] =	ssyncadd.s32 @!p0 $0xFFFFFF80  }
0x56: {  	_ =	swait.ge @!p0 [sflag:s0], $0x4000  }
0x57: {  	[sflag:s0] =	ssyncset.done @!p0 $0x0  }
0x58: {  	[sflag:s0] =	ssyncadd.s32 @!p0 $0xFFFFC000  }
0x59: {  	[spmem:s2] =	stream.indirect.scatter.add.f32 @!p0 [tilespmem:s31], [sflag:$0x4], $0x80, s30, s30, $0xb8;
	[tilespmem:$0x1E480] =	vst v63  }
0x5a: {  	v1 =	vld @!p0 [tilespmem:$0x80];
	_ =	sdelay $0x6  }
0x5b: {  	v2 =	vimm.f32 @!p0 $1.000000000e+00;
	s0 =	simm.s32 @!p0 $0x8100  }
0x5c: {  	[tilespmem:v1+s0+$0x0] =	vst.idx.add.f32.msk @!p0 $0xffff, v2  }
0x5d: {  	v1 =	vld @!p0 [tilespmem:$0x90];
	_ =	sdelay $0x7  }
0x5e: {  	[tilespmem:v1+s0+$0x0] =	vst.idx.add.f32.msk @!p0 $0xffff, v2  }
0x5f: {  	v1 =	vld @!p0 [tilespmem:$0xA0];
	_ =	sdelay $0x7  }
0x60: {  	[tilespmem:v1+s0+$0x0] =	vst.idx.add.f32.msk @!p0 $0xffff, v2  }
0x61: {  	v1 =	vld @!p0 [tilespmem:$0xB0];
	_ =	sdelay $0x7  }
0x62: {  	[tilespmem:v1+s0+$0x0] =	vst.idx.add.f32.msk @!p0 $0xffff, v2  }
0x63: {  	v1 =	vld @!p0 [tilespmem:$0xC0];
	_ =	sdelay $0x7  }
0x64: {  	[tilespmem:v1+s0+$0x0] =	vst.idx.add.f32.msk @!p0 $0xffff, v2  }
0x65: {  	v1 =	vld @!p0 [tilespmem:$0xD0];
	_ =	sdelay $0x7  }
0x66: {  	[tilespmem:v1+s0+$0x0] =	vst.idx.add.f32.msk @!p0 $0xffff, v2  }
0x67: {  	v1 =	vld @!p0 [tilespmem:$0xE0];
	_ =	sdelay $0x7  }
0x68: {  	[tilespmem:v1+s0+$0x0] =	vst.idx.add.f32.msk @!p0 $0xffff, v2  }
0x69: {  	v1 =	vld @!p0 [tilespmem:$0xF0];
	_ =	sdelay $0x1  }
0x6a: {  	s24 =	sadd.s32 $0x2, s24  }
0x6b: {  	p1 =	sne.s32 s24, $0x28  }
.Ltmp1:
0x6c: {  	_ = 	snop;
	(pc) =	sbr.rel @p1 .LBB2_4-.Ltmp1, $2  }
0x6d: {  	_ =	sdelay $0x2  }
0x6e: {  	s26 =	sadd.s32 $0x400, s26;
	s25 =	sadd.s32 $0x2000, s25;
	s28 =	sadd.s32 $0x20000, s28;
	[tilespmem:v1+s0+$0x0] =	vst.idx.add.f32.msk @!p0 $0xffff, v2  }
0x6f: {  	_ =	swait.ge [sflag:s19], $0x4000  }
0x70: {  	[sflag:s19] =	ssyncset.done $0x0  }
0x71: {  	[sflag:s19] =	ssyncadd.s32 $0xFFFFC000  }
0x72: {  	_ =	swait.ge [sflag:s20], $0x4000  }
0x73: {  	[sflag:s20] =	ssyncset.done $0x0  }
0x74: {  	[sflag:s20] =	ssyncadd.s32 $0xFFFFC000  }
0x75: {  	[bflag:$0x0] =	sbarrier.arrive $0xFFFF  }
0x76: {  	[hbm:s10], [sflag:s7] =	dma.local [spmem:s16], $0x2780  }
0x77: {  	s3 =	sadd.s32 $0x1, s3;
	_ =	swait.ge [sflag:s17], $0x2780  }
0x78: {  	p0 =	sne.s32 s3, s12;
	[sflag:s17] =	ssyncset.done $0x0  }
.Ltmp2:
0x79: {  	[sflag:s17] =	ssyncadd.s32 $0xFFFFD880;
	(pc) =	sbr.rel @p0 .LBB2_1-.Ltmp2, $4  }
0x7a: {  	[hbm4b:s11+s21] =	stream.strided.scatter [tilespmem:s23], [sflag:$0x5], $0x2780, s22, s21, $0x38;
	[tilespmem:$0x1E480] =	vst v63  }
0x7b: {  	_ =	swait.ge [sflag:s17], $0x2780  }
0x7c: {  	[sflag:s17] =	ssyncset.done $0x0  }
0x7d: {  	[sflag:s17] =	ssyncadd.s32 $0xFFFFD880  }
0x7e: {  	_ =	sfence.sel $0x180000  }
0x7f: {  	[bflag:$0x0] =	sbarrier.arrive $0xFFFF  }
0x80: {  	_ =	strace $0x9000004D  }
0x81: {  	s0 =	stileid.u32;
	[bflag:$0x2] =	sbarrier.arrive $0xFFFF  }
0x82: {  	p0 =	sne.s32 s0, $0x0;
	s0 =	rddreg [dreg:$0x2]  }
0x83: {  	s0 =	sadd.s32 @!p0 $0x100000, s0  }
0x84: {  	[sflag:s0] =	ssyncadd.tile.s32 @!p0 $0x1;
	_ =	shalt  }
.Lfunc_end2:
_tile_overlayer_lowered:
.L_overlay_start_2:
0x85: {  	(tag) =	ssettag $0x2  }
0x86: {  	s0 =	rddreg [dreg:$0x0];
	s2 =	stileid.u32  }
0x87: {  	s1 =	rddreg [dreg:$0x1];
	p0 =	sne.s32 s2, $0x0  }
0x88: {  	s3 =	rddreg [dreg:$0x2];
	[bflag:$0x3] =	sbarrier.arrive $0xFFFF;
	s2 =	simm.s32 @!p0 $0x1C05  }
0x89: {  	[timem:s3], [sflag:s2] =	dma.local @!p0 [hbm:s0], s1  }
0x8a: {  	s0 =	simm.s32 @!p0 $0x5  }
0x8b: {  	_ =	swait.ge @!p0 [sflag:s0], s1  }
0x8c: {  	s1 =	ssub.s32 @!p0 $0x0, s1;
	[sflag:s0] =	ssyncset.done @!p0 $0x0  }
0x8d: {  	[sflag:s0] =	ssyncadd.s32 @!p0 s1  }
0x8e: {  	[bflag:$0x3] =	sbarrier.arrive $0xFFFF  }
0x8f: {  	_ =	shalt  }

</sc_bundles>
